<compile_context>
chip_gen: v7x
topology: tpu7x:2x2x1
jax: 0.10.2.dev20260603
libtpu: 0.0.44.dev20260713+nightly
codegen_flags: <defaults>
</compile_context>

<pallas_src>
import functools
import math

import jax
import jax.numpy as jnp
from jax import lax
from jax.experimental import pallas as pl
from jax.experimental.pallas import tpu as pltpu
from jax.experimental.pallas import tpu_sc as plsc

NC = 2
NS = 16
NW = NC * NS
ECHUNK = 128


def _npad(n):
    return (n // 128 + 1) * 128


def _make_agg(n_nodes, half, chunks):
    npad = _npad(n_nodes)
    rows_per_tile = npad // NS
    mesh = plsc.VectorSubcoreMesh(core_axis_name="c", subcore_axis_name="s")

    @functools.partial(
        pl.kernel,
        out_type=jax.ShapeDtypeStruct((NC, npad, half), jnp.float32),
        mesh=mesh,
        scratch_types=[
            pltpu.VMEM((chunks, ECHUNK), jnp.int32),
            pltpu.VMEM((chunks, ECHUNK), jnp.int32),
            pltpu.VMEM((2, ECHUNK, half), jnp.float32),
            pltpu.VMEM_SHARED((npad, half), jnp.float32),
            pltpu.SemaphoreType.DMA,
            pltpu.SemaphoreType.DMA,
        ],
        compiler_params=pltpu.CompilerParams(use_tc_tiling_on_sc=False),
    )
    def agg(h2_hbm, src_hbm, dst_hbm, zero_hbm, out_hbm,
            src_v, dst_v, rows_v, acc_sh, sem0, sem1):
        c = lax.axis_index("c")
        s = lax.axis_index("s")
        sems = (sem0, sem1)

        pltpu.sync_copy(src_hbm.at[c * NS + s], src_v)
        pltpu.sync_copy(dst_hbm.at[s], dst_v)
        for b in range(2):
            pltpu.async_copy(h2_hbm.at[src_v.at[b]], rows_v.at[b], sems[b])
        row0 = s * rows_per_tile
        pltpu.sync_copy(zero_hbm.at[pl.ds(row0, rows_per_tile)],
                        acc_sh.at[pl.ds(row0, rows_per_tile)])
        plsc.subcore_barrier()

        def pair(p, carry):
            for b in range(2):
                j = 2 * p + b
                pltpu.make_async_copy(h2_hbm.at[src_v.at[j]],
                                      rows_v.at[b], sems[b]).wait()
                pltpu.sync_copy(rows_v.at[b], acc_sh.at[dst_v.at[j]],
                                add=True)
                nxt = j + 2

                @pl.when(nxt < chunks)
                def _():
                    pltpu.async_copy(h2_hbm.at[src_v.at[nxt]],
                                     rows_v.at[b], sems[b])
            return carry

        lax.fori_loop(0, chunks // 2, pair, 0)
        plsc.subcore_barrier()
        pltpu.sync_copy(acc_sh.at[pl.ds(row0, rows_per_tile)],
                        out_hbm.at[c, pl.ds(row0, rows_per_tile)])

    return agg


def _make_agg_sp(n_nodes, half, chunks, tpad):
    npad = _npad(n_nodes)
    rows_per_tile = npad // NS
    tab_per_tile = tpad // NS
    mesh = plsc.VectorSubcoreMesh(core_axis_name="c", subcore_axis_name="s")

    @functools.partial(
        pl.kernel,
        out_type=jax.ShapeDtypeStruct((NC, npad, half), jnp.float32),
        mesh=mesh,
        scratch_types=[
            pltpu.VMEM((chunks, ECHUNK), jnp.int32),
            pltpu.VMEM((chunks, ECHUNK), jnp.int32),
            pltpu.VMEM((2, ECHUNK, half), jnp.float32),
            pltpu.VMEM_SHARED((tpad, half), jnp.float32),
            pltpu.VMEM_SHARED((npad, half), jnp.float32),
            pltpu.SemaphoreType.DMA,
            pltpu.SemaphoreType.DMA,
        ],
        compiler_params=pltpu.CompilerParams(use_tc_tiling_on_sc=False),
    )
    def agg(h2_hbm, src_hbm, dst_hbm, zero_hbm, out_hbm,
            src_v, dst_v, rows_v, tab_sh, acc_sh, sem0, sem1):
        c = lax.axis_index("c")
        s = lax.axis_index("s")
        sems = (sem0, sem1)

        pltpu.sync_copy(src_hbm.at[c * NS + s], src_v)
        pltpu.sync_copy(dst_hbm.at[s], dst_v)
        trow0 = s * tab_per_tile
        pltpu.sync_copy(h2_hbm.at[pl.ds(trow0, tab_per_tile)],
                        tab_sh.at[pl.ds(trow0, tab_per_tile)])
        row0 = s * rows_per_tile
        pltpu.sync_copy(zero_hbm.at[pl.ds(row0, rows_per_tile)],
                        acc_sh.at[pl.ds(row0, rows_per_tile)])
        plsc.subcore_barrier()
        for b in range(2):
            pltpu.async_copy(tab_sh.at[src_v.at[b]], rows_v.at[b], sems[b])

        def pair(p, carry):
            for b in range(2):
                j = 2 * p + b
                pltpu.make_async_copy(tab_sh.at[src_v.at[j]],
                                      rows_v.at[b], sems[b]).wait()
                pltpu.sync_copy(rows_v.at[b], acc_sh.at[dst_v.at[j]],
                                add=True)
                nxt = j + 2

                @pl.when(nxt < chunks)
                def _():
                    pltpu.async_copy(tab_sh.at[src_v.at[nxt]],
                                     rows_v.at[b], sems[b])
            return carry

        lax.fori_loop(0, chunks // 2, pair, 0)
        plsc.subcore_barrier()
        pltpu.sync_copy(acc_sh.at[pl.ds(row0, rows_per_tile)],
                        out_hbm.at[c, pl.ds(row0, rows_per_tile)])

    return agg


def _make_deg(n_nodes, chunks32):
    npad = _npad(n_nodes)
    colw = -(-(npad // NS) // 16) * 16
    npad2 = colw * NS
    mesh = plsc.VectorSubcoreMesh(core_axis_name="c", subcore_axis_name="s")

    @functools.partial(
        pl.kernel,
        out_type=jax.ShapeDtypeStruct((NC, npad2), jnp.float32),
        mesh=mesh,
        scratch_types=[
            pltpu.VMEM((chunks32, ECHUNK), jnp.int32),
            pltpu.VMEM((npad2,), jnp.float32),
            pltpu.VMEM((NS, colw), jnp.float32),
            pltpu.VMEM_SHARED((NS, npad2), jnp.float32),
        ],
        compiler_params=pltpu.CompilerParams(use_tc_tiling_on_sc=False,
                                             needs_layout_passes=False),
    )
    def deg(dst_hbm, out_hbm, dst_v, part_v, red_v, shared_sh):
        c = lax.axis_index("c")
        s = lax.axis_index("s")
        w = c * NS + s
        pltpu.sync_copy(dst_hbm.at[w], dst_v)

        zeros16 = jnp.zeros((16,), jnp.float32)
        ones16 = jnp.ones((16,), jnp.float32)

        def zbody(i, carry):
            part_v[pl.ds(i * 16, 16)] = zeros16
            return carry

        lax.fori_loop(0, npad2 // 16, zbody, 0)

        def cbody(j, carry):
            for k in range(ECHUNK // 16):
                idx = dst_v[j, pl.ds(k * 16, 16)]
                plsc.addupdate_scatter(part_v, [idx], ones16)
            return carry

        lax.fori_loop(0, chunks32, cbody, 0)
        pltpu.sync_copy(part_v, shared_sh.at[s])
        plsc.subcore_barrier()

        col0 = s * colw
        pltpu.sync_copy(shared_sh.at[:, pl.ds(col0, colw)], red_v)

        def rbody(k, carry):
            acc = red_v[0, pl.ds(k * 16, 16)]
            for rr in range(1, NS):
                acc = acc + red_v[rr, pl.ds(k * 16, 16)]
            part_v[pl.ds(k * 16, 16)] = acc
            return carry

        lax.fori_loop(0, colw // 16, rbody, 0)
        pltpu.sync_copy(part_v.at[pl.ds(0, colw)],
                        out_hbm.at[c, pl.ds(col0, colw)])

    return deg


def _silu(v):
    return v * (1.0 / (1.0 + jnp.exp(-v)))


def _rblk(n):
    for b in (2000, 1000, 500, 250, 200, 125, 100, 50, 40, 25, 20, 10, 8):
        if n % b == 0:
            return b
    return n


def _make_dense_stages(n, d):
    r = _rblk(n)
    grid = (n // r,)
    f32 = jnp.float32
    half = d // 2

    def rows(h):
        return pl.BlockSpec((r, h), lambda i: (i, 0))

    def urows(h):
        return pl.BlockSpec((2, r, h), lambda i: (0, i, 0))


    def full(*shape):
        return pl.BlockSpec(shape, lambda i: tuple(0 for _ in shape))

    def dis_blk(deg_ref):
        return lax.rsqrt(deg_ref[...] + 1.0)

    def dot(a, b):
        return jnp.dot(a, b, preferred_element_type=f32)

    def s0_body(t_ref, noise_ref, wt0, bt0, wt1, bt1, wd0, q1_ref):
        tt = t_ref[...].astype(f32)
        k = lax.broadcasted_iota(jnp.int32, (1, half), 1).astype(f32)
        freq = jnp.exp(k * (-math.log(10000.0) / (half - 1)))
        ang = tt * freq
        emb = jnp.concatenate([jnp.sin(ang), jnp.cos(ang)], axis=1)
        e1 = _silu(dot(emb, wt0[...]) + bt0[...])
        x_t = noise_ref[...] + dot(e1, wt1[...]) + bt1[...]
        q1_ref[...] = dot(x_t, wd0[...])

    s0 = pl.pallas_call(
        s0_body,
        grid=grid,
        in_specs=[rows(1), rows(d), full(d, d), full(1, d),
                  full(d, d), full(1, d), full(d, d)],
        out_specs=rows(d),
        out_shape=jax.ShapeDtypeStruct((n, d), f32),
    )

    def s1_body(u_ref, p1_ref, degp_ref, bd0, wd1, h1_ref, p2_ref):
        dis = dis_blk(degp_ref)
        ucat = jnp.concatenate([u_ref[0], u_ref[1]], axis=1)
        h1 = _silu(dis * (ucat + p1_ref[...]) + bd0[...])
        h1_ref[...] = h1
        p2_ref[...] = dis * dot(h1, wd1[...])

    s1 = pl.pallas_call(
        s1_body,
        grid=grid,
        in_specs=[urows(half), rows(d), rows(1), full(1, d), full(d, half)],
        out_specs=[rows(d), rows(half)],
        out_shape=[jax.ShapeDtypeStruct((n, d), f32),
                   jax.ShapeDtypeStruct((n, half), f32)],
    )

    def s2_body(u_ref, p2_ref, degp_ref, bd1, p3_ref):
        dis = dis_blk(degp_ref)
        ucat = jnp.concatenate([u_ref[0], u_ref[1]], axis=1)
        h2 = _silu(dis * (ucat + p2_ref[...]) + bd1[...])
        p3_ref[...] = dis * h2

    s2 = pl.pallas_call(
        s2_body,
        grid=grid,
        in_specs=[urows(half // 2), rows(half), rows(1), full(1, half)],
        out_specs=rows(half),
        out_shape=jax.ShapeDtypeStruct((n, half), f32),
    )

    def s3_body(u_ref, p3_ref, h1_ref, degp_ref, wu0, bu0, wu1a, wu1b,
                p4_ref):
        dis = dis_blk(degp_ref)
        ucat = jnp.concatenate([u_ref[0], u_ref[1]], axis=1)
        h3 = _silu(dis * dot(ucat + p3_ref[...], wu0[...]) + bu0[...])
        p4_ref[...] = dis * (dot(h3, wu1a[...]) + dot(h1_ref[...], wu1b[...]))

    s3 = pl.pallas_call(
        s3_body,
        grid=grid,
        in_specs=[urows(half // 2), rows(half), rows(d), rows(1),
                  full(half, d), full(1, d), full(d, d), full(d, d)],
        out_specs=rows(d),
        out_shape=jax.ShapeDtypeStruct((n, d), f32),
    )

    def s4_body(u_ref, p4_ref, degp_ref, bu1, out_ref):
        dis = dis_blk(degp_ref)
        ucat = jnp.concatenate([u_ref[0], u_ref[1]], axis=1)
        out_ref[...] = _silu(dis * (ucat + p4_ref[...]) + bu1[...])

    s4 = pl.pallas_call(
        s4_body,
        grid=grid,
        in_specs=[urows(half), rows(d), rows(1), full(1, d)],
        out_specs=rows(d),
        out_shape=jax.ShapeDtypeStruct((n, d), f32),
    )

    return s0, s1, s2, s3, s4


def kernel(x, noise_graph_X_t, edge_index, t,
           W_t0, b_t0, W_t1, b_t1,
           W_d0, b_d0, W_d1, b_d1,
           W_u0, b_u0, W_u1, b_u1):
    n = x.shape[0]
    d = x.shape[1]
    e = edge_index.shape[1]
    npad = _npad(n)

    chunks = 2 * (-(-e // (NS * ECHUNK * 2)))
    ep = NS * ECHUNK * chunks
    pad = ep - e
    src = jnp.concatenate([edge_index[0], jnp.zeros((pad,), jnp.int32)])
    dst = jnp.concatenate([edge_index[1], jnp.full((pad,), n, jnp.int32)])
    src2 = (2 * src)[None, :] + jnp.arange(2, dtype=jnp.int32)[:, None]
    src2 = src2.reshape(2 * NS, chunks, ECHUNK)
    dst16 = dst.reshape(NS, chunks, ECHUNK)

    chunks32 = -(-e // (NW * ECHUNK))
    epd = NW * ECHUNK * chunks32
    dst32 = jnp.concatenate(
        [edge_index[1], jnp.full((epd - e,), n, jnp.int32)]
    ).reshape(NW, chunks32, ECHUNK)

    zeros64 = jnp.zeros((npad, d // 2), jnp.float32)
    zeros32 = jnp.zeros((npad, d // 4), jnp.float32)

    tpad = -(-2 * n // (NS * 8)) * NS * 8
    agg128 = _make_agg(n, d // 2, chunks)
    agg64 = _make_agg_sp(n, d // 4, chunks, tpad)
    degk = _make_deg(n, chunks32)

    def agg(p, aggk, zeros):
        f = p.shape[1]
        h2 = p.reshape(2 * n, f // 2)
        if aggk is agg64:
            h2 = jnp.pad(h2, ((0, tpad - 2 * n), (0, 0)))
        return aggk(h2, src2, dst16, zeros)

    s0, s1, s2, s3, s4 = _make_dense_stages(n, d)

    degout = degk(dst32)
    degn = (degout[0, :n] + degout[1, :n]).reshape(n, 1)

    row = lambda v: v.reshape(1, -1)
    q1 = s0(t.reshape(n, 1), noise_graph_X_t,
            W_t0, row(b_t0), W_t1, row(b_t1), W_d0)
    p1 = lax.rsqrt(degn + 1.0) * q1
    u1 = agg(p1, agg128, zeros64)
    h1, p2 = s1(u1, p1, degn, row(b_d0), W_d1)
    u2 = agg(p2, agg64, zeros32)
    p3 = s2(u2, p2, degn, row(b_d1))
    u3 = agg(p3, agg64, zeros32)
    p4 = s3(u3, p3, h1, degn, W_u0, row(b_u0), W_u1[:d], W_u1[d:])
    u4 = agg(p4, agg128, zeros64)
    return s4(u4, p4, degn, row(b_u1))

# --- scband reference (transcript-rebuilt; emitter-appended) ---
"""Pipeline reference for scband-cgen-ga-57604101373956 (READ-ONLY COPY).

The authoritative reference and input builder live on the scoring server;
editing this copy changes nothing except your own understanding.
"""

import jax, jax.numpy as jnp
import numpy as np
import math

N = 10000
E = 320000
D = 128
G = 128


def get_timestep_embedding(t, dim):
    half = dim // 2
    emb = math.log(10000.0) / (half - 1)
    emb = jnp.exp(jnp.arange(half, dtype=jnp.float32) * -emb)
    emb = t.astype(jnp.float32)[:, None] * emb[None, :]
    emb = jnp.concatenate([jnp.sin(emb), jnp.cos(emb)], axis=1)
    if dim % 2 == 1:
        emb = jnp.pad(emb, ((0, 0), (0, 1)))
    return emb


def silu(x):
    return x * jax.nn.sigmoid(x)


def gcn_conv(x, src, dst, W, b, n):
    # GCNConv with symmetric normalization and self-loops (loops added by caller)
    h = x @ W
    deg = jnp.zeros((n,), jnp.float32).at[dst].add(1.0)
    dis = jnp.where(deg > 0, 1.0 / jnp.sqrt(deg), 0.0)
    coef = dis[src] * dis[dst]
    out = jax.ops.segment_sum(h[src] * coef[:, None], dst, num_segments=n)
    return out + b


def setup_inputs(seed: int = 0):
    key = jax.random.key(seed)
    ks = jax.random.split(key, 12)

    def w(k, shape, fan_in):
        return jax.random.normal(k, shape, dtype=jnp.float32) / math.sqrt(fan_in)

    inp = {
        "x": jax.random.normal(ks[0], (N, D), dtype=jnp.float32),
        "noise_graph_X_t": jax.random.normal(ks[1], (N, D), dtype=jnp.float32),
        "edge_index": jax.random.randint(ks[2], (2, E), 0, N, dtype=jnp.int32),
        "t": jax.random.randint(ks[3], (N,), 0, 1000, dtype=jnp.int32),
        "W_t0": w(ks[4], (D, D), D), "b_t0": jnp.zeros((D,), jnp.float32),
        "W_t1": w(ks[5], (D, D), D), "b_t1": jnp.zeros((D,), jnp.float32),
        "W_d0": w(ks[6], (D, G), D), "b_d0": jnp.zeros((G,), jnp.float32),
        "W_d1": w(ks[7], (G, G // 2), G), "b_d1": jnp.zeros((G // 2,), jnp.float32),
        "W_u0": w(ks[8], (G // 2, G), G // 2), "b_u0": jnp.zeros((G,), jnp.float32),
        "W_u1": w(ks[9], (2 * G, D), 2 * G), "b_u1": jnp.zeros((D,), jnp.float32),
    }
    return inp


def reference(x, noise_graph_X_t, edge_index, t, W_t0, b_t0, W_t1, b_t1, W_d0, b_d0, W_d1, b_d1, W_u0, b_u0, W_u1, b_u1):
    n = x.shape[0]
    loop = jnp.arange(n, dtype=edge_index.dtype)
    src = jnp.concatenate([edge_index[0], loop])
    dst = jnp.concatenate([edge_index[1], loop])
    # time embedding (detached in torch; t is int so no grad anyway)
    time_emb = get_timestep_embedding(t, x.shape[1])
    time_emb = time_emb @ W_t0 + b_t0
    time_emb = silu(time_emb)  # nonlinearity(x) = x * sigmoid(x)
    time_emb = time_emb @ W_t1 + b_t1
    x_t = noise_graph_X_t + time_emb
    # downGNN
    h = silu(gcn_conv(x_t, src, dst, W_d0, b_d0, n))
    res = h
    h = silu(gcn_conv(h, src, dst, W_d1, b_d1, n))
    # upGNN
    h = silu(gcn_conv(h, src, dst, W_u0, b_u0, n))
    h = gcn_conv(jnp.concatenate([h, res], axis=1), src, dst, W_u1, b_u1, n)
    return silu(h)

if __name__ == "__main__":
    import jax
    _d = setup_inputs()
    print(jax.jit(kernel)(*tuple(_d.values())))

</pallas_src>

<mosaic_0001>
#map = affine_map<(d0, d1) -> (0, 0, 0)>
#map1 = affine_map<(d0, d1) -> (0, 0)>
module attributes {stable_mosaic.version = 14 : i64} {
  func.func @deg(%arg0: i32, %arg1: i32, %arg2: memref<32x79x128xi32, #tpu.memory_space<hbm>>, %arg3: memref<2x10240xf32, #tpu.memory_space<hbm>>, %arg4: memref<79x128xi32, #tpu.memory_space<vmem>>, %arg5: memref<10240xf32, #tpu.memory_space<vmem>>, %arg6: memref<16x640xf32, #tpu.memory_space<vmem>>, %arg7: memref<16x10240xf32, #tpu.memory_space<vmem_shared>>) attributes {dimension_semantics = [#tpu.dimension_semantics<core_parallel>, #tpu.dimension_semantics<subcore_parallel>], iteration_bounds = array<i64: 2, 16>, scalar_prefetch = 0 : i64, scratch_operands = 4 : i64, tpu.core_type = #tpu.core_type<sc_vector_subcore>, window_params = [{transform_indices = #map}, {transform_indices = #map1}]} {
    %mul3A = arith.constant 16 : i32
    %mul3A_0 = arith.muli %arg0, %mul3A : i32
    %add3A = arith.addi %mul3A_0, %arg1 : i32
    "tpu.region"() ({
      %run_scoped3A = tpu.sem_alloc : memref<!tpu.dma_semaphore, #tpu.memory_space<semaphore_mem>>
      %dma_start3A = arith.constant 0 : i32
      %dma_start3A_23 = arith.constant 0 : i32
      %dma_start3A_24 = tpu.memref_slice %arg2[%add3A, %dma_start3A, %dma_start3A_23] : memref<32x79x128xi32, #tpu.memory_space<hbm>> -> memref<1x79x128xi32, #tpu.memory_space<hbm>>
      %dma_start3A_25 = tpu.memref_squeeze %dma_start3A_24 : memref<1x79x128xi32, #tpu.memory_space<hbm>> -> memref<79x128xi32, #tpu.memory_space<hbm>>
      %dma_start3A_26 = arith.constant 0 : i32
      %dma_start3A_27 = arith.constant 0 : i32
      %dma_start3A_28 = tpu.memref_slice %arg2[%add3A, %dma_start3A_26, %dma_start3A_27] : memref<32x79x128xi32, #tpu.memory_space<hbm>> -> memref<1x79x128xi32, #tpu.memory_space<hbm>>
      %dma_start3A_29 = tpu.memref_squeeze %dma_start3A_28 : memref<1x79x128xi32, #tpu.memory_space<hbm>> -> memref<79x128xi32, #tpu.memory_space<hbm>>
      tpu.enqueue_dma source(%dma_start3A_29 : memref<79x128xi32, #tpu.memory_space<hbm>>) target(%arg4 : memref<79x128xi32, #tpu.memory_space<vmem>>) target_semaphore(%run_scoped3A : memref<!tpu.dma_semaphore, #tpu.memory_space<semaphore_mem>>)
      %dma_wait3A = arith.constant 0 : i32
      %dma_wait3A_30 = arith.constant 0 : i32
      %dma_wait3A_31 = tpu.memref_slice %arg2[%add3A, %dma_wait3A, %dma_wait3A_30] : memref<32x79x128xi32, #tpu.memory_space<hbm>> -> memref<1x79x128xi32, #tpu.memory_space<hbm>>
      %dma_wait3A_32 = tpu.memref_squeeze %dma_wait3A_31 : memref<1x79x128xi32, #tpu.memory_space<hbm>> -> memref<79x128xi32, #tpu.memory_space<hbm>>
      %dma_wait3A_33 = arith.constant 0 : i32
      %dma_wait3A_34 = arith.constant 0 : i32
      %dma_wait3A_35 = tpu.memref_slice %arg2[%add3A, %dma_wait3A_33, %dma_wait3A_34] : memref<32x79x128xi32, #tpu.memory_space<hbm>> -> memref<1x79x128xi32, #tpu.memory_space<hbm>>
      %dma_wait3A_36 = tpu.memref_squeeze %dma_wait3A_35 : memref<1x79x128xi32, #tpu.memory_space<hbm>> -> memref<79x128xi32, #tpu.memory_space<hbm>>
      tpu.wait_dma2 semaphore(%run_scoped3A : memref<!tpu.dma_semaphore, #tpu.memory_space<semaphore_mem>>) src(%dma_wait3A_36 : memref<79x128xi32, #tpu.memory_space<hbm>>) dst(%arg4 : memref<79x128xi32, #tpu.memory_space<vmem>>)
      tpu.yield
    }) : () -> ()
    %broadcast_in_dim3A = arith.constant 0.000000e+00 : f32
    %broadcast_in_dim3A_1 = vector.broadcast %broadcast_in_dim3A : f32 to vector<16xf32>
    %broadcast_in_dim3A_2 = arith.constant 1.000000e+00 : f32
    %broadcast_in_dim3A_3 = vector.broadcast %broadcast_in_dim3A_2 : f32 to vector<16xf32>
    %scan3A = arith.constant 0 : i32
    %scan3A_4 = arith.constant 0 : i32
    %scan3A_5 = arith.constant 640 : i32
    %scan3A_6 = arith.addi %scan3A_4, %scan3A_5 : i32
    %scan3A_7 = arith.constant 1 : i32
    scf.for %scan3A_23 = %scan3A_4 to %scan3A_6 step %scan3A_7  : i32 {
      %mul3A_24 = arith.constant 16 : i32
      %mul3A_25 = arith.muli %scan3A_23, %mul3A_24 : i32
      %swap3A = arith.index_cast %mul3A_25 : i32 to index
      %swap3A_26 = tpu.vector_load %arg5[%swap3A] {strides = array<i32>} : memref<10240xf32, #tpu.memory_space<vmem>>, vector<16xf32>,
      tpu.vector_store %arg5[%swap3A], %broadcast_in_dim3A_1 {strides = array<i32>} : memref<10240xf32, #tpu.memory_space<vmem>>, vector<16xf32>,
    }
    %scan3A_8 = arith.constant 640 : i32
    %scan3A_9 = arith.constant 0 : i32
    %scan3A_10 = arith.constant 0 : i32
    %scan3A_11 = arith.constant 79 : i32
    %scan3A_12 = arith.addi %scan3A_10, %scan3A_11 : i32
    %scan3A_13 = arith.constant 1 : i32
    scf.for %scan3A_23 = %scan3A_10 to %scan3A_12 step %scan3A_13  : i32 {
      %get3A = arith.index_cast %scan3A_23 : i32 to index
      %get3A_24 = arith.constant 0 : index
      %get3A_25 = tpu.vector_load %arg4[%get3A, %get3A_24] {strides = array<i32>} : memref<79x128xi32, #tpu.memory_space<vmem>>, vector<16xi32>,
      tpu.vector_store_idx %arg5[%get3A_25], %broadcast_in_dim3A_3 {add = true} : memref<10240xf32, #tpu.memory_space<vmem>>[vector<16xi32>], vector<16xf32>,
      %get3A_26 = arith.index_cast %scan3A_23 : i32 to index
      %get3A_27 = arith.constant 16 : index
      %get3A_28 = tpu.vector_load %arg4[%get3A_26, %get3A_27] {strides = array<i32>} : memref<79x128xi32, #tpu.memory_space<vmem>>, vector<16xi32>,
      tpu.vector_store_idx %arg5[%get3A_28], %broadcast_in_dim3A_3 {add = true} : memref<10240xf32, #tpu.memory_space<vmem>>[vector<16xi32>], vector<16xf32>,
      %get3A_29 = arith.index_cast %scan3A_23 : i32 to index
      %get3A_30 = arith.constant 32 : index
      %get3A_31 = tpu.vector_load %arg4[%get3A_29, %get3A_30] {strides = array<i32>} : memref<79x128xi32, #tpu.memory_space<vmem>>, vector<16xi32>,
      tpu.vector_store_idx %arg5[%get3A_31], %broadcast_in_dim3A_3 {add = true} : memref<10240xf32, #tpu.memory_space<vmem>>[vector<16xi32>], vector<16xf32>,
      %get3A_32 = arith.index_cast %scan3A_23 : i32 to index
      %get3A_33 = arith.constant 48 : index
      %get3A_34 = tpu.vector_load %arg4[%get3A_32, %get3A_33] {strides = array<i32>} : memref<79x128xi32, #tpu.memory_space<vmem>>, vector<16xi32>,
      tpu.vector_store_idx %arg5[%get3A_34], %broadcast_in_dim3A_3 {add = true} : memref<10240xf32, #tpu.memory_space<vmem>>[vector<16xi32>], vector<16xf32>,
      %get3A_35 = arith.index_cast %scan3A_23 : i32 to index
      %get3A_36 = arith.constant 64 : index
      %get3A_37 = tpu.vector_load %arg4[%get3A_35, %get3A_36] {strides = array<i32>} : memref<79x128xi32, #tpu.memory_space<vmem>>, vector<16xi32>,
      tpu.vector_store_idx %arg5[%get3A_37], %broadcast_in_dim3A_3 {add = true} : memref<10240xf32, #tpu.memory_space<vmem>>[vector<16xi32>], vector<16xf32>,
      %get3A_38 = arith.index_cast %scan3A_23 : i32 to index
      %get3A_39 = arith.constant 80 : index
      %get3A_40 = tpu.vector_load %arg4[%get3A_38, %get3A_39] {strides = array<i32>} : memref<79x128xi32, #tpu.memory_space<vmem>>, vector<16xi32>,
      tpu.vector_store_idx %arg5[%get3A_40], %broadcast_in_dim3A_3 {add = true} : memref<10240xf32, #tpu.memory_space<vmem>>[vector<16xi32>], vector<16xf32>,
      %get3A_41 = arith.index_cast %scan3A_23 : i32 to index
      %get3A_42 = arith.constant 96 : index
      %get3A_43 = tpu.vector_load %arg4[%get3A_41, %get3A_42] {strides = array<i32>} : memref<79x128xi32, #tpu.memory_space<vmem>>, vector<16xi32>,
      tpu.vector_store_idx %arg5[%get3A_43], %broadcast_in_dim3A_3 {add = true} : memref<10240xf32, #tpu.memory_space<vmem>>[vector<16xi32>], vector<16xf32>,
      %get3A_44 = arith.index_cast %scan3A_23 : i32 to index
      %get3A_45 = arith.constant 112 : index
      %get3A_46 = tpu.vector_load %arg4[%get3A_44, %get3A_45] {strides = array<i32>} : memref<79x128xi32, #tpu.memory_space<vmem>>, vector<16xi32>,
      tpu.vector_store_idx %arg5[%get3A_46], %broadcast_in_dim3A_3 {add = true} : memref<10240xf32, #tpu.memory_space<vmem>>[vector<16xi32>], vector<16xf32>,
    }
    %scan3A_14 = arith.constant 79 : i32
    "tpu.region"() ({
      %run_scoped3A = tpu.sem_alloc : memref<!tpu.dma_semaphore, #tpu.memory_space<semaphore_mem>>
      %dma_start3A = arith.constant 0 : i32
      %dma_start3A_23 = tpu.memref_slice %arg7[%arg1, %dma_start3A] : memref<16x10240xf32, #tpu.memory_space<vmem_shared>> -> memref<1x10240xf32, #tpu.memory_space<vmem_shared>>
      %dma_start3A_24 = tpu.memref_squeeze %dma_start3A_23 : memref<1x10240xf32, #tpu.memory_space<vmem_shared>> -> memref<10240xf32, #tpu.memory_space<vmem_shared>>
      %dma_start3A_25 = arith.constant 0 : i32
      %dma_start3A_26 = tpu.memref_slice %arg7[%arg1, %dma_start3A_25] : memref<16x10240xf32, #tpu.memory_space<vmem_shared>> -> memref<1x10240xf32, #tpu.memory_space<vmem_shared>>
      %dma_start3A_27 = tpu.memref_squeeze %dma_start3A_26 : memref<1x10240xf32, #tpu.memory_space<vmem_shared>> -> memref<10240xf32, #tpu.memory_space<vmem_shared>>
      tpu.enqueue_dma source(%arg5 : memref<10240xf32, #tpu.memory_space<vmem>>) target(%dma_start3A_27 : memref<10240xf32, #tpu.memory_space<vmem_shared>>) target_semaphore(%run_scoped3A : memref<!tpu.dma_semaphore, #tpu.memory_space<semaphore_mem>>)
      %dma_wait3A = arith.constant 0 : i32
      %dma_wait3A_28 = tpu.memref_slice %arg7[%arg1, %dma_wait3A] : memref<16x10240xf32, #tpu.memory_space<vmem_shared>> -> memref<1x10240xf32, #tpu.memory_space<vmem_shared>>
      %dma_wait3A_29 = tpu.memref_squeeze %dma_wait3A_28 : memref<1x10240xf32, #tpu.memory_space<vmem_shared>> -> memref<10240xf32, #tpu.memory_space<vmem_shared>>
      %dma_wait3A_30 = arith.constant 0 : i32
      %dma_wait3A_31 = tpu.memref_slice %arg7[%arg1, %dma_wait3A_30] : memref<16x10240xf32, #tpu.memory_space<vmem_shared>> -> memref<1x10240xf32, #tpu.memory_space<vmem_shared>>
      %dma_wait3A_32 = tpu.memref_squeeze %dma_wait3A_31 : memref<1x10240xf32, #tpu.memory_space<vmem_shared>> -> memref<10240xf32, #tpu.memory_space<vmem_shared>>
      tpu.wait_dma2 semaphore(%run_scoped3A : memref<!tpu.dma_semaphore, #tpu.memory_space<semaphore_mem>>) src(%arg5 : memref<10240xf32, #tpu.memory_space<vmem>>) dst(%dma_wait3A_32 : memref<10240xf32, #tpu.memory_space<vmem_shared>>)
      tpu.yield
    }) : () -> ()
    %barrier3A = arith.constant 0 : index
    tpu.barrier barrier_id(%barrier3A)
    %mul3A_15 = arith.constant 640 : i32
    %mul3A_16 = arith.muli %arg1, %mul3A_15 : i32
    "tpu.region"() ({
      %run_scoped3A = tpu.sem_alloc : memref<!tpu.dma_semaphore, #tpu.memory_space<semaphore_mem>>
      %dma_start3A = arith.constant 0 : i32
      %dma_start3A_23 = tpu.memref_slice %arg7[%dma_start3A, %mul3A_16] : memref<16x10240xf32, #tpu.memory_space<vmem_shared>> -> memref<16x640xf32, #tpu.memory_space<vmem_shared>>
      %dma_start3A_24 = arith.constant 0 : i32
      %dma_start3A_25 = tpu.memref_slice %arg7[%dma_start3A_24, %mul3A_16] : memref<16x10240xf32, #tpu.memory_space<vmem_shared>> -> memref<16x640xf32, #tpu.memory_space<vmem_shared>>
      tpu.enqueue_dma source(%dma_start3A_25 : memref<16x640xf32, #tpu.memory_space<vmem_shared>>) target(%arg6 : memref<16x640xf32, #tpu.memory_space<vmem>>) target_semaphore(%run_scoped3A : memref<!tpu.dma_semaphore, #tpu.memory_space<semaphore_mem>>)
      %dma_wait3A = arith.constant 0 : i32
      %dma_wait3A_26 = tpu.memref_slice %arg7[%dma_wait3A, %mul3A_16] : memref<16x10240xf32, #tpu.memory_space<vmem_shared>> -> memref<16x640xf32, #tpu.memory_space<vmem_shared>>
      %dma_wait3A_27 = arith.constant 0 : i32
      %dma_wait3A_28 = tpu.memref_slice %arg7[%dma_wait3A_27, %mul3A_16] : memref<16x10240xf32, #tpu.memory_space<vmem_shared>> -> memref<16x640xf32, #tpu.memory_space<vmem_shared>>
      tpu.wait_dma2 semaphore(%run_scoped3A : memref<!tpu.dma_semaphore, #tpu.memory_space<semaphore_mem>>) src(%dma_wait3A_28 : memref<16x640xf32, #tpu.memory_space<vmem_shared>>) dst(%arg6 : memref<16x640xf32, #tpu.memory_space<vmem>>)
      tpu.yield
    }) : () -> ()
    %scan3A_17 = arith.constant 0 : i32
    %scan3A_18 = arith.constant 0 : i32
    %scan3A_19 = arith.constant 40 : i32
    %scan3A_20 = arith.addi %scan3A_18, %scan3A_19 : i32
    %scan3A_21 = arith.constant 1 : i32
    scf.for %scan3A_23 = %scan3A_18 to %scan3A_20 step %scan3A_21  : i32 {
      %mul3A_24 = arith.constant 16 : i32
      %mul3A_25 = arith.muli %scan3A_23, %mul3A_24 : i32
      %get3A = arith.constant 0 : i32
      %get3A_26 = arith.index_cast %get3A : i32 to index
      %get3A_27 = arith.index_cast %mul3A_25 : i32 to index
      %get3A_28 = tpu.vector_load %arg6[%get3A_26, %get3A_27] {strides = array<i32>} : memref<16x640xf32, #tpu.memory_space<vmem>>, vector<16xf32>,
      %mul3A_29 = arith.constant 16 : i32
      %mul3A_30 = arith.muli %scan3A_23, %mul3A_29 : i32
      %get3A_31 = arith.constant 1 : i32
      %get3A_32 = arith.index_cast %get3A_31 : i32 to index
      %get3A_33 = arith.index_cast %mul3A_30 : i32 to index
      %get3A_34 = tpu.vector_load %arg6[%get3A_32, %get3A_33] {strides = array<i32>} : memref<16x640xf32, #tpu.memory_space<vmem>>, vector<16xf32>,
      %add3A_35 = arith.addf %get3A_28, %get3A_34 : vector<16xf32>
      %mul3A_36 = arith.constant 16 : i32
      %mul3A_37 = arith.muli %scan3A_23, %mul3A_36 : i32
      %get3A_38 = arith.constant 2 : i32
      %get3A_39 = arith.index_cast %get3A_38 : i32 to index
      %get3A_40 = arith.index_cast %mul3A_37 : i32 to index
      %get3A_41 = tpu.vector_load %arg6[%get3A_39, %get3A_40] {strides = array<i32>} : memref<16x640xf32, #tpu.memory_space<vmem>>, vector<16xf32>,
      %add3A_42 = arith.addf %add3A_35, %get3A_41 : vector<16xf32>
      %mul3A_43 = arith.constant 16 : i32
      %mul3A_44 = arith.muli %scan3A_23, %mul3A_43 : i32
      %get3A_45 = arith.constant 3 : i32
      %get3A_46 = arith.index_cast %get3A_45 : i32 to index
      %get3A_47 = arith.index_cast %mul3A_44 : i32 to index
      %get3A_48 = tpu.vector_load %arg6[%get3A_46, %get3A_47] {strides = array<i32>} : memref<16x640xf32, #tpu.memory_space<vmem>>, vector<16xf32>,
      %add3A_49 = arith.addf %add3A_42, %get3A_48 : vector<16xf32>
      %mul3A_50 = arith.constant 16 : i32
      %mul3A_51 = arith.muli %scan3A_23, %mul3A_50 : i32
      %get3A_52 = arith.constant 4 : i32
      %get3A_53 = arith.index_cast %get3A_52 : i32 to index
      %get3A_54 = arith.index_cast %mul3A_51 : i32 to index
      %get3A_55 = tpu.vector_load %arg6[%get3A_53, %get3A_54] {strides = array<i32>} : memref<16x640xf32, #tpu.memory_space<vmem>>, vector<16xf32>,
      %add3A_56 = arith.addf %add3A_49, %get3A_55 : vector<16xf32>
      %mul3A_57 = arith.constant 16 : i32
      %mul3A_58 = arith.muli %scan3A_23, %mul3A_57 : i32
      %get3A_59 = arith.constant 5 : i32
      %get3A_60 = arith.index_cast %get3A_59 : i32 to index
      %get3A_61 = arith.index_cast %mul3A_58 : i32 to index
      %get3A_62 = tpu.vector_load %arg6[%get3A_60, %get3A_61] {strides = array<i32>} : memref<16x640xf32, #tpu.memory_space<vmem>>, vector<16xf32>,
      %add3A_63 = arith.addf %add3A_56, %get3A_62 : vector<16xf32>
      %mul3A_64 = arith.constant 16 : i32
      %mul3A_65 = arith.muli %scan3A_23, %mul3A_64 : i32
      %get3A_66 = arith.constant 6 : i32
      %get3A_67 = arith.index_cast %get3A_66 : i32 to index
      %get3A_68 = arith.index_cast %mul3A_65 : i32 to index
      %get3A_69 = tpu.vector_load %arg6[%get3A_67, %get3A_68] {strides = array<i32>} : memref<16x640xf32, #tpu.memory_space<vmem>>, vector<16xf32>,
      %add3A_70 = arith.addf %add3A_63, %get3A_69 : vector<16xf32>
      %mul3A_71 = arith.constant 16 : i32
      %mul3A_72 = arith.muli %scan3A_23, %mul3A_71 : i32
      %get3A_73 = arith.constant 7 : i32
      %get3A_74 = arith.index_cast %get3A_73 : i32 to index
      %get3A_75 = arith.index_cast %mul3A_72 : i32 to index
      %get3A_76 = tpu.vector_load %arg6[%get3A_74, %get3A_75] {strides = array<i32>} : memref<16x640xf32, #tpu.memory_space<vmem>>, vector<16xf32>,
      %add3A_77 = arith.addf %add3A_70, %get3A_76 : vector<16xf32>
      %mul3A_78 = arith.constant 16 : i32
      %mul3A_79 = arith.muli %scan3A_23, %mul3A_78 : i32
      %get3A_80 = arith.constant 8 : i32
      %get3A_81 = arith.index_cast %get3A_80 : i32 to index
      %get3A_82 = arith.index_cast %mul3A_79 : i32 to index
      %get3A_83 = tpu.vector_load %arg6[%get3A_81, %get3A_82] {strides = array<i32>} : memref<16x640xf32, #tpu.memory_space<vmem>>, vector<16xf32>,
      %add3A_84 = arith.addf %add3A_77, %get3A_83 : vector<16xf32>
      %mul3A_85 = arith.constant 16 : i32
      %mul3A_86 = arith.muli %scan3A_23, %mul3A_85 : i32
      %get3A_87 = arith.constant 9 : i32
      %get3A_88 = arith.index_cast %get3A_87 : i32 to index
      %get3A_89 = arith.index_cast %mul3A_86 : i32 to index
      %get3A_90 = tpu.vector_load %arg6[%get3A_88, %get3A_89] {strides = array<i32>} : memref<16x640xf32, #tpu.memory_space<vmem>>, vector<16xf32>,
      %add3A_91 = arith.addf %add3A_84, %get3A_90 : vector<16xf32>
      %mul3A_92 = arith.constant 16 : i32
      %mul3A_93 = arith.muli %scan3A_23, %mul3A_92 : i32
      %get3A_94 = arith.constant 10 : i32
      %get3A_95 = arith.index_cast %get3A_94 : i32 to index
      %get3A_96 = arith.index_cast %mul3A_93 : i32 to index
      %get3A_97 = tpu.vector_load %arg6[%get3A_95, %get3A_96] {strides = array<i32>} : memref<16x640xf32, #tpu.memory_space<vmem>>, vector<16xf32>,
      %add3A_98 = arith.addf %add3A_91, %get3A_97 : vector<16xf32>
      %mul3A_99 = arith.constant 16 : i32
      %mul3A_100 = arith.muli %scan3A_23, %mul3A_99 : i32
      %get3A_101 = arith.constant 11 : i32
      %get3A_102 = arith.index_cast %get3A_101 : i32 to index
      %get3A_103 = arith.index_cast %mul3A_100 : i32 to index
      %get3A_104 = tpu.vector_load %arg6[%get3A_102, %get3A_103] {strides = array<i32>} : memref<16x640xf32, #tpu.memory_space<vmem>>, vector<16xf32>,
      %add3A_105 = arith.addf %add3A_98, %get3A_104 : vector<16xf32>
      %mul3A_106 = arith.constant 16 : i32
      %mul3A_107 = arith.muli %scan3A_23, %mul3A_106 : i32
      %get3A_108 = arith.constant 12 : i32
      %get3A_109 = arith.index_cast %get3A_108 : i32 to index
      %get3A_110 = arith.index_cast %mul3A_107 : i32 to index
      %get3A_111 = tpu.vector_load %arg6[%get3A_109, %get3A_110] {strides = array<i32>} : memref<16x640xf32, #tpu.memory_space<vmem>>, vector<16xf32>,
      %add3A_112 = arith.addf %add3A_105, %get3A_111 : vector<16xf32>
      %mul3A_113 = arith.constant 16 : i32
      %mul3A_114 = arith.muli %scan3A_23, %mul3A_113 : i32
      %get3A_115 = arith.constant 13 : i32
      %get3A_116 = arith.index_cast %get3A_115 : i32 to index
      %get3A_117 = arith.index_cast %mul3A_114 : i32 to index
      %get3A_118 = tpu.vector_load %arg6[%get3A_116, %get3A_117] {strides = array<i32>} : memref<16x640xf32, #tpu.memory_space<vmem>>, vector<16xf32>,
      %add3A_119 = arith.addf %add3A_112, %get3A_118 : vector<16xf32>
      %mul3A_120 = arith.constant 16 : i32
      %mul3A_121 = arith.muli %scan3A_23, %mul3A_120 : i32
      %get3A_122 = arith.constant 14 : i32
      %get3A_123 = arith.index_cast %get3A_122 : i32 to index
      %get3A_124 = arith.index_cast %mul3A_121 : i32 to index
      %get3A_125 = tpu.vector_load %arg6[%get3A_123, %get3A_124] {strides = array<i32>} : memref<16x640xf32, #tpu.memory_space<vmem>>, vector<16xf32>,
      %add3A_126 = arith.addf %add3A_119, %get3A_125 : vector<16xf32>
      %mul3A_127 = arith.constant 16 : i32
      %mul3A_128 = arith.muli %scan3A_23, %mul3A_127 : i32
      %get3A_129 = arith.constant 15 : i32
      %get3A_130 = arith.index_cast %get3A_129 : i32 to index
      %get3A_131 = arith.index_cast %mul3A_128 : i32 to index
      %get3A_132 = tpu.vector_load %arg6[%get3A_130, %get3A_131] {strides = array<i32>} : memref<16x640xf32, #tpu.memory_space<vmem>>, vector<16xf32>,
      %add3A_133 = arith.addf %add3A_126, %get3A_132 : vector<16xf32>
      %mul3A_134 = arith.constant 16 : i32
      %mul3A_135 = arith.muli %scan3A_23, %mul3A_134 : i32
      %swap3A = arith.index_cast %mul3A_135 : i32 to index
      %swap3A_136 = tpu.vector_load %arg5[%swap3A] {strides = array<i32>} : memref<10240xf32, #tpu.memory_space<vmem>>, vector<16xf32>,
      tpu.vector_store %arg5[%swap3A], %add3A_133 {strides = array<i32>} : memref<10240xf32, #tpu.memory_space<vmem>>, vector<16xf32>,
    }
    %scan3A_22 = arith.constant 40 : i32
    "tpu.region"() ({
      %run_scoped3A = tpu.sem_alloc : memref<!tpu.dma_semaphore, #tpu.memory_space<semaphore_mem>>
      %dma_start3A = arith.constant 0 : i32
      %dma_start3A_23 = tpu.memref_slice %arg5[%dma_start3A] : memref<10240xf32, #tpu.memory_space<vmem>> -> memref<640xf32, #tpu.memory_space<vmem>>
      %dma_start3A_24 = tpu.memref_slice %arg3[%arg0, %mul3A_16] : memref<2x10240xf32, #tpu.memory_space<hbm>> -> memref<1x640xf32, #tpu.memory_space<hbm>>
      %dma_start3A_25 = tpu.memref_squeeze %dma_start3A_24 : memref<1x640xf32, #tpu.memory_space<hbm>> -> memref<640xf32, #tpu.memory_space<hbm>>
      %dma_start3A_26 = tpu.memref_slice %arg3[%arg0, %mul3A_16] : memref<2x10240xf32, #tpu.memory_space<hbm>> -> memref<1x640xf32, #tpu.memory_space<hbm>>
      %dma_start3A_27 = tpu.memref_squeeze %dma_start3A_26 : memref<1x640xf32, #tpu.memory_space<hbm>> -> memref<640xf32, #tpu.memory_space<hbm>>
      %dma_start3A_28 = arith.constant 0 : i32
      %dma_start3A_29 = tpu.memref_slice %arg5[%dma_start3A_28] : memref<10240xf32, #tpu.memory_space<vmem>> -> memref<640xf32, #tpu.memory_space<vmem>>
      tpu.enqueue_dma source(%dma_start3A_29 : memref<640xf32, #tpu.memory_space<vmem>>) target(%dma_start3A_27 : memref<640xf32, #tpu.memory_space<hbm>>) target_semaphore(%run_scoped3A : memref<!tpu.dma_semaphore, #tpu.memory_space<semaphore_mem>>)
      %dma_wait3A = arith.constant 0 : i32
      %dma_wait3A_30 = tpu.memref_slice %arg5[%dma_wait3A] : memref<10240xf32, #tpu.memory_space<vmem>> -> memref<640xf32, #tpu.memory_space<vmem>>
      %dma_wait3A_31 = tpu.memref_slice %arg3[%arg0, %mul3A_16] : memref<2x10240xf32, #tpu.memory_space<hbm>> -> memref<1x640xf32, #tpu.memory_space<hbm>>
      %dma_wait3A_32 = tpu.memref_squeeze %dma_wait3A_31 : memref<1x640xf32, #tpu.memory_space<hbm>> -> memref<640xf32, #tpu.memory_space<hbm>>
      %dma_wait3A_33 = tpu.memref_slice %arg3[%arg0, %mul3A_16] : memref<2x10240xf32, #tpu.memory_space<hbm>> -> memref<1x640xf32, #tpu.memory_space<hbm>>
      %dma_wait3A_34 = tpu.memref_squeeze %dma_wait3A_33 : memref<1x640xf32, #tpu.memory_space<hbm>> -> memref<640xf32, #tpu.memory_space<hbm>>
      %dma_wait3A_35 = arith.constant 0 : i32
      %dma_wait3A_36 = tpu.memref_slice %arg5[%dma_wait3A_35] : memref<10240xf32, #tpu.memory_space<vmem>> -> memref<640xf32, #tpu.memory_space<vmem>>
      tpu.wait_dma2 semaphore(%run_scoped3A : memref<!tpu.dma_semaphore, #tpu.memory_space<semaphore_mem>>) src(%dma_wait3A_36 : memref<640xf32, #tpu.memory_space<vmem>>) dst(%dma_wait3A_34 : memref<640xf32, #tpu.memory_space<hbm>>)
      tpu.yield
    }) : () -> ()
    return
  }
}

#map = affine_map<(d0, d1) -> (0, 0)>
#map1 = affine_map<(d0, d1) -> (0, 0, 0)>
module attributes {stable_mosaic.version = 14 : i64} {
  func.func @agg(%arg0: i32, %arg1: i32, %arg2: memref<20000x64xf32, #tpu.memory_space<hbm>>, %arg3: memref<32x158x128xi32, #tpu.memory_space<hbm>>, %arg4: memref<16x158x128xi32, #tpu.memory_space<hbm>>, %arg5: memref<10112x64xf32, #tpu.memory_space<hbm>>, %arg6: memref<2x10112x64xf32, #tpu.memory_space<hbm>>, %arg7: memref<158x128xi32, #tpu.memory_space<vmem>>, %arg8: memref<158x128xi32, #tpu.memory_space<vmem>>, %arg9: memref<2x128x64xf32, #tpu.memory_space<vmem>>, %arg10: memref<10112x64xf32, #tpu.memory_space<vmem_shared>>, %arg11: memref<!tpu.dma_semaphore, #tpu.memory_space<semaphore_mem>>, %arg12: memref<!tpu.dma_semaphore, #tpu.memory_space<semaphore_mem>>) attributes {dimension_semantics = [#tpu.dimension_semantics<core_parallel>, #tpu.dimension_semantics<subcore_parallel>], iteration_bounds = array<i64: 2, 16>, scalar_prefetch = 0 : i64, scratch_operands = 6 : i64, tpu.core_type = #tpu.core_type<sc_vector_subcore>, window_params = [{transform_indices = #map}, {transform_indices = #map1}, {transform_indices = #map1}, {transform_indices = #map}, {transform_indices = #map1}]} {
    %mul3A = arith.constant 16 : i32
    %mul3A_0 = arith.muli %arg0, %mul3A : i32
    %add3A = arith.addi %mul3A_0, %arg1 : i32
    "tpu.region"() ({
      %run_scoped3A = tpu.sem_alloc : memref<!tpu.dma_semaphore, #tpu.memory_space<semaphore_mem>>
      %dma_start3A_32 = arith.constant 0 : i32
      %dma_start3A_33 = arith.constant 0 : i32
      %dma_start3A_34 = tpu.memref_slice %arg3[%add3A, %dma_start3A_32, %dma_start3A_33] : memref<32x158x128xi32, #tpu.memory_space<hbm>> -> memref<1x158x128xi32, #tpu.memory_space<hbm>>
      %dma_start3A_35 = tpu.memref_squeeze %dma_start3A_34 : memref<1x158x128xi32, #tpu.memory_space<hbm>> -> memref<158x128xi32, #tpu.memory_space<hbm>>
      %dma_start3A_36 = arith.constant 0 : i32
      %dma_start3A_37 = arith.constant 0 : i32
      %dma_start3A_38 = tpu.memref_slice %arg3[%add3A, %dma_start3A_36, %dma_start3A_37] : memref<32x158x128xi32, #tpu.memory_space<hbm>> -> memref<1x158x128xi32, #tpu.memory_space<hbm>>
      %dma_start3A_39 = tpu.memref_squeeze %dma_start3A_38 : memref<1x158x128xi32, #tpu.memory_space<hbm>> -> memref<158x128xi32, #tpu.memory_space<hbm>>
      tpu.enqueue_dma source(%dma_start3A_39 : memref<158x128xi32, #tpu.memory_space<hbm>>) target(%arg7 : memref<158x128xi32, #tpu.memory_space<vmem>>) target_semaphore(%run_scoped3A : memref<!tpu.dma_semaphore, #tpu.memory_space<semaphore_mem>>)
      %dma_wait3A = arith.constant 0 : i32
      %dma_wait3A_40 = arith.constant 0 : i32
      %dma_wait3A_41 = tpu.memref_slice %arg3[%add3A, %dma_wait3A, %dma_wait3A_40] : memref<32x158x128xi32, #tpu.memory_space<hbm>> -> memref<1x158x128xi32, #tpu.memory_space<hbm>>
      %dma_wait3A_42 = tpu.memref_squeeze %dma_wait3A_41 : memref<1x158x128xi32, #tpu.memory_space<hbm>> -> memref<158x128xi32, #tpu.memory_space<hbm>>
      %dma_wait3A_43 = arith.constant 0 : i32
      %dma_wait3A_44 = arith.constant 0 : i32
      %dma_wait3A_45 = tpu.memref_slice %arg3[%add3A, %dma_wait3A_43, %dma_wait3A_44] : memref<32x158x128xi32, #tpu.memory_space<hbm>> -> memref<1x158x128xi32, #tpu.memory_space<hbm>>
      %dma_wait3A_46 = tpu.memref_squeeze %dma_wait3A_45 : memref<1x158x128xi32, #tpu.memory_space<hbm>> -> memref<158x128xi32, #tpu.memory_space<hbm>>
      tpu.wait_dma2 semaphore(%run_scoped3A : memref<!tpu.dma_semaphore, #tpu.memory_space<semaphore_mem>>) src(%dma_wait3A_46 : memref<158x128xi32, #tpu.memory_space<hbm>>) dst(%arg7 : memref<158x128xi32, #tpu.memory_space<vmem>>)
      tpu.yield
    }) : () -> ()
    "tpu.region"() ({
      %run_scoped3A = tpu.sem_alloc : memref<!tpu.dma_semaphore, #tpu.memory_space<semaphore_mem>>
      %dma_start3A_32 = arith.constant 0 : i32
      %dma_start3A_33 = arith.constant 0 : i32
      %dma_start3A_34 = tpu.memref_slice %arg4[%arg1, %dma_start3A_32, %dma_start3A_33] : memref<16x158x128xi32, #tpu.memory_space<hbm>> -> memref<1x158x128xi32, #tpu.memory_space<hbm>>
      %dma_start3A_35 = tpu.memref_squeeze %dma_start3A_34 : memref<1x158x128xi32, #tpu.memory_space<hbm>> -> memref<158x128xi32, #tpu.memory_space<hbm>>
      %dma_start3A_36 = arith.constant 0 : i32
      %dma_start3A_37 = arith.constant 0 : i32
      %dma_start3A_38 = tpu.memref_slice %arg4[%arg1, %dma_start3A_36, %dma_start3A_37] : memref<16x158x128xi32, #tpu.memory_space<hbm>> -> memref<1x158x128xi32, #tpu.memory_space<hbm>>
      %dma_start3A_39 = tpu.memref_squeeze %dma_start3A_38 : memref<1x158x128xi32, #tpu.memory_space<hbm>> -> memref<158x128xi32, #tpu.memory_space<hbm>>
      tpu.enqueue_dma source(%dma_start3A_39 : memref<158x128xi32, #tpu.memory_space<hbm>>) target(%arg8 : memref<158x128xi32, #tpu.memory_space<vmem>>) target_semaphore(%run_scoped3A : memref<!tpu.dma_semaphore, #tpu.memory_space<semaphore_mem>>)
      %dma_wait3A = arith.constant 0 : i32
      %dma_wait3A_40 = arith.constant 0 : i32
      %dma_wait3A_41 = tpu.memref_slice %arg4[%arg1, %dma_wait3A, %dma_wait3A_40] : memref<16x158x128xi32, #tpu.memory_space<hbm>> -> memref<1x158x128xi32, #tpu.memory_space<hbm>>
      %dma_wait3A_42 = tpu.memref_squeeze %dma_wait3A_41 : memref<1x158x128xi32, #tpu.memory_space<hbm>> -> memref<158x128xi32, #tpu.memory_space<hbm>>
      %dma_wait3A_43 = arith.constant 0 : i32
      %dma_wait3A_44 = arith.constant 0 : i32
      %dma_wait3A_45 = tpu.memref_slice %arg4[%arg1, %dma_wait3A_43, %dma_wait3A_44] : memref<16x158x128xi32, #tpu.memory_space<hbm>> -> memref<1x158x128xi32, #tpu.memory_space<hbm>>
      %dma_wait3A_46 = tpu.memref_squeeze %dma_wait3A_45 : memref<1x158x128xi32, #tpu.memory_space<hbm>> -> memref<158x128xi32, #tpu.memory_space<hbm>>
      tpu.wait_dma2 semaphore(%run_scoped3A : memref<!tpu.dma_semaphore, #tpu.memory_space<semaphore_mem>>) src(%dma_wait3A_46 : memref<158x128xi32, #tpu.memory_space<hbm>>) dst(%arg8 : memref<158x128xi32, #tpu.memory_space<vmem>>)
      tpu.yield
    }) : () -> ()
    %dma_start3A = arith.constant 0 : i32
    %dma_start3A_1 = arith.constant 0 : i32
    %dma_start3A_2 = arith.constant 0 : i32
    %dma_start3A_3 = arith.constant 0 : i32
    %dma_start3A_4 = tpu.memref_slice %arg9[%dma_start3A_1, %dma_start3A_2, %dma_start3A_3] : memref<2x128x64xf32, #tpu.memory_space<vmem>> -> memref<1x128x64xf32, #tpu.memory_space<vmem>>
    %dma_start3A_5 = tpu.memref_squeeze %dma_start3A_4 : memref<1x128x64xf32, #tpu.memory_space<vmem>> -> memref<128x64xf32, #tpu.memory_space<vmem>>
    %dma_start3A_6 = arith.constant 0 : i32
    %dma_start3A_7 = tpu.memref_slice %arg7[%dma_start3A, %dma_start3A_6] : memref<158x128xi32, #tpu.memory_space<vmem>> -> memref<1x128xi32, #tpu.memory_space<vmem>>
    %dma_start3A_8 = tpu.memref_squeeze %dma_start3A_7 : memref<1x128xi32, #tpu.memory_space<vmem>> -> memref<128xi32, #tpu.memory_space<vmem>>
    %dma_start3A_9 = arith.constant 0 : i32
    %dma_start3A_10 = arith.constant 0 : i32
    %dma_start3A_11 = tpu.memref_slice %arg2[%dma_start3A_9, %dma_start3A_10] : memref<20000x64xf32, #tpu.memory_space<hbm>> -> memref<20000x64xf32, #tpu.memory_space<hbm>>
    tpu.enqueue_indirect_dma source(%dma_start3A_11 : memref<20000x64xf32, #tpu.memory_space<hbm>>) target(%dma_start3A_5 : memref<128x64xf32, #tpu.memory_space<vmem>>) offsets(%dma_start3A_8 : memref<128xi32, #tpu.memory_space<vmem>>) semaphore(%arg11 : memref<!tpu.dma_semaphore, #tpu.memory_space<semaphore_mem>>)
    %dma_start3A_12 = arith.constant 1 : i32
    %dma_start3A_13 = arith.constant 1 : i32
    %dma_start3A_14 = arith.constant 0 : i32
    %dma_start3A_15 = arith.constant 0 : i32
    %dma_start3A_16 = tpu.memref_slice %arg9[%dma_start3A_13, %dma_start3A_14, %dma_start3A_15] : memref<2x128x64xf32, #tpu.memory_space<vmem>> -> memref<1x128x64xf32, #tpu.memory_space<vmem>>
    %dma_start3A_17 = tpu.memref_squeeze %dma_start3A_16 : memref<1x128x64xf32, #tpu.memory_space<vmem>> -> memref<128x64xf32, #tpu.memory_space<vmem>>
    %dma_start3A_18 = arith.constant 0 : i32
    %dma_start3A_19 = tpu.memref_slice %arg7[%dma_start3A_12, %dma_start3A_18] : memref<158x128xi32, #tpu.memory_space<vmem>> -> memref<1x128xi32, #tpu.memory_space<vmem>>
    %dma_start3A_20 = tpu.memref_squeeze %dma_start3A_19 : memref<1x128xi32, #tpu.memory_space<vmem>> -> memref<128xi32, #tpu.memory_space<vmem>>
    %dma_start3A_21 = arith.constant 0 : i32
    %dma_start3A_22 = arith.constant 0 : i32
    %dma_start3A_23 = tpu.memref_slice %arg2[%dma_start3A_21, %dma_start3A_22] : memref<20000x64xf32, #tpu.memory_space<hbm>> -> memref<20000x64xf32, #tpu.memory_space<hbm>>
    tpu.enqueue_indirect_dma source(%dma_start3A_23 : memref<20000x64xf32, #tpu.memory_space<hbm>>) target(%dma_start3A_17 : memref<128x64xf32, #tpu.memory_space<vmem>>) offsets(%dma_start3A_20 : memref<128xi32, #tpu.memory_space<vmem>>) semaphore(%arg12 : memref<!tpu.dma_semaphore, #tpu.memory_space<semaphore_mem>>)
    %mul3A_24 = arith.constant 632 : i32
    %mul3A_25 = arith.muli %arg1, %mul3A_24 : i32
    "tpu.region"() ({
      %run_scoped3A = tpu.sem_alloc : memref<!tpu.dma_semaphore, #tpu.memory_space<semaphore_mem>>
      %dma_start3A_32 = arith.constant 0 : i32
      %dma_start3A_33 = tpu.memref_slice %arg10[%mul3A_25, %dma_start3A_32] : memref<10112x64xf32, #tpu.memory_space<vmem_shared>> -> memref<632x64xf32, #tpu.memory_space<vmem_shared>>
      %dma_start3A_34 = arith.constant 0 : i32
      %dma_start3A_35 = tpu.memref_slice %arg5[%mul3A_25, %dma_start3A_34] : memref<10112x64xf32, #tpu.memory_space<hbm>> -> memref<632x64xf32, #tpu.memory_space<hbm>>
      tpu.enqueue_dma source(%dma_start3A_35 : memref<632x64xf32, #tpu.memory_space<hbm>>) target(%dma_start3A_33 : memref<632x64xf32, #tpu.memory_space<vmem_shared>>) target_semaphore(%run_scoped3A : memref<!tpu.dma_semaphore, #tpu.memory_space<semaphore_mem>>)
      %dma_wait3A = arith.constant 0 : i32
      %dma_wait3A_36 = tpu.memref_slice %arg10[%mul3A_25, %dma_wait3A] : memref<10112x64xf32, #tpu.memory_space<vmem_shared>> -> memref<632x64xf32, #tpu.memory_space<vmem_shared>>
      %dma_wait3A_37 = arith.constant 0 : i32
      %dma_wait3A_38 = tpu.memref_slice %arg5[%mul3A_25, %dma_wait3A_37] : memref<10112x64xf32, #tpu.memory_space<hbm>> -> memref<632x64xf32, #tpu.memory_space<hbm>>
      tpu.wait_dma2 semaphore(%run_scoped3A : memref<!tpu.dma_semaphore, #tpu.memory_space<semaphore_mem>>) src(%dma_wait3A_38 : memref<632x64xf32, #tpu.memory_space<hbm>>) dst(%dma_wait3A_36 : memref<632x64xf32, #tpu.memory_space<vmem_shared>>)
      tpu.yield
    }) : () -> ()
    %barrier3A = arith.constant 0 : index
    tpu.barrier barrier_id(%barrier3A)
    %scan3A = arith.constant 0 : i32
    %scan3A_26 = arith.constant 0 : i32
    %scan3A_27 = arith.constant 79 : i32
    %scan3A_28 = arith.addi %scan3A_26, %scan3A_27 : i32
    %scan3A_29 = arith.constant 1 : i32
    scf.for %scan3A_32 = %scan3A_26 to %scan3A_28 step %scan3A_29  : i32 {
      %mul3A_33 = arith.constant 2 : i32
      %mul3A_34 = arith.muli %mul3A_33, %scan3A_32 : i32
      %add3A_35 = arith.constant 0 : i32
      %add3A_36 = arith.addi %mul3A_34, %add3A_35 : i32
      %dma_wait3A = arith.constant 0 : i32
      %dma_wait3A_37 = arith.constant 0 : i32
      %dma_wait3A_38 = arith.constant 0 : i32
      %dma_wait3A_39 = tpu.memref_slice %arg9[%dma_wait3A, %dma_wait3A_37, %dma_wait3A_38] : memref<2x128x64xf32, #tpu.memory_space<vmem>> -> memref<1x128x64xf32, #tpu.memory_space<vmem>>
      %dma_wait3A_40 = tpu.memref_squeeze %dma_wait3A_39 : memref<1x128x64xf32, #tpu.memory_space<vmem>> -> memref<128x64xf32, #tpu.memory_space<vmem>>
      %dma_wait3A_41 = arith.constant 0 : i32
      %dma_wait3A_42 = tpu.memref_slice %arg7[%add3A_36, %dma_wait3A_41] : memref<158x128xi32, #tpu.memory_space<vmem>> -> memref<1x128xi32, #tpu.memory_space<vmem>>
      %dma_wait3A_43 = tpu.memref_squeeze %dma_wait3A_42 : memref<1x128xi32, #tpu.memory_space<vmem>> -> memref<128xi32, #tpu.memory_space<vmem>>
      %dma_wait3A_44 = arith.constant 0 : i32
      %dma_wait3A_45 = arith.constant 0 : i32
      %dma_wait3A_46 = tpu.memref_slice %arg2[%dma_wait3A_44, %dma_wait3A_45] : memref<20000x64xf32, #tpu.memory_space<hbm>> -> memref<20000x64xf32, #tpu.memory_space<hbm>>
      tpu.wait_indirect_dma semaphore(%arg11 : memref<!tpu.dma_semaphore, #tpu.memory_space<semaphore_mem>>) src(%dma_wait3A_46 : memref<20000x64xf32, #tpu.memory_space<hbm>>) dst(%dma_wait3A_40 : memref<128x64xf32, #tpu.memory_space<vmem>>)
      %run_scoped3A = arith.constant 0 : i32
      "tpu.region"() ({
        %run_scoped3A_74 = tpu.sem_alloc : memref<!tpu.dma_semaphore, #tpu.memory_space<semaphore_mem>>
        %dma_start3A_75 = arith.constant 0 : i32
        %dma_start3A_76 = arith.constant 0 : i32
        %dma_start3A_77 = tpu.memref_slice %arg9[%run_scoped3A, %dma_start3A_75, %dma_start3A_76] : memref<2x128x64xf32, #tpu.memory_space<vmem>> -> memref<1x128x64xf32, #tpu.memory_space<vmem>>
        %dma_start3A_78 = tpu.memref_squeeze %dma_start3A_77 : memref<1x128x64xf32, #tpu.memory_space<vmem>> -> memref<128x64xf32, #tpu.memory_space<vmem>>
        %dma_start3A_79 = arith.constant 0 : i32
        %dma_start3A_80 = tpu.memref_slice %arg8[%add3A_36, %dma_start3A_79] : memref<158x128xi32, #tpu.memory_space<vmem>> -> memref<1x128xi32, #tpu.memory_space<vmem>>
        %dma_start3A_81 = tpu.memref_squeeze %dma_start3A_80 : memref<1x128xi32, #tpu.memory_space<vmem>> -> memref<128xi32, #tpu.memory_space<vmem>>
        %dma_start3A_82 = arith.constant 0 : i32
        %dma_start3A_83 = arith.constant 0 : i32
        %dma_start3A_84 = tpu.memref_slice %arg10[%dma_start3A_82, %dma_start3A_83] : memref<10112x64xf32, #tpu.memory_space<vmem_shared>> -> memref<10112x64xf32, #tpu.memory_space<vmem_shared>>
        tpu.enqueue_indirect_dma source(%dma_start3A_78 : memref<128x64xf32, #tpu.memory_space<vmem>>) target(%dma_start3A_84 : memref<10112x64xf32, #tpu.memory_space<vmem_shared>>) offsets(%dma_start3A_81 : memref<128xi32, #tpu.memory_space<vmem>>) semaphore(%run_scoped3A_74 : memref<!tpu.dma_semaphore, #tpu.memory_space<semaphore_mem>>) {add = true}
        %dma_wait3A_85 = arith.constant 0 : i32
        %dma_wait3A_86 = arith.constant 0 : i32
        %dma_wait3A_87 = tpu.memref_slice %arg9[%run_scoped3A, %dma_wait3A_85, %dma_wait3A_86] : memref<2x128x64xf32, #tpu.memory_space<vmem>> -> memref<1x128x64xf32, #tpu.memory_space<vmem>>
        %dma_wait3A_88 = tpu.memref_squeeze %dma_wait3A_87 : memref<1x128x64xf32, #tpu.memory_space<vmem>> -> memref<128x64xf32, #tpu.memory_space<vmem>>
        %dma_wait3A_89 = arith.constant 0 : i32
        %dma_wait3A_90 = tpu.memref_slice %arg8[%add3A_36, %dma_wait3A_89] : memref<158x128xi32, #tpu.memory_space<vmem>> -> memref<1x128xi32, #tpu.memory_space<vmem>>
        %dma_wait3A_91 = tpu.memref_squeeze %dma_wait3A_90 : memref<1x128xi32, #tpu.memory_space<vmem>> -> memref<128xi32, #tpu.memory_space<vmem>>
        %dma_wait3A_92 = arith.constant 0 : i32
        %dma_wait3A_93 = arith.constant 0 : i32
        %dma_wait3A_94 = tpu.memref_slice %arg10[%dma_wait3A_92, %dma_wait3A_93] : memref<10112x64xf32, #tpu.memory_space<vmem_shared>> -> memref<10112x64xf32, #tpu.memory_space<vmem_shared>>
        tpu.wait_indirect_dma semaphore(%run_scoped3A_74 : memref<!tpu.dma_semaphore, #tpu.memory_space<semaphore_mem>>) src(%dma_wait3A_88 : memref<128x64xf32, #tpu.memory_space<vmem>>) dst(%dma_wait3A_94 : memref<10112x64xf32, #tpu.memory_space<vmem_shared>>)
        tpu.yield
      }) : () -> ()
      %add3A_47 = arith.constant 2 : i32
      %add3A_48 = arith.addi %add3A_36, %add3A_47 : i32
      %lt3A = arith.constant 158 : i32
      %lt3A_49 = arith.cmpi slt, %add3A_48, %lt3A : i32
      %convert_element_type3A = arith.extui %lt3A_49 : i1 to i32
      %cond3A = arith.constant 0 : i32
      %cond3A_50 = arith.cmpi ne, %convert_element_type3A, %cond3A : i32
      scf.if %cond3A_50 {
        %dma_start3A_74 = arith.constant 0 : i32
        %dma_start3A_75 = arith.constant 0 : i32
        %dma_start3A_76 = arith.constant 0 : i32
        %dma_start3A_77 = tpu.memref_slice %arg9[%dma_start3A_74, %dma_start3A_75, %dma_start3A_76] : memref<2x128x64xf32, #tpu.memory_space<vmem>> -> memref<1x128x64xf32, #tpu.memory_space<vmem>>
        %dma_start3A_78 = tpu.memref_squeeze %dma_start3A_77 : memref<1x128x64xf32, #tpu.memory_space<vmem>> -> memref<128x64xf32, #tpu.memory_space<vmem>>
        %dma_start3A_79 = arith.constant 0 : i32
        %dma_start3A_80 = tpu.memref_slice %arg7[%add3A_48, %dma_start3A_79] : memref<158x128xi32, #tpu.memory_space<vmem>> -> memref<1x128xi32, #tpu.memory_space<vmem>>
        %dma_start3A_81 = tpu.memref_squeeze %dma_start3A_80 : memref<1x128xi32, #tpu.memory_space<vmem>> -> memref<128xi32, #tpu.memory_space<vmem>>
        %dma_start3A_82 = arith.constant 0 : i32
        %dma_start3A_83 = arith.constant 0 : i32
        %dma_start3A_84 = tpu.memref_slice %arg2[%dma_start3A_82, %dma_start3A_83] : memref<20000x64xf32, #tpu.memory_space<hbm>> -> memref<20000x64xf32, #tpu.memory_space<hbm>>
        tpu.enqueue_indirect_dma source(%dma_start3A_84 : memref<20000x64xf32, #tpu.memory_space<hbm>>) target(%dma_start3A_78 : memref<128x64xf32, #tpu.memory_space<vmem>>) offsets(%dma_start3A_81 : memref<128xi32, #tpu.memory_space<vmem>>) semaphore(%arg11 : memref<!tpu.dma_semaphore, #tpu.memory_space<semaphore_mem>>)
      } else {
      }
      %mul3A_51 = arith.constant 2 : i32
      %mul3A_52 = arith.muli %mul3A_51, %scan3A_32 : i32
      %add3A_53 = arith.constant 1 : i32
      %add3A_54 = arith.addi %mul3A_52, %add3A_53 : i32
      %dma_wait3A_55 = arith.constant 1 : i32
      %dma_wait3A_56 = arith.constant 0 : i32
      %dma_wait3A_57 = arith.constant 0 : i32
      %dma_wait3A_58 = tpu.memref_slice %arg9[%dma_wait3A_55, %dma_wait3A_56, %dma_wait3A_57] : memref<2x128x64xf32, #tpu.memory_space<vmem>> -> memref<1x128x64xf32, #tpu.memory_space<vmem>>
      %dma_wait3A_59 = tpu.memref_squeeze %dma_wait3A_58 : memref<1x128x64xf32, #tpu.memory_space<vmem>> -> memref<128x64xf32, #tpu.memory_space<vmem>>
      %dma_wait3A_60 = arith.constant 0 : i32
      %dma_wait3A_61 = tpu.memref_slice %arg7[%add3A_54, %dma_wait3A_60] : memref<158x128xi32, #tpu.memory_space<vmem>> -> memref<1x128xi32, #tpu.memory_space<vmem>>
      %dma_wait3A_62 = tpu.memref_squeeze %dma_wait3A_61 : memref<1x128xi32, #tpu.memory_space<vmem>> -> memref<128xi32, #tpu.memory_space<vmem>>
      %dma_wait3A_63 = arith.constant 0 : i32
      %dma_wait3A_64 = arith.constant 0 : i32
      %dma_wait3A_65 = tpu.memref_slice %arg2[%dma_wait3A_63, %dma_wait3A_64] : memref<20000x64xf32, #tpu.memory_space<hbm>> -> memref<20000x64xf32, #tpu.memory_space<hbm>>
      tpu.wait_indirect_dma semaphore(%arg12 : memref<!tpu.dma_semaphore, #tpu.memory_space<semaphore_mem>>) src(%dma_wait3A_65 : memref<20000x64xf32, #tpu.memory_space<hbm>>) dst(%dma_wait3A_59 : memref<128x64xf32, #tpu.memory_space<vmem>>)
      %run_scoped3A_66 = arith.constant 1 : i32
      "tpu.region"() ({
        %run_scoped3A_74 = tpu.sem_alloc : memref<!tpu.dma_semaphore, #tpu.memory_space<semaphore_mem>>
        %dma_start3A_75 = arith.constant 0 : i32
        %dma_start3A_76 = arith.constant 0 : i32
        %dma_start3A_77 = tpu.memref_slice %arg9[%run_scoped3A_66, %dma_start3A_75, %dma_start3A_76] : memref<2x128x64xf32, #tpu.memory_space<vmem>> -> memref<1x128x64xf32, #tpu.memory_space<vmem>>
        %dma_start3A_78 = tpu.memref_squeeze %dma_start3A_77 : memref<1x128x64xf32, #tpu.memory_space<vmem>> -> memref<128x64xf32, #tpu.memory_space<vmem>>
        %dma_start3A_79 = arith.constant 0 : i32
        %dma_start3A_80 = tpu.memref_slice %arg8[%add3A_54, %dma_start3A_79] : memref<158x128xi32, #tpu.memory_space<vmem>> -> memref<1x128xi32, #tpu.memory_space<vmem>>
        %dma_start3A_81 = tpu.memref_squeeze %dma_start3A_80 : memref<1x128xi32, #tpu.memory_space<vmem>> -> memref<128xi32, #tpu.memory_space<vmem>>
        %dma_start3A_82 = arith.constant 0 : i32
        %dma_start3A_83 = arith.constant 0 : i32
        %dma_start3A_84 = tpu.memref_slice %arg10[%dma_start3A_82, %dma_start3A_83] : memref<10112x64xf32, #tpu.memory_space<vmem_shared>> -> memref<10112x64xf32, #tpu.memory_space<vmem_shared>>
        tpu.enqueue_indirect_dma source(%dma_start3A_78 : memref<128x64xf32, #tpu.memory_space<vmem>>) target(%dma_start3A_84 : memref<10112x64xf32, #tpu.memory_space<vmem_shared>>) offsets(%dma_start3A_81 : memref<128xi32, #tpu.memory_space<vmem>>) semaphore(%run_scoped3A_74 : memref<!tpu.dma_semaphore, #tpu.memory_space<semaphore_mem>>) {add = true}
        %dma_wait3A_85 = arith.constant 0 : i32
        %dma_wait3A_86 = arith.constant 0 : i32
        %dma_wait3A_87 = tpu.memref_slice %arg9[%run_scoped3A_66, %dma_wait3A_85, %dma_wait3A_86] : memref<2x128x64xf32, #tpu.memory_space<vmem>> -> memref<1x128x64xf32, #tpu.memory_space<vmem>>
        %dma_wait3A_88 = tpu.memref_squeeze %dma_wait3A_87 : memref<1x128x64xf32, #tpu.memory_space<vmem>> -> memref<128x64xf32, #tpu.memory_space<vmem>>
        %dma_wait3A_89 = arith.constant 0 : i32
        %dma_wait3A_90 = tpu.memref_slice %arg8[%add3A_54, %dma_wait3A_89] : memref<158x128xi32, #tpu.memory_space<vmem>> -> memref<1x128xi32, #tpu.memory_space<vmem>>
        %dma_wait3A_91 = tpu.memref_squeeze %dma_wait3A_90 : memref<1x128xi32, #tpu.memory_space<vmem>> -> memref<128xi32, #tpu.memory_space<vmem>>
        %dma_wait3A_92 = arith.constant 0 : i32
        %dma_wait3A_93 = arith.constant 0 : i32
        %dma_wait3A_94 = tpu.memref_slice %arg10[%dma_wait3A_92, %dma_wait3A_93] : memref<10112x64xf32, #tpu.memory_space<vmem_shared>> -> memref<10112x64xf32, #tpu.memory_space<vmem_shared>>
        tpu.wait_indirect_dma semaphore(%run_scoped3A_74 : memref<!tpu.dma_semaphore, #tpu.memory_space<semaphore_mem>>) src(%dma_wait3A_88 : memref<128x64xf32, #tpu.memory_space<vmem>>) dst(%dma_wait3A_94 : memref<10112x64xf32, #tpu.memory_space<vmem_shared>>)
        tpu.yield
      }) : () -> ()
      %add3A_67 = arith.constant 2 : i32
      %add3A_68 = arith.addi %add3A_54, %add3A_67 : i32
      %lt3A_69 = arith.constant 158 : i32
      %lt3A_70 = arith.cmpi slt, %add3A_68, %lt3A_69 : i32
      %convert_element_type3A_71 = arith.extui %lt3A_70 : i1 to i32
      %cond3A_72 = arith.constant 0 : i32
      %cond3A_73 = arith.cmpi ne, %convert_element_type3A_71, %cond3A_72 : i32
      scf.if %cond3A_73 {
        %dma_start3A_74 = arith.constant 1 : i32
        %dma_start3A_75 = arith.constant 0 : i32
        %dma_start3A_76 = arith.constant 0 : i32
        %dma_start3A_77 = tpu.memref_slice %arg9[%dma_start3A_74, %dma_start3A_75, %dma_start3A_76] : memref<2x128x64xf32, #tpu.memory_space<vmem>> -> memref<1x128x64xf32, #tpu.memory_space<vmem>>
        %dma_start3A_78 = tpu.memref_squeeze %dma_start3A_77 : memref<1x128x64xf32, #tpu.memory_space<vmem>> -> memref<128x64xf32, #tpu.memory_space<vmem>>
        %dma_start3A_79 = arith.constant 0 : i32
        %dma_start3A_80 = tpu.memref_slice %arg7[%add3A_68, %dma_start3A_79] : memref<158x128xi32, #tpu.memory_space<vmem>> -> memref<1x128xi32, #tpu.memory_space<vmem>>
        %dma_start3A_81 = tpu.memref_squeeze %dma_start3A_80 : memref<1x128xi32, #tpu.memory_space<vmem>> -> memref<128xi32, #tpu.memory_space<vmem>>
        %dma_start3A_82 = arith.constant 0 : i32
        %dma_start3A_83 = arith.constant 0 : i32
        %dma_start3A_84 = tpu.memref_slice %arg2[%dma_start3A_82, %dma_start3A_83] : memref<20000x64xf32, #tpu.memory_space<hbm>> -> memref<20000x64xf32, #tpu.memory_space<hbm>>
        tpu.enqueue_indirect_dma source(%dma_start3A_84 : memref<20000x64xf32, #tpu.memory_space<hbm>>) target(%dma_start3A_78 : memref<128x64xf32, #tpu.memory_space<vmem>>) offsets(%dma_start3A_81 : memref<128xi32, #tpu.memory_space<vmem>>) semaphore(%arg12 : memref<!tpu.dma_semaphore, #tpu.memory_space<semaphore_mem>>)
      } else {
      }
    }
    %scan3A_30 = arith.constant 79 : i32
    %barrier3A_31 = arith.constant 0 : index
    tpu.barrier barrier_id(%barrier3A_31)
    "tpu.region"() ({
      %run_scoped3A = tpu.sem_alloc : memref<!tpu.dma_semaphore, #tpu.memory_space<semaphore_mem>>
      %dma_start3A_32 = arith.constant 0 : i32
      %dma_start3A_33 = tpu.memref_slice %arg6[%arg0, %mul3A_25, %dma_start3A_32] : memref<2x10112x64xf32, #tpu.memory_space<hbm>> -> memref<1x632x64xf32, #tpu.memory_space<hbm>>
      %dma_start3A_34 = tpu.memref_squeeze %dma_start3A_33 : memref<1x632x64xf32, #tpu.memory_space<hbm>> -> memref<632x64xf32, #tpu.memory_space<hbm>>
      %dma_start3A_35 = arith.constant 0 : i32
      %dma_start3A_36 = tpu.memref_slice %arg10[%mul3A_25, %dma_start3A_35] : memref<10112x64xf32, #tpu.memory_space<vmem_shared>> -> memref<632x64xf32, #tpu.memory_space<vmem_shared>>
      tpu.enqueue_dma source(%dma_start3A_36 : memref<632x64xf32, #tpu.memory_space<vmem_shared>>) target(%dma_start3A_34 : memref<632x64xf32, #tpu.memory_space<hbm>>) target_semaphore(%run_scoped3A : memref<!tpu.dma_semaphore, #tpu.memory_space<semaphore_mem>>)
      %dma_wait3A = arith.constant 0 : i32
      %dma_wait3A_37 = tpu.memref_slice %arg6[%arg0, %mul3A_25, %dma_wait3A] : memref<2x10112x64xf32, #tpu.memory_space<hbm>> -> memref<1x632x64xf32, #tpu.memory_space<hbm>>
      %dma_wait3A_38 = tpu.memref_squeeze %dma_wait3A_37 : memref<1x632x64xf32, #tpu.memory_space<hbm>> -> memref<632x64xf32, #tpu.memory_space<hbm>>
      %dma_wait3A_39 = arith.constant 0 : i32
      %dma_wait3A_40 = tpu.memref_slice %arg10[%mul3A_25, %dma_wait3A_39] : memref<10112x64xf32, #tpu.memory_space<vmem_shared>> -> memref<632x64xf32, #tpu.memory_space<vmem_shared>>
      tpu.wait_dma2 semaphore(%run_scoped3A : memref<!tpu.dma_semaphore, #tpu.memory_space<semaphore_mem>>) src(%dma_wait3A_40 : memref<632x64xf32, #tpu.memory_space<vmem_shared>>) dst(%dma_wait3A_38 : memref<632x64xf32, #tpu.memory_space<hbm>>)
      tpu.yield
    }) : () -> ()
    return
  }
}

#map = affine_map<(d0, d1) -> (0, 0)>
#map1 = affine_map<(d0, d1) -> (0, 0, 0)>
module attributes {stable_mosaic.version = 14 : i64} {
  func.func @agg(%arg0: i32, %arg1: i32, %arg2: memref<20096x32xf32, #tpu.memory_space<hbm>>, %arg3: memref<32x158x128xi32, #tpu.memory_space<hbm>>, %arg4: memref<16x158x128xi32, #tpu.memory_space<hbm>>, %arg5: memref<10112x32xf32, #tpu.memory_space<hbm>>, %arg6: memref<2x10112x32xf32, #tpu.memory_space<hbm>>, %arg7: memref<158x128xi32, #tpu.memory_space<vmem>>, %arg8: memref<158x128xi32, #tpu.memory_space<vmem>>, %arg9: memref<2x128x32xf32, #tpu.memory_space<vmem>>, %arg10: memref<20096x32xf32, #tpu.memory_space<vmem_shared>>, %arg11: memref<10112x32xf32, #tpu.memory_space<vmem_shared>>, %arg12: memref<!tpu.dma_semaphore, #tpu.memory_space<semaphore_mem>>, %arg13: memref<!tpu.dma_semaphore, #tpu.memory_space<semaphore_mem>>) attributes {dimension_semantics = [#tpu.dimension_semantics<core_parallel>, #tpu.dimension_semantics<subcore_parallel>], iteration_bounds = array<i64: 2, 16>, scalar_prefetch = 0 : i64, scratch_operands = 7 : i64, tpu.core_type = #tpu.core_type<sc_vector_subcore>, window_params = [{transform_indices = #map}, {transform_indices = #map1}, {transform_indices = #map1}, {transform_indices = #map}, {transform_indices = #map1}]} {
    %mul3A = arith.constant 16 : i32
    %mul3A_0 = arith.muli %arg0, %mul3A : i32
    %add3A = arith.addi %mul3A_0, %arg1 : i32
    "tpu.region"() ({
      %run_scoped3A = tpu.sem_alloc : memref<!tpu.dma_semaphore, #tpu.memory_space<semaphore_mem>>
      %dma_start3A_34 = arith.constant 0 : i32
      %dma_start3A_35 = arith.constant 0 : i32
      %dma_start3A_36 = tpu.memref_slice %arg3[%add3A, %dma_start3A_34, %dma_start3A_35] : memref<32x158x128xi32, #tpu.memory_space<hbm>> -> memref<1x158x128xi32, #tpu.memory_space<hbm>>
      %dma_start3A_37 = tpu.memref_squeeze %dma_start3A_36 : memref<1x158x128xi32, #tpu.memory_space<hbm>> -> memref<158x128xi32, #tpu.memory_space<hbm>>
      %dma_start3A_38 = arith.constant 0 : i32
      %dma_start3A_39 = arith.constant 0 : i32
      %dma_start3A_40 = tpu.memref_slice %arg3[%add3A, %dma_start3A_38, %dma_start3A_39] : memref<32x158x128xi32, #tpu.memory_space<hbm>> -> memref<1x158x128xi32, #tpu.memory_space<hbm>>
      %dma_start3A_41 = tpu.memref_squeeze %dma_start3A_40 : memref<1x158x128xi32, #tpu.memory_space<hbm>> -> memref<158x128xi32, #tpu.memory_space<hbm>>
      tpu.enqueue_dma source(%dma_start3A_41 : memref<158x128xi32, #tpu.memory_space<hbm>>) target(%arg7 : memref<158x128xi32, #tpu.memory_space<vmem>>) target_semaphore(%run_scoped3A : memref<!tpu.dma_semaphore, #tpu.memory_space<semaphore_mem>>)
      %dma_wait3A = arith.constant 0 : i32
      %dma_wait3A_42 = arith.constant 0 : i32
      %dma_wait3A_43 = tpu.memref_slice %arg3[%add3A, %dma_wait3A, %dma_wait3A_42] : memref<32x158x128xi32, #tpu.memory_space<hbm>> -> memref<1x158x128xi32, #tpu.memory_space<hbm>>
      %dma_wait3A_44 = tpu.memref_squeeze %dma_wait3A_43 : memref<1x158x128xi32, #tpu.memory_space<hbm>> -> memref<158x128xi32, #tpu.memory_space<hbm>>
      %dma_wait3A_45 = arith.constant 0 : i32
      %dma_wait3A_46 = arith.constant 0 : i32
      %dma_wait3A_47 = tpu.memref_slice %arg3[%add3A, %dma_wait3A_45, %dma_wait3A_46] : memref<32x158x128xi32, #tpu.memory_space<hbm>> -> memref<1x158x128xi32, #tpu.memory_space<hbm>>
      %dma_wait3A_48 = tpu.memref_squeeze %dma_wait3A_47 : memref<1x158x128xi32, #tpu.memory_space<hbm>> -> memref<158x128xi32, #tpu.memory_space<hbm>>
      tpu.wait_dma2 semaphore(%run_scoped3A : memref<!tpu.dma_semaphore, #tpu.memory_space<semaphore_mem>>) src(%dma_wait3A_48 : memref<158x128xi32, #tpu.memory_space<hbm>>) dst(%arg7 : memref<158x128xi32, #tpu.memory_space<vmem>>)
      tpu.yield
    }) : () -> ()
    "tpu.region"() ({
      %run_scoped3A = tpu.sem_alloc : memref<!tpu.dma_semaphore, #tpu.memory_space<semaphore_mem>>
      %dma_start3A_34 = arith.constant 0 : i32
      %dma_start3A_35 = arith.constant 0 : i32
      %dma_start3A_36 = tpu.memref_slice %arg4[%arg1, %dma_start3A_34, %dma_start3A_35] : memref<16x158x128xi32, #tpu.memory_space<hbm>> -> memref<1x158x128xi32, #tpu.memory_space<hbm>>
      %dma_start3A_37 = tpu.memref_squeeze %dma_start3A_36 : memref<1x158x128xi32, #tpu.memory_space<hbm>> -> memref<158x128xi32, #tpu.memory_space<hbm>>
      %dma_start3A_38 = arith.constant 0 : i32
      %dma_start3A_39 = arith.constant 0 : i32
      %dma_start3A_40 = tpu.memref_slice %arg4[%arg1, %dma_start3A_38, %dma_start3A_39] : memref<16x158x128xi32, #tpu.memory_space<hbm>> -> memref<1x158x128xi32, #tpu.memory_space<hbm>>
      %dma_start3A_41 = tpu.memref_squeeze %dma_start3A_40 : memref<1x158x128xi32, #tpu.memory_space<hbm>> -> memref<158x128xi32, #tpu.memory_space<hbm>>
      tpu.enqueue_dma source(%dma_start3A_41 : memref<158x128xi32, #tpu.memory_space<hbm>>) target(%arg8 : memref<158x128xi32, #tpu.memory_space<vmem>>) target_semaphore(%run_scoped3A : memref<!tpu.dma_semaphore, #tpu.memory_space<semaphore_mem>>)
      %dma_wait3A = arith.constant 0 : i32
      %dma_wait3A_42 = arith.constant 0 : i32
      %dma_wait3A_43 = tpu.memref_slice %arg4[%arg1, %dma_wait3A, %dma_wait3A_42] : memref<16x158x128xi32, #tpu.memory_space<hbm>> -> memref<1x158x128xi32, #tpu.memory_space<hbm>>
      %dma_wait3A_44 = tpu.memref_squeeze %dma_wait3A_43 : memref<1x158x128xi32, #tpu.memory_space<hbm>> -> memref<158x128xi32, #tpu.memory_space<hbm>>
      %dma_wait3A_45 = arith.constant 0 : i32
      %dma_wait3A_46 = arith.constant 0 : i32
      %dma_wait3A_47 = tpu.memref_slice %arg4[%arg1, %dma_wait3A_45, %dma_wait3A_46] : memref<16x158x128xi32, #tpu.memory_space<hbm>> -> memref<1x158x128xi32, #tpu.memory_space<hbm>>
      %dma_wait3A_48 = tpu.memref_squeeze %dma_wait3A_47 : memref<1x158x128xi32, #tpu.memory_space<hbm>> -> memref<158x128xi32, #tpu.memory_space<hbm>>
      tpu.wait_dma2 semaphore(%run_scoped3A : memref<!tpu.dma_semaphore, #tpu.memory_space<semaphore_mem>>) src(%dma_wait3A_48 : memref<158x128xi32, #tpu.memory_space<hbm>>) dst(%arg8 : memref<158x128xi32, #tpu.memory_space<vmem>>)
      tpu.yield
    }) : () -> ()
    %mul3A_1 = arith.constant 1256 : i32
    %mul3A_2 = arith.muli %arg1, %mul3A_1 : i32
    "tpu.region"() ({
      %run_scoped3A = tpu.sem_alloc : memref<!tpu.dma_semaphore, #tpu.memory_space<semaphore_mem>>
      %dma_start3A_34 = arith.constant 0 : i32
      %dma_start3A_35 = tpu.memref_slice %arg10[%mul3A_2, %dma_start3A_34] : memref<20096x32xf32, #tpu.memory_space<vmem_shared>> -> memref<1256x32xf32, #tpu.memory_space<vmem_shared>>
      %dma_start3A_36 = arith.constant 0 : i32
      %dma_start3A_37 = tpu.memref_slice %arg2[%mul3A_2, %dma_start3A_36] : memref<20096x32xf32, #tpu.memory_space<hbm>> -> memref<1256x32xf32, #tpu.memory_space<hbm>>
      tpu.enqueue_dma source(%dma_start3A_37 : memref<1256x32xf32, #tpu.memory_space<hbm>>) target(%dma_start3A_35 : memref<1256x32xf32, #tpu.memory_space<vmem_shared>>) target_semaphore(%run_scoped3A : memref<!tpu.dma_semaphore, #tpu.memory_space<semaphore_mem>>)
      %dma_wait3A = arith.constant 0 : i32
      %dma_wait3A_38 = tpu.memref_slice %arg10[%mul3A_2, %dma_wait3A] : memref<20096x32xf32, #tpu.memory_space<vmem_shared>> -> memref<1256x32xf32, #tpu.memory_space<vmem_shared>>
      %dma_wait3A_39 = arith.constant 0 : i32
      %dma_wait3A_40 = tpu.memref_slice %arg2[%mul3A_2, %dma_wait3A_39] : memref<20096x32xf32, #tpu.memory_space<hbm>> -> memref<1256x32xf32, #tpu.memory_space<hbm>>
      tpu.wait_dma2 semaphore(%run_scoped3A : memref<!tpu.dma_semaphore, #tpu.memory_space<semaphore_mem>>) src(%dma_wait3A_40 : memref<1256x32xf32, #tpu.memory_space<hbm>>) dst(%dma_wait3A_38 : memref<1256x32xf32, #tpu.memory_space<vmem_shared>>)
      tpu.yield
    }) : () -> ()
    %mul3A_3 = arith.constant 632 : i32
    %mul3A_4 = arith.muli %arg1, %mul3A_3 : i32
    "tpu.region"() ({
      %run_scoped3A = tpu.sem_alloc : memref<!tpu.dma_semaphore, #tpu.memory_space<semaphore_mem>>
      %dma_start3A_34 = arith.constant 0 : i32
      %dma_start3A_35 = tpu.memref_slice %arg11[%mul3A_4, %dma_start3A_34] : memref<10112x32xf32, #tpu.memory_space<vmem_shared>> -> memref<632x32xf32, #tpu.memory_space<vmem_shared>>
      %dma_start3A_36 = arith.constant 0 : i32
      %dma_start3A_37 = tpu.memref_slice %arg5[%mul3A_4, %dma_start3A_36] : memref<10112x32xf32, #tpu.memory_space<hbm>> -> memref<632x32xf32, #tpu.memory_space<hbm>>
      tpu.enqueue_dma source(%dma_start3A_37 : memref<632x32xf32, #tpu.memory_space<hbm>>) target(%dma_start3A_35 : memref<632x32xf32, #tpu.memory_space<vmem_shared>>) target_semaphore(%run_scoped3A : memref<!tpu.dma_semaphore, #tpu.memory_space<semaphore_mem>>)
      %dma_wait3A = arith.constant 0 : i32
      %dma_wait3A_38 = tpu.memref_slice %arg11[%mul3A_4, %dma_wait3A] : memref<10112x32xf32, #tpu.memory_space<vmem_shared>> -> memref<632x32xf32, #tpu.memory_space<vmem_shared>>
      %dma_wait3A_39 = arith.constant 0 : i32
      %dma_wait3A_40 = tpu.memref_slice %arg5[%mul3A_4, %dma_wait3A_39] : memref<10112x32xf32, #tpu.memory_space<hbm>> -> memref<632x32xf32, #tpu.memory_space<hbm>>
      tpu.wait_dma2 semaphore(%run_scoped3A : memref<!tpu.dma_semaphore, #tpu.memory_space<semaphore_mem>>) src(%dma_wait3A_40 : memref<632x32xf32, #tpu.memory_space<hbm>>) dst(%dma_wait3A_38 : memref<632x32xf32, #tpu.memory_space<vmem_shared>>)
      tpu.yield
    }) : () -> ()
    %barrier3A = arith.constant 0 : index
    tpu.barrier barrier_id(%barrier3A)
    %dma_start3A = arith.constant 0 : i32
    %dma_start3A_5 = arith.constant 0 : i32
    %dma_start3A_6 = arith.constant 0 : i32
    %dma_start3A_7 = arith.constant 0 : i32
    %dma_start3A_8 = tpu.memref_slice %arg9[%dma_start3A_5, %dma_start3A_6, %dma_start3A_7] : memref<2x128x32xf32, #tpu.memory_space<vmem>> -> memref<1x128x32xf32, #tpu.memory_space<vmem>>
    %dma_start3A_9 = tpu.memref_squeeze %dma_start3A_8 : memref<1x128x32xf32, #tpu.memory_space<vmem>> -> memref<128x32xf32, #tpu.memory_space<vmem>>
    %dma_start3A_10 = arith.constant 0 : i32
    %dma_start3A_11 = tpu.memref_slice %arg7[%dma_start3A, %dma_start3A_10] : memref<158x128xi32, #tpu.memory_space<vmem>> -> memref<1x128xi32, #tpu.memory_space<vmem>>
    %dma_start3A_12 = tpu.memref_squeeze %dma_start3A_11 : memref<1x128xi32, #tpu.memory_space<vmem>> -> memref<128xi32, #tpu.memory_space<vmem>>
    %dma_start3A_13 = arith.constant 0 : i32
    %dma_start3A_14 = arith.constant 0 : i32
    %dma_start3A_15 = tpu.memref_slice %arg10[%dma_start3A_13, %dma_start3A_14] : memref<20096x32xf32, #tpu.memory_space<vmem_shared>> -> memref<20096x32xf32, #tpu.memory_space<vmem_shared>>
    tpu.enqueue_indirect_dma source(%dma_start3A_15 : memref<20096x32xf32, #tpu.memory_space<vmem_shared>>) target(%dma_start3A_9 : memref<128x32xf32, #tpu.memory_space<vmem>>) offsets(%dma_start3A_12 : memref<128xi32, #tpu.memory_space<vmem>>) semaphore(%arg12 : memref<!tpu.dma_semaphore, #tpu.memory_space<semaphore_mem>>)
    %dma_start3A_16 = arith.constant 1 : i32
    %dma_start3A_17 = arith.constant 1 : i32
    %dma_start3A_18 = arith.constant 0 : i32
    %dma_start3A_19 = arith.constant 0 : i32
    %dma_start3A_20 = tpu.memref_slice %arg9[%dma_start3A_17, %dma_start3A_18, %dma_start3A_19] : memref<2x128x32xf32, #tpu.memory_space<vmem>> -> memref<1x128x32xf32, #tpu.memory_space<vmem>>
    %dma_start3A_21 = tpu.memref_squeeze %dma_start3A_20 : memref<1x128x32xf32, #tpu.memory_space<vmem>> -> memref<128x32xf32, #tpu.memory_space<vmem>>
    %dma_start3A_22 = arith.constant 0 : i32
    %dma_start3A_23 = tpu.memref_slice %arg7[%dma_start3A_16, %dma_start3A_22] : memref<158x128xi32, #tpu.memory_space<vmem>> -> memref<1x128xi32, #tpu.memory_space<vmem>>
    %dma_start3A_24 = tpu.memref_squeeze %dma_start3A_23 : memref<1x128xi32, #tpu.memory_space<vmem>> -> memref<128xi32, #tpu.memory_space<vmem>>
    %dma_start3A_25 = arith.constant 0 : i32
    %dma_start3A_26 = arith.constant 0 : i32
    %dma_start3A_27 = tpu.memref_slice %arg10[%dma_start3A_25, %dma_start3A_26] : memref<20096x32xf32, #tpu.memory_space<vmem_shared>> -> memref<20096x32xf32, #tpu.memory_space<vmem_shared>>
    tpu.enqueue_indirect_dma source(%dma_start3A_27 : memref<20096x32xf32, #tpu.memory_space<vmem_shared>>) target(%dma_start3A_21 : memref<128x32xf32, #tpu.memory_space<vmem>>) offsets(%dma_start3A_24 : memref<128xi32, #tpu.memory_space<vmem>>) semaphore(%arg13 : memref<!tpu.dma_semaphore, #tpu.memory_space<semaphore_mem>>)
    %scan3A = arith.constant 0 : i32
    %scan3A_28 = arith.constant 0 : i32
    %scan3A_29 = arith.constant 79 : i32
    %scan3A_30 = arith.addi %scan3A_28, %scan3A_29 : i32
    %scan3A_31 = arith.constant 1 : i32
    scf.for %scan3A_34 = %scan3A_28 to %scan3A_30 step %scan3A_31  : i32 {
      %mul3A_35 = arith.constant 2 : i32
      %mul3A_36 = arith.muli %mul3A_35, %scan3A_34 : i32
      %add3A_37 = arith.constant 0 : i32
      %add3A_38 = arith.addi %mul3A_36, %add3A_37 : i32
      %dma_wait3A = arith.constant 0 : i32
      %dma_wait3A_39 = arith.constant 0 : i32
      %dma_wait3A_40 = arith.constant 0 : i32
      %dma_wait3A_41 = tpu.memref_slice %arg9[%dma_wait3A, %dma_wait3A_39, %dma_wait3A_40] : memref<2x128x32xf32, #tpu.memory_space<vmem>> -> memref<1x128x32xf32, #tpu.memory_space<vmem>>
      %dma_wait3A_42 = tpu.memref_squeeze %dma_wait3A_41 : memref<1x128x32xf32, #tpu.memory_space<vmem>> -> memref<128x32xf32, #tpu.memory_space<vmem>>
      %dma_wait3A_43 = arith.constant 0 : i32
      %dma_wait3A_44 = tpu.memref_slice %arg7[%add3A_38, %dma_wait3A_43] : memref<158x128xi32, #tpu.memory_space<vmem>> -> memref<1x128xi32, #tpu.memory_space<vmem>>
      %dma_wait3A_45 = tpu.memref_squeeze %dma_wait3A_44 : memref<1x128xi32, #tpu.memory_space<vmem>> -> memref<128xi32, #tpu.memory_space<vmem>>
      %dma_wait3A_46 = arith.constant 0 : i32
      %dma_wait3A_47 = arith.constant 0 : i32
      %dma_wait3A_48 = tpu.memref_slice %arg10[%dma_wait3A_46, %dma_wait3A_47] : memref<20096x32xf32, #tpu.memory_space<vmem_shared>> -> memref<20096x32xf32, #tpu.memory_space<vmem_shared>>
      tpu.wait_indirect_dma semaphore(%arg12 : memref<!tpu.dma_semaphore, #tpu.memory_space<semaphore_mem>>) src(%dma_wait3A_48 : memref<20096x32xf32, #tpu.memory_space<vmem_shared>>) dst(%dma_wait3A_42 : memref<128x32xf32, #tpu.memory_space<vmem>>)
      %run_scoped3A = arith.constant 0 : i32
      "tpu.region"() ({
        %run_scoped3A_76 = tpu.sem_alloc : memref<!tpu.dma_semaphore, #tpu.memory_space<semaphore_mem>>
        %dma_start3A_77 = arith.constant 0 : i32
        %dma_start3A_78 = arith.constant 0 : i32
        %dma_start3A_79 = tpu.memref_slice %arg9[%run_scoped3A, %dma_start3A_77, %dma_start3A_78] : memref<2x128x32xf32, #tpu.memory_space<vmem>> -> memref<1x128x32xf32, #tpu.memory_space<vmem>>
        %dma_start3A_80 = tpu.memref_squeeze %dma_start3A_79 : memref<1x128x32xf32, #tpu.memory_space<vmem>> -> memref<128x32xf32, #tpu.memory_space<vmem>>
        %dma_start3A_81 = arith.constant 0 : i32
        %dma_start3A_82 = tpu.memref_slice %arg8[%add3A_38, %dma_start3A_81] : memref<158x128xi32, #tpu.memory_space<vmem>> -> memref<1x128xi32, #tpu.memory_space<vmem>>
        %dma_start3A_83 = tpu.memref_squeeze %dma_start3A_82 : memref<1x128xi32, #tpu.memory_space<vmem>> -> memref<128xi32, #tpu.memory_space<vmem>>
        %dma_start3A_84 = arith.constant 0 : i32
        %dma_start3A_85 = arith.constant 0 : i32
        %dma_start3A_86 = tpu.memref_slice %arg11[%dma_start3A_84, %dma_start3A_85] : memref<10112x32xf32, #tpu.memory_space<vmem_shared>> -> memref<10112x32xf32, #tpu.memory_space<vmem_shared>>
        tpu.enqueue_indirect_dma source(%dma_start3A_80 : memref<128x32xf32, #tpu.memory_space<vmem>>) target(%dma_start3A_86 : memref<10112x32xf32, #tpu.memory_space<vmem_shared>>) offsets(%dma_start3A_83 : memref<128xi32, #tpu.memory_space<vmem>>) semaphore(%run_scoped3A_76 : memref<!tpu.dma_semaphore, #tpu.memory_space<semaphore_mem>>) {add = true}
        %dma_wait3A_87 = arith.constant 0 : i32
        %dma_wait3A_88 = arith.constant 0 : i32
        %dma_wait3A_89 = tpu.memref_slice %arg9[%run_scoped3A, %dma_wait3A_87, %dma_wait3A_88] : memref<2x128x32xf32, #tpu.memory_space<vmem>> -> memref<1x128x32xf32, #tpu.memory_space<vmem>>
        %dma_wait3A_90 = tpu.memref_squeeze %dma_wait3A_89 : memref<1x128x32xf32, #tpu.memory_space<vmem>> -> memref<128x32xf32, #tpu.memory_space<vmem>>
        %dma_wait3A_91 = arith.constant 0 : i32
        %dma_wait3A_92 = tpu.memref_slice %arg8[%add3A_38, %dma_wait3A_91] : memref<158x128xi32, #tpu.memory_space<vmem>> -> memref<1x128xi32, #tpu.memory_space<vmem>>
        %dma_wait3A_93 = tpu.memref_squeeze %dma_wait3A_92 : memref<1x128xi32, #tpu.memory_space<vmem>> -> memref<128xi32, #tpu.memory_space<vmem>>
        %dma_wait3A_94 = arith.constant 0 : i32
        %dma_wait3A_95 = arith.constant 0 : i32
        %dma_wait3A_96 = tpu.memref_slice %arg11[%dma_wait3A_94, %dma_wait3A_95] : memref<10112x32xf32, #tpu.memory_space<vmem_shared>> -> memref<10112x32xf32, #tpu.memory_space<vmem_shared>>
        tpu.wait_indirect_dma semaphore(%run_scoped3A_76 : memref<!tpu.dma_semaphore, #tpu.memory_space<semaphore_mem>>) src(%dma_wait3A_90 : memref<128x32xf32, #tpu.memory_space<vmem>>) dst(%dma_wait3A_96 : memref<10112x32xf32, #tpu.memory_space<vmem_shared>>)
        tpu.yield
      }) : () -> ()
      %add3A_49 = arith.constant 2 : i32
      %add3A_50 = arith.addi %add3A_38, %add3A_49 : i32
      %lt3A = arith.constant 158 : i32
      %lt3A_51 = arith.cmpi slt, %add3A_50, %lt3A : i32
      %convert_element_type3A = arith.extui %lt3A_51 : i1 to i32
      %cond3A = arith.constant 0 : i32
      %cond3A_52 = arith.cmpi ne, %convert_element_type3A, %cond3A : i32
      scf.if %cond3A_52 {
        %dma_start3A_76 = arith.constant 0 : i32
        %dma_start3A_77 = arith.constant 0 : i32
        %dma_start3A_78 = arith.constant 0 : i32
        %dma_start3A_79 = tpu.memref_slice %arg9[%dma_start3A_76, %dma_start3A_77, %dma_start3A_78] : memref<2x128x32xf32, #tpu.memory_space<vmem>> -> memref<1x128x32xf32, #tpu.memory_space<vmem>>
        %dma_start3A_80 = tpu.memref_squeeze %dma_start3A_79 : memref<1x128x32xf32, #tpu.memory_space<vmem>> -> memref<128x32xf32, #tpu.memory_space<vmem>>
        %dma_start3A_81 = arith.constant 0 : i32
        %dma_start3A_82 = tpu.memref_slice %arg7[%add3A_50, %dma_start3A_81] : memref<158x128xi32, #tpu.memory_space<vmem>> -> memref<1x128xi32, #tpu.memory_space<vmem>>
        %dma_start3A_83 = tpu.memref_squeeze %dma_start3A_82 : memref<1x128xi32, #tpu.memory_space<vmem>> -> memref<128xi32, #tpu.memory_space<vmem>>
        %dma_start3A_84 = arith.constant 0 : i32
        %dma_start3A_85 = arith.constant 0 : i32
        %dma_start3A_86 = tpu.memref_slice %arg10[%dma_start3A_84, %dma_start3A_85] : memref<20096x32xf32, #tpu.memory_space<vmem_shared>> -> memref<20096x32xf32, #tpu.memory_space<vmem_shared>>
        tpu.enqueue_indirect_dma source(%dma_start3A_86 : memref<20096x32xf32, #tpu.memory_space<vmem_shared>>) target(%dma_start3A_80 : memref<128x32xf32, #tpu.memory_space<vmem>>) offsets(%dma_start3A_83 : memref<128xi32, #tpu.memory_space<vmem>>) semaphore(%arg12 : memref<!tpu.dma_semaphore, #tpu.memory_space<semaphore_mem>>)
      } else {
      }
      %mul3A_53 = arith.constant 2 : i32
      %mul3A_54 = arith.muli %mul3A_53, %scan3A_34 : i32
      %add3A_55 = arith.constant 1 : i32
      %add3A_56 = arith.addi %mul3A_54, %add3A_55 : i32
      %dma_wait3A_57 = arith.constant 1 : i32
      %dma_wait3A_58 = arith.constant 0 : i32
      %dma_wait3A_59 = arith.constant 0 : i32
      %dma_wait3A_60 = tpu.memref_slice %arg9[%dma_wait3A_57, %dma_wait3A_58, %dma_wait3A_59] : memref<2x128x32xf32, #tpu.memory_space<vmem>> -> memref<1x128x32xf32, #tpu.memory_space<vmem>>
      %dma_wait3A_61 = tpu.memref_squeeze %dma_wait3A_60 : memref<1x128x32xf32, #tpu.memory_space<vmem>> -> memref<128x32xf32, #tpu.memory_space<vmem>>
      %dma_wait3A_62 = arith.constant 0 : i32
      %dma_wait3A_63 = tpu.memref_slice %arg7[%add3A_56, %dma_wait3A_62] : memref<158x128xi32, #tpu.memory_space<vmem>> -> memref<1x128xi32, #tpu.memory_space<vmem>>
      %dma_wait3A_64 = tpu.memref_squeeze %dma_wait3A_63 : memref<1x128xi32, #tpu.memory_space<vmem>> -> memref<128xi32, #tpu.memory_space<vmem>>
      %dma_wait3A_65 = arith.constant 0 : i32
      %dma_wait3A_66 = arith.constant 0 : i32
      %dma_wait3A_67 = tpu.memref_slice %arg10[%dma_wait3A_65, %dma_wait3A_66] : memref<20096x32xf32, #tpu.memory_space<vmem_shared>> -> memref<20096x32xf32, #tpu.memory_space<vmem_shared>>
      tpu.wait_indirect_dma semaphore(%arg13 : memref<!tpu.dma_semaphore, #tpu.memory_space<semaphore_mem>>) src(%dma_wait3A_67 : memref<20096x32xf32, #tpu.memory_space<vmem_shared>>) dst(%dma_wait3A_61 : memref<128x32xf32, #tpu.memory_space<vmem>>)
      %run_scoped3A_68 = arith.constant 1 : i32
      "tpu.region"() ({
        %run_scoped3A_76 = tpu.sem_alloc : memref<!tpu.dma_semaphore, #tpu.memory_space<semaphore_mem>>
        %dma_start3A_77 = arith.constant 0 : i32
        %dma_start3A_78 = arith.constant 0 : i32
        %dma_start3A_79 = tpu.memref_slice %arg9[%run_scoped3A_68, %dma_start3A_77, %dma_start3A_78] : memref<2x128x32xf32, #tpu.memory_space<vmem>> -> memref<1x128x32xf32, #tpu.memory_space<vmem>>
        %dma_start3A_80 = tpu.memref_squeeze %dma_start3A_79 : memref<1x128x32xf32, #tpu.memory_space<vmem>> -> memref<128x32xf32, #tpu.memory_space<vmem>>
        %dma_start3A_81 = arith.constant 0 : i32
        %dma_start3A_82 = tpu.memref_slice %arg8[%add3A_56, %dma_start3A_81] : memref<158x128xi32, #tpu.memory_space<vmem>> -> memref<1x128xi32, #tpu.memory_space<vmem>>
        %dma_start3A_83 = tpu.memref_squeeze %dma_start3A_82 : memref<1x128xi32, #tpu.memory_space<vmem>> -> memref<128xi32, #tpu.memory_space<vmem>>
        %dma_start3A_84 = arith.constant 0 : i32
        %dma_start3A_85 = arith.constant 0 : i32
        %dma_start3A_86 = tpu.memref_slice %arg11[%dma_start3A_84, %dma_start3A_85] : memref<10112x32xf32, #tpu.memory_space<vmem_shared>> -> memref<10112x32xf32, #tpu.memory_space<vmem_shared>>
        tpu.enqueue_indirect_dma source(%dma_start3A_80 : memref<128x32xf32, #tpu.memory_space<vmem>>) target(%dma_start3A_86 : memref<10112x32xf32, #tpu.memory_space<vmem_shared>>) offsets(%dma_start3A_83 : memref<128xi32, #tpu.memory_space<vmem>>) semaphore(%run_scoped3A_76 : memref<!tpu.dma_semaphore, #tpu.memory_space<semaphore_mem>>) {add = true}
        %dma_wait3A_87 = arith.constant 0 : i32
        %dma_wait3A_88 = arith.constant 0 : i32
        %dma_wait3A_89 = tpu.memref_slice %arg9[%run_scoped3A_68, %dma_wait3A_87, %dma_wait3A_88] : memref<2x128x32xf32, #tpu.memory_space<vmem>> -> memref<1x128x32xf32, #tpu.memory_space<vmem>>
        %dma_wait3A_90 = tpu.memref_squeeze %dma_wait3A_89 : memref<1x128x32xf32, #tpu.memory_space<vmem>> -> memref<128x32xf32, #tpu.memory_space<vmem>>
        %dma_wait3A_91 = arith.constant 0 : i32
        %dma_wait3A_92 = tpu.memref_slice %arg8[%add3A_56, %dma_wait3A_91] : memref<158x128xi32, #tpu.memory_space<vmem>> -> memref<1x128xi32, #tpu.memory_space<vmem>>
        %dma_wait3A_93 = tpu.memref_squeeze %dma_wait3A_92 : memref<1x128xi32, #tpu.memory_space<vmem>> -> memref<128xi32, #tpu.memory_space<vmem>>
        %dma_wait3A_94 = arith.constant 0 : i32
        %dma_wait3A_95 = arith.constant 0 : i32
        %dma_wait3A_96 = tpu.memref_slice %arg11[%dma_wait3A_94, %dma_wait3A_95] : memref<10112x32xf32, #tpu.memory_space<vmem_shared>> -> memref<10112x32xf32, #tpu.memory_space<vmem_shared>>
        tpu.wait_indirect_dma semaphore(%run_scoped3A_76 : memref<!tpu.dma_semaphore, #tpu.memory_space<semaphore_mem>>) src(%dma_wait3A_90 : memref<128x32xf32, #tpu.memory_space<vmem>>) dst(%dma_wait3A_96 : memref<10112x32xf32, #tpu.memory_space<vmem_shared>>)
        tpu.yield
      }) : () -> ()
      %add3A_69 = arith.constant 2 : i32
      %add3A_70 = arith.addi %add3A_56, %add3A_69 : i32
      %lt3A_71 = arith.constant 158 : i32
      %lt3A_72 = arith.cmpi slt, %add3A_70, %lt3A_71 : i32
      %convert_element_type3A_73 = arith.extui %lt3A_72 : i1 to i32
      %cond3A_74 = arith.constant 0 : i32
      %cond3A_75 = arith.cmpi ne, %convert_element_type3A_73, %cond3A_74 : i32
      scf.if %cond3A_75 {
        %dma_start3A_76 = arith.constant 1 : i32
        %dma_start3A_77 = arith.constant 0 : i32
        %dma_start3A_78 = arith.constant 0 : i32
        %dma_start3A_79 = tpu.memref_slice %arg9[%dma_start3A_76, %dma_start3A_77, %dma_start3A_78] : memref<2x128x32xf32, #tpu.memory_space<vmem>> -> memref<1x128x32xf32, #tpu.memory_space<vmem>>
        %dma_start3A_80 = tpu.memref_squeeze %dma_start3A_79 : memref<1x128x32xf32, #tpu.memory_space<vmem>> -> memref<128x32xf32, #tpu.memory_space<vmem>>
        %dma_start3A_81 = arith.constant 0 : i32
        %dma_start3A_82 = tpu.memref_slice %arg7[%add3A_70, %dma_start3A_81] : memref<158x128xi32, #tpu.memory_space<vmem>> -> memref<1x128xi32, #tpu.memory_space<vmem>>
        %dma_start3A_83 = tpu.memref_squeeze %dma_start3A_82 : memref<1x128xi32, #tpu.memory_space<vmem>> -> memref<128xi32, #tpu.memory_space<vmem>>
        %dma_start3A_84 = arith.constant 0 : i32
        %dma_start3A_85 = arith.constant 0 : i32
        %dma_start3A_86 = tpu.memref_slice %arg10[%dma_start3A_84, %dma_start3A_85] : memref<20096x32xf32, #tpu.memory_space<vmem_shared>> -> memref<20096x32xf32, #tpu.memory_space<vmem_shared>>
        tpu.enqueue_indirect_dma source(%dma_start3A_86 : memref<20096x32xf32, #tpu.memory_space<vmem_shared>>) target(%dma_start3A_80 : memref<128x32xf32, #tpu.memory_space<vmem>>) offsets(%dma_start3A_83 : memref<128xi32, #tpu.memory_space<vmem>>) semaphore(%arg13 : memref<!tpu.dma_semaphore, #tpu.memory_space<semaphore_mem>>)
      } else {
      }
    }
    %scan3A_32 = arith.constant 79 : i32
    %barrier3A_33 = arith.constant 0 : index
    tpu.barrier barrier_id(%barrier3A_33)
    "tpu.region"() ({
      %run_scoped3A = tpu.sem_alloc : memref<!tpu.dma_semaphore, #tpu.memory_space<semaphore_mem>>
      %dma_start3A_34 = arith.constant 0 : i32
      %dma_start3A_35 = tpu.memref_slice %arg6[%arg0, %mul3A_4, %dma_start3A_34] : memref<2x10112x32xf32, #tpu.memory_space<hbm>> -> memref<1x632x32xf32, #tpu.memory_space<hbm>>
      %dma_start3A_36 = tpu.memref_squeeze %dma_start3A_35 : memref<1x632x32xf32, #tpu.memory_space<hbm>> -> memref<632x32xf32, #tpu.memory_space<hbm>>
      %dma_start3A_37 = arith.constant 0 : i32
      %dma_start3A_38 = tpu.memref_slice %arg11[%mul3A_4, %dma_start3A_37] : memref<10112x32xf32, #tpu.memory_space<vmem_shared>> -> memref<632x32xf32, #tpu.memory_space<vmem_shared>>
      tpu.enqueue_dma source(%dma_start3A_38 : memref<632x32xf32, #tpu.memory_space<vmem_shared>>) target(%dma_start3A_36 : memref<632x32xf32, #tpu.memory_space<hbm>>) target_semaphore(%run_scoped3A : memref<!tpu.dma_semaphore, #tpu.memory_space<semaphore_mem>>)
      %dma_wait3A = arith.constant 0 : i32
      %dma_wait3A_39 = tpu.memref_slice %arg6[%arg0, %mul3A_4, %dma_wait3A] : memref<2x10112x32xf32, #tpu.memory_space<hbm>> -> memref<1x632x32xf32, #tpu.memory_space<hbm>>
      %dma_wait3A_40 = tpu.memref_squeeze %dma_wait3A_39 : memref<1x632x32xf32, #tpu.memory_space<hbm>> -> memref<632x32xf32, #tpu.memory_space<hbm>>
      %dma_wait3A_41 = arith.constant 0 : i32
      %dma_wait3A_42 = tpu.memref_slice %arg11[%mul3A_4, %dma_wait3A_41] : memref<10112x32xf32, #tpu.memory_space<vmem_shared>> -> memref<632x32xf32, #tpu.memory_space<vmem_shared>>
      tpu.wait_dma2 semaphore(%run_scoped3A : memref<!tpu.dma_semaphore, #tpu.memory_space<semaphore_mem>>) src(%dma_wait3A_42 : memref<632x32xf32, #tpu.memory_space<vmem_shared>>) dst(%dma_wait3A_40 : memref<632x32xf32, #tpu.memory_space<hbm>>)
      tpu.yield
    }) : () -> ()
    return
  }
}

#map = affine_map<(d0, d1) -> (0, 0)>
#map1 = affine_map<(d0, d1) -> (0, 0, 0)>
module attributes {stable_mosaic.version = 14 : i64} {
  func.func @agg(%arg0: i32, %arg1: i32, %arg2: memref<20096x32xf32, #tpu.memory_space<hbm>>, %arg3: memref<32x158x128xi32, #tpu.memory_space<hbm>>, %arg4: memref<16x158x128xi32, #tpu.memory_space<hbm>>, %arg5: memref<10112x32xf32, #tpu.memory_space<hbm>>, %arg6: memref<2x10112x32xf32, #tpu.memory_space<hbm>>, %arg7: memref<158x128xi32, #tpu.memory_space<vmem>>, %arg8: memref<158x128xi32, #tpu.memory_space<vmem>>, %arg9: memref<2x128x32xf32, #tpu.memory_space<vmem>>, %arg10: memref<20096x32xf32, #tpu.memory_space<vmem_shared>>, %arg11: memref<10112x32xf32, #tpu.memory_space<vmem_shared>>, %arg12: memref<!tpu.dma_semaphore, #tpu.memory_space<semaphore_mem>>, %arg13: memref<!tpu.dma_semaphore, #tpu.memory_space<semaphore_mem>>) attributes {dimension_semantics = [#tpu.dimension_semantics<core_parallel>, #tpu.dimension_semantics<subcore_parallel>], iteration_bounds = array<i64: 2, 16>, scalar_prefetch = 0 : i64, scratch_operands = 7 : i64, tpu.core_type = #tpu.core_type<sc_vector_subcore>, window_params = [{transform_indices = #map}, {transform_indices = #map1}, {transform_indices = #map1}, {transform_indices = #map}, {transform_indices = #map1}]} {
    %mul3A = arith.constant 16 : i32
    %mul3A_0 = arith.muli %arg0, %mul3A : i32
    %add3A = arith.addi %mul3A_0, %arg1 : i32
    "tpu.region"() ({
      %run_scoped3A = tpu.sem_alloc : memref<!tpu.dma_semaphore, #tpu.memory_space<semaphore_mem>>
      %dma_start3A_34 = arith.constant 0 : i32
      %dma_start3A_35 = arith.constant 0 : i32
      %dma_start3A_36 = tpu.memref_slice %arg3[%add3A, %dma_start3A_34, %dma_start3A_35] : memref<32x158x128xi32, #tpu.memory_space<hbm>> -> memref<1x158x128xi32, #tpu.memory_space<hbm>>
      %dma_start3A_37 = tpu.memref_squeeze %dma_start3A_36 : memref<1x158x128xi32, #tpu.memory_space<hbm>> -> memref<158x128xi32, #tpu.memory_space<hbm>>
      %dma_start3A_38 = arith.constant 0 : i32
      %dma_start3A_39 = arith.constant 0 : i32
      %dma_start3A_40 = tpu.memref_slice %arg3[%add3A, %dma_start3A_38, %dma_start3A_39] : memref<32x158x128xi32, #tpu.memory_space<hbm>> -> memref<1x158x128xi32, #tpu.memory_space<hbm>>
      %dma_start3A_41 = tpu.memref_squeeze %dma_start3A_40 : memref<1x158x128xi32, #tpu.memory_space<hbm>> -> memref<158x128xi32, #tpu.memory_space<hbm>>
      tpu.enqueue_dma source(%dma_start3A_41 : memref<158x128xi32, #tpu.memory_space<hbm>>) target(%arg7 : memref<158x128xi32, #tpu.memory_space<vmem>>) target_semaphore(%run_scoped3A : memref<!tpu.dma_semaphore, #tpu.memory_space<semaphore_mem>>)
      %dma_wait3A = arith.constant 0 : i32
      %dma_wait3A_42 = arith.constant 0 : i32
      %dma_wait3A_43 = tpu.memref_slice %arg3[%add3A, %dma_wait3A, %dma_wait3A_42] : memref<32x158x128xi32, #tpu.memory_space<hbm>> -> memref<1x158x128xi32, #tpu.memory_space<hbm>>
      %dma_wait3A_44 = tpu.memref_squeeze %dma_wait3A_43 : memref<1x158x128xi32, #tpu.memory_space<hbm>> -> memref<158x128xi32, #tpu.memory_space<hbm>>
      %dma_wait3A_45 = arith.constant 0 : i32
      %dma_wait3A_46 = arith.constant 0 : i32
      %dma_wait3A_47 = tpu.memref_slice %arg3[%add3A, %dma_wait3A_45, %dma_wait3A_46] : memref<32x158x128xi32, #tpu.memory_space<hbm>> -> memref<1x158x128xi32, #tpu.memory_space<hbm>>
      %dma_wait3A_48 = tpu.memref_squeeze %dma_wait3A_47 : memref<1x158x128xi32, #tpu.memory_space<hbm>> -> memref<158x128xi32, #tpu.memory_space<hbm>>
      tpu.wait_dma2 semaphore(%run_scoped3A : memref<!tpu.dma_semaphore, #tpu.memory_space<semaphore_mem>>) src(%dma_wait3A_48 : memref<158x128xi32, #tpu.memory_space<hbm>>) dst(%arg7 : memref<158x128xi32, #tpu.memory_space<vmem>>)
      tpu.yield
    }) : () -> ()
    "tpu.region"() ({
      %run_scoped3A = tpu.sem_alloc : memref<!tpu.dma_semaphore, #tpu.memory_space<semaphore_mem>>
      %dma_start3A_34 = arith.constant 0 : i32
      %dma_start3A_35 = arith.constant 0 : i32
      %dma_start3A_36 = tpu.memref_slice %arg4[%arg1, %dma_start3A_34, %dma_start3A_35] : memref<16x158x128xi32, #tpu.memory_space<hbm>> -> memref<1x158x128xi32, #tpu.memory_space<hbm>>
      %dma_start3A_37 = tpu.memref_squeeze %dma_start3A_36 : memref<1x158x128xi32, #tpu.memory_space<hbm>> -> memref<158x128xi32, #tpu.memory_space<hbm>>
      %dma_start3A_38 = arith.constant 0 : i32
      %dma_start3A_39 = arith.constant 0 : i32
      %dma_start3A_40 = tpu.memref_slice %arg4[%arg1, %dma_start3A_38, %dma_start3A_39] : memref<16x158x128xi32, #tpu.memory_space<hbm>> -> memref<1x158x128xi32, #tpu.memory_space<hbm>>
      %dma_start3A_41 = tpu.memref_squeeze %dma_start3A_40 : memref<1x158x128xi32, #tpu.memory_space<hbm>> -> memref<158x128xi32, #tpu.memory_space<hbm>>
      tpu.enqueue_dma source(%dma_start3A_41 : memref<158x128xi32, #tpu.memory_space<hbm>>) target(%arg8 : memref<158x128xi32, #tpu.memory_space<vmem>>) target_semaphore(%run_scoped3A : memref<!tpu.dma_semaphore, #tpu.memory_space<semaphore_mem>>)
      %dma_wait3A = arith.constant 0 : i32
      %dma_wait3A_42 = arith.constant 0 : i32
      %dma_wait3A_43 = tpu.memref_slice %arg4[%arg1, %dma_wait3A, %dma_wait3A_42] : memref<16x158x128xi32, #tpu.memory_space<hbm>> -> memref<1x158x128xi32, #tpu.memory_space<hbm>>
      %dma_wait3A_44 = tpu.memref_squeeze %dma_wait3A_43 : memref<1x158x128xi32, #tpu.memory_space<hbm>> -> memref<158x128xi32, #tpu.memory_space<hbm>>
      %dma_wait3A_45 = arith.constant 0 : i32
      %dma_wait3A_46 = arith.constant 0 : i32
      %dma_wait3A_47 = tpu.memref_slice %arg4[%arg1, %dma_wait3A_45, %dma_wait3A_46] : memref<16x158x128xi32, #tpu.memory_space<hbm>> -> memref<1x158x128xi32, #tpu.memory_space<hbm>>
      %dma_wait3A_48 = tpu.memref_squeeze %dma_wait3A_47 : memref<1x158x128xi32, #tpu.memory_space<hbm>> -> memref<158x128xi32, #tpu.memory_space<hbm>>
      tpu.wait_dma2 semaphore(%run_scoped3A : memref<!tpu.dma_semaphore, #tpu.memory_space<semaphore_mem>>) src(%dma_wait3A_48 : memref<158x128xi32, #tpu.memory_space<hbm>>) dst(%arg8 : memref<158x128xi32, #tpu.memory_space<vmem>>)
      tpu.yield
    }) : () -> ()
    %mul3A_1 = arith.constant 1256 : i32
    %mul3A_2 = arith.muli %arg1, %mul3A_1 : i32
    "tpu.region"() ({
      %run_scoped3A = tpu.sem_alloc : memref<!tpu.dma_semaphore, #tpu.memory_space<semaphore_mem>>
      %dma_start3A_34 = arith.constant 0 : i32
      %dma_start3A_35 = tpu.memref_slice %arg10[%mul3A_2, %dma_start3A_34] : memref<20096x32xf32, #tpu.memory_space<vmem_shared>> -> memref<1256x32xf32, #tpu.memory_space<vmem_shared>>
      %dma_start3A_36 = arith.constant 0 : i32
      %dma_start3A_37 = tpu.memref_slice %arg2[%mul3A_2, %dma_start3A_36] : memref<20096x32xf32, #tpu.memory_space<hbm>> -> memref<1256x32xf32, #tpu.memory_space<hbm>>
      tpu.enqueue_dma source(%dma_start3A_37 : memref<1256x32xf32, #tpu.memory_space<hbm>>) target(%dma_start3A_35 : memref<1256x32xf32, #tpu.memory_space<vmem_shared>>) target_semaphore(%run_scoped3A : memref<!tpu.dma_semaphore, #tpu.memory_space<semaphore_mem>>)
      %dma_wait3A = arith.constant 0 : i32
      %dma_wait3A_38 = tpu.memref_slice %arg10[%mul3A_2, %dma_wait3A] : memref<20096x32xf32, #tpu.memory_space<vmem_shared>> -> memref<1256x32xf32, #tpu.memory_space<vmem_shared>>
      %dma_wait3A_39 = arith.constant 0 : i32
      %dma_wait3A_40 = tpu.memref_slice %arg2[%mul3A_2, %dma_wait3A_39] : memref<20096x32xf32, #tpu.memory_space<hbm>> -> memref<1256x32xf32, #tpu.memory_space<hbm>>
      tpu.wait_dma2 semaphore(%run_scoped3A : memref<!tpu.dma_semaphore, #tpu.memory_space<semaphore_mem>>) src(%dma_wait3A_40 : memref<1256x32xf32, #tpu.memory_space<hbm>>) dst(%dma_wait3A_38 : memref<1256x32xf32, #tpu.memory_space<vmem_shared>>)
      tpu.yield
    }) : () -> ()
    %mul3A_3 = arith.constant 632 : i32
    %mul3A_4 = arith.muli %arg1, %mul3A_3 : i32
    "tpu.region"() ({
      %run_scoped3A = tpu.sem_alloc : memref<!tpu.dma_semaphore, #tpu.memory_space<semaphore_mem>>
      %dma_start3A_34 = arith.constant 0 : i32
      %dma_start3A_35 = tpu.memref_slice %arg11[%mul3A_4, %dma_start3A_34] : memref<10112x32xf32, #tpu.memory_space<vmem_shared>> -> memref<632x32xf32, #tpu.memory_space<vmem_shared>>
      %dma_start3A_36 = arith.constant 0 : i32
      %dma_start3A_37 = tpu.memref_slice %arg5[%mul3A_4, %dma_start3A_36] : memref<10112x32xf32, #tpu.memory_space<hbm>> -> memref<632x32xf32, #tpu.memory_space<hbm>>
      tpu.enqueue_dma source(%dma_start3A_37 : memref<632x32xf32, #tpu.memory_space<hbm>>) target(%dma_start3A_35 : memref<632x32xf32, #tpu.memory_space<vmem_shared>>) target_semaphore(%run_scoped3A : memref<!tpu.dma_semaphore, #tpu.memory_space<semaphore_mem>>)
      %dma_wait3A = arith.constant 0 : i32
      %dma_wait3A_38 = tpu.memref_slice %arg11[%mul3A_4, %dma_wait3A] : memref<10112x32xf32, #tpu.memory_space<vmem_shared>> -> memref<632x32xf32, #tpu.memory_space<vmem_shared>>
      %dma_wait3A_39 = arith.constant 0 : i32
      %dma_wait3A_40 = tpu.memref_slice %arg5[%mul3A_4, %dma_wait3A_39] : memref<10112x32xf32, #tpu.memory_space<hbm>> -> memref<632x32xf32, #tpu.memory_space<hbm>>
      tpu.wait_dma2 semaphore(%run_scoped3A : memref<!tpu.dma_semaphore, #tpu.memory_space<semaphore_mem>>) src(%dma_wait3A_40 : memref<632x32xf32, #tpu.memory_space<hbm>>) dst(%dma_wait3A_38 : memref<632x32xf32, #tpu.memory_space<vmem_shared>>)
      tpu.yield
    }) : () -> ()
    %barrier3A = arith.constant 0 : index
    tpu.barrier barrier_id(%barrier3A)
    %dma_start3A = arith.constant 0 : i32
    %dma_start3A_5 = arith.constant 0 : i32
    %dma_start3A_6 = arith.constant 0 : i32
    %dma_start3A_7 = arith.constant 0 : i32
    %dma_start3A_8 = tpu.memref_slice %arg9[%dma_start3A_5, %dma_start3A_6, %dma_start3A_7] : memref<2x128x32xf32, #tpu.memory_space<vmem>> -> memref<1x128x32xf32, #tpu.memory_space<vmem>>
    %dma_start3A_9 = tpu.memref_squeeze %dma_start3A_8 : memref<1x128x32xf32, #tpu.memory_space<vmem>> -> memref<128x32xf32, #tpu.memory_space<vmem>>
    %dma_start3A_10 = arith.constant 0 : i32
    %dma_start3A_11 = tpu.memref_slice %arg7[%dma_start3A, %dma_start3A_10] : memref<158x128xi32, #tpu.memory_space<vmem>> -> memref<1x128xi32, #tpu.memory_space<vmem>>
    %dma_start3A_12 = tpu.memref_squeeze %dma_start3A_11 : memref<1x128xi32, #tpu.memory_space<vmem>> -> memref<128xi32, #tpu.memory_space<vmem>>
    %dma_start3A_13 = arith.constant 0 : i32
    %dma_start3A_14 = arith.constant 0 : i32
    %dma_start3A_15 = tpu.memref_slice %arg10[%dma_start3A_13, %dma_start3A_14] : memref<20096x32xf32, #tpu.memory_space<vmem_shared>> -> memref<20096x32xf32, #tpu.memory_space<vmem_shared>>
    tpu.enqueue_indirect_dma source(%dma_start3A_15 : memref<20096x32xf32, #tpu.memory_space<vmem_shared>>) target(%dma_start3A_9 : memref<128x32xf32, #tpu.memory_space<vmem>>) offsets(%dma_start3A_12 : memref<128xi32, #tpu.memory_space<vmem>>) semaphore(%arg12 : memref<!tpu.dma_semaphore, #tpu.memory_space<semaphore_mem>>)
    %dma_start3A_16 = arith.constant 1 : i32
    %dma_start3A_17 = arith.constant 1 : i32
    %dma_start3A_18 = arith.constant 0 : i32
    %dma_start3A_19 = arith.constant 0 : i32
    %dma_start3A_20 = tpu.memref_slice %arg9[%dma_start3A_17, %dma_start3A_18, %dma_start3A_19] : memref<2x128x32xf32, #tpu.memory_space<vmem>> -> memref<1x128x32xf32, #tpu.memory_space<vmem>>
    %dma_start3A_21 = tpu.memref_squeeze %dma_start3A_20 : memref<1x128x32xf32, #tpu.memory_space<vmem>> -> memref<128x32xf32, #tpu.memory_space<vmem>>
    %dma_start3A_22 = arith.constant 0 : i32
    %dma_start3A_23 = tpu.memref_slice %arg7[%dma_start3A_16, %dma_start3A_22] : memref<158x128xi32, #tpu.memory_space<vmem>> -> memref<1x128xi32, #tpu.memory_space<vmem>>
    %dma_start3A_24 = tpu.memref_squeeze %dma_start3A_23 : memref<1x128xi32, #tpu.memory_space<vmem>> -> memref<128xi32, #tpu.memory_space<vmem>>
    %dma_start3A_25 = arith.constant 0 : i32
    %dma_start3A_26 = arith.constant 0 : i32
    %dma_start3A_27 = tpu.memref_slice %arg10[%dma_start3A_25, %dma_start3A_26] : memref<20096x32xf32, #tpu.memory_space<vmem_shared>> -> memref<20096x32xf32, #tpu.memory_space<vmem_shared>>
    tpu.enqueue_indirect_dma source(%dma_start3A_27 : memref<20096x32xf32, #tpu.memory_space<vmem_shared>>) target(%dma_start3A_21 : memref<128x32xf32, #tpu.memory_space<vmem>>) offsets(%dma_start3A_24 : memref<128xi32, #tpu.memory_space<vmem>>) semaphore(%arg13 : memref<!tpu.dma_semaphore, #tpu.memory_space<semaphore_mem>>)
    %scan3A = arith.constant 0 : i32
    %scan3A_28 = arith.constant 0 : i32
    %scan3A_29 = arith.constant 79 : i32
    %scan3A_30 = arith.addi %scan3A_28, %scan3A_29 : i32
    %scan3A_31 = arith.constant 1 : i32
    scf.for %scan3A_34 = %scan3A_28 to %scan3A_30 step %scan3A_31  : i32 {
      %mul3A_35 = arith.constant 2 : i32
      %mul3A_36 = arith.muli %mul3A_35, %scan3A_34 : i32
      %add3A_37 = arith.constant 0 : i32
      %add3A_38 = arith.addi %mul3A_36, %add3A_37 : i32
      %dma_wait3A = arith.constant 0 : i32
      %dma_wait3A_39 = arith.constant 0 : i32
      %dma_wait3A_40 = arith.constant 0 : i32
      %dma_wait3A_41 = tpu.memref_slice %arg9[%dma_wait3A, %dma_wait3A_39, %dma_wait3A_40] : memref<2x128x32xf32, #tpu.memory_space<vmem>> -> memref<1x128x32xf32, #tpu.memory_space<vmem>>
      %dma_wait3A_42 = tpu.memref_squeeze %dma_wait3A_41 : memref<1x128x32xf32, #tpu.memory_space<vmem>> -> memref<128x32xf32, #tpu.memory_space<vmem>>
      %dma_wait3A_43 = arith.constant 0 : i32
      %dma_wait3A_44 = tpu.memref_slice %arg7[%add3A_38, %dma_wait3A_43] : memref<158x128xi32, #tpu.memory_space<vmem>> -> memref<1x128xi32, #tpu.memory_space<vmem>>
      %dma_wait3A_45 = tpu.memref_squeeze %dma_wait3A_44 : memref<1x128xi32, #tpu.memory_space<vmem>> -> memref<128xi32, #tpu.memory_space<vmem>>
      %dma_wait3A_46 = arith.constant 0 : i32
      %dma_wait3A_47 = arith.constant 0 : i32
      %dma_wait3A_48 = tpu.memref_slice %arg10[%dma_wait3A_46, %dma_wait3A_47] : memref<20096x32xf32, #tpu.memory_space<vmem_shared>> -> memref<20096x32xf32, #tpu.memory_space<vmem_shared>>
      tpu.wait_indirect_dma semaphore(%arg12 : memref<!tpu.dma_semaphore, #tpu.memory_space<semaphore_mem>>) src(%dma_wait3A_48 : memref<20096x32xf32, #tpu.memory_space<vmem_shared>>) dst(%dma_wait3A_42 : memref<128x32xf32, #tpu.memory_space<vmem>>)
      %run_scoped3A = arith.constant 0 : i32
      "tpu.region"() ({
        %run_scoped3A_76 = tpu.sem_alloc : memref<!tpu.dma_semaphore, #tpu.memory_space<semaphore_mem>>
        %dma_start3A_77 = arith.constant 0 : i32
        %dma_start3A_78 = arith.constant 0 : i32
        %dma_start3A_79 = tpu.memref_slice %arg9[%run_scoped3A, %dma_start3A_77, %dma_start3A_78] : memref<2x128x32xf32, #tpu.memory_space<vmem>> -> memref<1x128x32xf32, #tpu.memory_space<vmem>>
        %dma_start3A_80 = tpu.memref_squeeze %dma_start3A_79 : memref<1x128x32xf32, #tpu.memory_space<vmem>> -> memref<128x32xf32, #tpu.memory_space<vmem>>
        %dma_start3A_81 = arith.constant 0 : i32
        %dma_start3A_82 = tpu.memref_slice %arg8[%add3A_38, %dma_start3A_81] : memref<158x128xi32, #tpu.memory_space<vmem>> -> memref<1x128xi32, #tpu.memory_space<vmem>>
        %dma_start3A_83 = tpu.memref_squeeze %dma_start3A_82 : memref<1x128xi32, #tpu.memory_space<vmem>> -> memref<128xi32, #tpu.memory_space<vmem>>
        %dma_start3A_84 = arith.constant 0 : i32
        %dma_start3A_85 = arith.constant 0 : i32
        %dma_start3A_86 = tpu.memref_slice %arg11[%dma_start3A_84, %dma_start3A_85] : memref<10112x32xf32, #tpu.memory_space<vmem_shared>> -> memref<10112x32xf32, #tpu.memory_space<vmem_shared>>
        tpu.enqueue_indirect_dma source(%dma_start3A_80 : memref<128x32xf32, #tpu.memory_space<vmem>>) target(%dma_start3A_86 : memref<10112x32xf32, #tpu.memory_space<vmem_shared>>) offsets(%dma_start3A_83 : memref<128xi32, #tpu.memory_space<vmem>>) semaphore(%run_scoped3A_76 : memref<!tpu.dma_semaphore, #tpu.memory_space<semaphore_mem>>) {add = true}
        %dma_wait3A_87 = arith.constant 0 : i32
        %dma_wait3A_88 = arith.constant 0 : i32
        %dma_wait3A_89 = tpu.memref_slice %arg9[%run_scoped3A, %dma_wait3A_87, %dma_wait3A_88] : memref<2x128x32xf32, #tpu.memory_space<vmem>> -> memref<1x128x32xf32, #tpu.memory_space<vmem>>
        %dma_wait3A_90 = tpu.memref_squeeze %dma_wait3A_89 : memref<1x128x32xf32, #tpu.memory_space<vmem>> -> memref<128x32xf32, #tpu.memory_space<vmem>>
        %dma_wait3A_91 = arith.constant 0 : i32
        %dma_wait3A_92 = tpu.memref_slice %arg8[%add3A_38, %dma_wait3A_91] : memref<158x128xi32, #tpu.memory_space<vmem>> -> memref<1x128xi32, #tpu.memory_space<vmem>>
        %dma_wait3A_93 = tpu.memref_squeeze %dma_wait3A_92 : memref<1x128xi32, #tpu.memory_space<vmem>> -> memref<128xi32, #tpu.memory_space<vmem>>
        %dma_wait3A_94 = arith.constant 0 : i32
        %dma_wait3A_95 = arith.constant 0 : i32
        %dma_wait3A_96 = tpu.memref_slice %arg11[%dma_wait3A_94, %dma_wait3A_95] : memref<10112x32xf32, #tpu.memory_space<vmem_shared>> -> memref<10112x32xf32, #tpu.memory_space<vmem_shared>>
        tpu.wait_indirect_dma semaphore(%run_scoped3A_76 : memref<!tpu.dma_semaphore, #tpu.memory_space<semaphore_mem>>) src(%dma_wait3A_90 : memref<128x32xf32, #tpu.memory_space<vmem>>) dst(%dma_wait3A_96 : memref<10112x32xf32, #tpu.memory_space<vmem_shared>>)
        tpu.yield
      }) : () -> ()
      %add3A_49 = arith.constant 2 : i32
      %add3A_50 = arith.addi %add3A_38, %add3A_49 : i32
      %lt3A = arith.constant 158 : i32
      %lt3A_51 = arith.cmpi slt, %add3A_50, %lt3A : i32
      %convert_element_type3A = arith.extui %lt3A_51 : i1 to i32
      %cond3A = arith.constant 0 : i32
      %cond3A_52 = arith.cmpi ne, %convert_element_type3A, %cond3A : i32
      scf.if %cond3A_52 {
        %dma_start3A_76 = arith.constant 0 : i32
        %dma_start3A_77 = arith.constant 0 : i32
        %dma_start3A_78 = arith.constant 0 : i32
        %dma_start3A_79 = tpu.memref_slice %arg9[%dma_start3A_76, %dma_start3A_77, %dma_start3A_78] : memref<2x128x32xf32, #tpu.memory_space<vmem>> -> memref<1x128x32xf32, #tpu.memory_space<vmem>>
        %dma_start3A_80 = tpu.memref_squeeze %dma_start3A_79 : memref<1x128x32xf32, #tpu.memory_space<vmem>> -> memref<128x32xf32, #tpu.memory_space<vmem>>
        %dma_start3A_81 = arith.constant 0 : i32
        %dma_start3A_82 = tpu.memref_slice %arg7[%add3A_50, %dma_start3A_81] : memref<158x128xi32, #tpu.memory_space<vmem>> -> memref<1x128xi32, #tpu.memory_space<vmem>>
        %dma_start3A_83 = tpu.memref_squeeze %dma_start3A_82 : memref<1x128xi32, #tpu.memory_space<vmem>> -> memref<128xi32, #tpu.memory_space<vmem>>
        %dma_start3A_84 = arith.constant 0 : i32
        %dma_start3A_85 = arith.constant 0 : i32
        %dma_start3A_86 = tpu.memref_slice %arg10[%dma_start3A_84, %dma_start3A_85] : memref<20096x32xf32, #tpu.memory_space<vmem_shared>> -> memref<20096x32xf32, #tpu.memory_space<vmem_shared>>
        tpu.enqueue_indirect_dma source(%dma_start3A_86 : memref<20096x32xf32, #tpu.memory_space<vmem_shared>>) target(%dma_start3A_80 : memref<128x32xf32, #tpu.memory_space<vmem>>) offsets(%dma_start3A_83 : memref<128xi32, #tpu.memory_space<vmem>>) semaphore(%arg12 : memref<!tpu.dma_semaphore, #tpu.memory_space<semaphore_mem>>)
      } else {
      }
      %mul3A_53 = arith.constant 2 : i32
      %mul3A_54 = arith.muli %mul3A_53, %scan3A_34 : i32
      %add3A_55 = arith.constant 1 : i32
      %add3A_56 = arith.addi %mul3A_54, %add3A_55 : i32
      %dma_wait3A_57 = arith.constant 1 : i32
      %dma_wait3A_58 = arith.constant 0 : i32
      %dma_wait3A_59 = arith.constant 0 : i32
      %dma_wait3A_60 = tpu.memref_slice %arg9[%dma_wait3A_57, %dma_wait3A_58, %dma_wait3A_59] : memref<2x128x32xf32, #tpu.memory_space<vmem>> -> memref<1x128x32xf32, #tpu.memory_space<vmem>>
      %dma_wait3A_61 = tpu.memref_squeeze %dma_wait3A_60 : memref<1x128x32xf32, #tpu.memory_space<vmem>> -> memref<128x32xf32, #tpu.memory_space<vmem>>
      %dma_wait3A_62 = arith.constant 0 : i32
      %dma_wait3A_63 = tpu.memref_slice %arg7[%add3A_56, %dma_wait3A_62] : memref<158x128xi32, #tpu.memory_space<vmem>> -> memref<1x128xi32, #tpu.memory_space<vmem>>
      %dma_wait3A_64 = tpu.memref_squeeze %dma_wait3A_63 : memref<1x128xi32, #tpu.memory_space<vmem>> -> memref<128xi32, #tpu.memory_space<vmem>>
      %dma_wait3A_65 = arith.constant 0 : i32
      %dma_wait3A_66 = arith.constant 0 : i32
      %dma_wait3A_67 = tpu.memref_slice %arg10[%dma_wait3A_65, %dma_wait3A_66] : memref<20096x32xf32, #tpu.memory_space<vmem_shared>> -> memref<20096x32xf32, #tpu.memory_space<vmem_shared>>
      tpu.wait_indirect_dma semaphore(%arg13 : memref<!tpu.dma_semaphore, #tpu.memory_space<semaphore_mem>>) src(%dma_wait3A_67 : memref<20096x32xf32, #tpu.memory_space<vmem_shared>>) dst(%dma_wait3A_61 : memref<128x32xf32, #tpu.memory_space<vmem>>)
      %run_scoped3A_68 = arith.constant 1 : i32
      "tpu.region"() ({
        %run_scoped3A_76 = tpu.sem_alloc : memref<!tpu.dma_semaphore, #tpu.memory_space<semaphore_mem>>
        %dma_start3A_77 = arith.constant 0 : i32
        %dma_start3A_78 = arith.constant 0 : i32
        %dma_start3A_79 = tpu.memref_slice %arg9[%run_scoped3A_68, %dma_start3A_77, %dma_start3A_78] : memref<2x128x32xf32, #tpu.memory_space<vmem>> -> memref<1x128x32xf32, #tpu.memory_space<vmem>>
        %dma_start3A_80 = tpu.memref_squeeze %dma_start3A_79 : memref<1x128x32xf32, #tpu.memory_space<vmem>> -> memref<128x32xf32, #tpu.memory_space<vmem>>
        %dma_start3A_81 = arith.constant 0 : i32
        %dma_start3A_82 = tpu.memref_slice %arg8[%add3A_56, %dma_start3A_81] : memref<158x128xi32, #tpu.memory_space<vmem>> -> memref<1x128xi32, #tpu.memory_space<vmem>>
        %dma_start3A_83 = tpu.memref_squeeze %dma_start3A_82 : memref<1x128xi32, #tpu.memory_space<vmem>> -> memref<128xi32, #tpu.memory_space<vmem>>
        %dma_start3A_84 = arith.constant 0 : i32
        %dma_start3A_85 = arith.constant 0 : i32
        %dma_start3A_86 = tpu.memref_slice %arg11[%dma_start3A_84, %dma_start3A_85] : memref<10112x32xf32, #tpu.memory_space<vmem_shared>> -> memref<10112x32xf32, #tpu.memory_space<vmem_shared>>
        tpu.enqueue_indirect_dma source(%dma_start3A_80 : memref<128x32xf32, #tpu.memory_space<vmem>>) target(%dma_start3A_86 : memref<10112x32xf32, #tpu.memory_space<vmem_shared>>) offsets(%dma_start3A_83 : memref<128xi32, #tpu.memory_space<vmem>>) semaphore(%run_scoped3A_76 : memref<!tpu.dma_semaphore, #tpu.memory_space<semaphore_mem>>) {add = true}
        %dma_wait3A_87 = arith.constant 0 : i32
        %dma_wait3A_88 = arith.constant 0 : i32
        %dma_wait3A_89 = tpu.memref_slice %arg9[%run_scoped3A_68, %dma_wait3A_87, %dma_wait3A_88] : memref<2x128x32xf32, #tpu.memory_space<vmem>> -> memref<1x128x32xf32, #tpu.memory_space<vmem>>
        %dma_wait3A_90 = tpu.memref_squeeze %dma_wait3A_89 : memref<1x128x32xf32, #tpu.memory_space<vmem>> -> memref<128x32xf32, #tpu.memory_space<vmem>>
        %dma_wait3A_91 = arith.constant 0 : i32
        %dma_wait3A_92 = tpu.memref_slice %arg8[%add3A_56, %dma_wait3A_91] : memref<158x128xi32, #tpu.memory_space<vmem>> -> memref<1x128xi32, #tpu.memory_space<vmem>>
        %dma_wait3A_93 = tpu.memref_squeeze %dma_wait3A_92 : memref<1x128xi32, #tpu.memory_space<vmem>> -> memref<128xi32, #tpu.memory_space<vmem>>
        %dma_wait3A_94 = arith.constant 0 : i32
        %dma_wait3A_95 = arith.constant 0 : i32
        %dma_wait3A_96 = tpu.memref_slice %arg11[%dma_wait3A_94, %dma_wait3A_95] : memref<10112x32xf32, #tpu.memory_space<vmem_shared>> -> memref<10112x32xf32, #tpu.memory_space<vmem_shared>>
        tpu.wait_indirect_dma semaphore(%run_scoped3A_76 : memref<!tpu.dma_semaphore, #tpu.memory_space<semaphore_mem>>) src(%dma_wait3A_90 : memref<128x32xf32, #tpu.memory_space<vmem>>) dst(%dma_wait3A_96 : memref<10112x32xf32, #tpu.memory_space<vmem_shared>>)
        tpu.yield
      }) : () -> ()
      %add3A_69 = arith.constant 2 : i32
      %add3A_70 = arith.addi %add3A_56, %add3A_69 : i32
      %lt3A_71 = arith.constant 158 : i32
      %lt3A_72 = arith.cmpi slt, %add3A_70, %lt3A_71 : i32
      %convert_element_type3A_73 = arith.extui %lt3A_72 : i1 to i32
      %cond3A_74 = arith.constant 0 : i32
      %cond3A_75 = arith.cmpi ne, %convert_element_type3A_73, %cond3A_74 : i32
      scf.if %cond3A_75 {
        %dma_start3A_76 = arith.constant 1 : i32
        %dma_start3A_77 = arith.constant 0 : i32
        %dma_start3A_78 = arith.constant 0 : i32
        %dma_start3A_79 = tpu.memref_slice %arg9[%dma_start3A_76, %dma_start3A_77, %dma_start3A_78] : memref<2x128x32xf32, #tpu.memory_space<vmem>> -> memref<1x128x32xf32, #tpu.memory_space<vmem>>
        %dma_start3A_80 = tpu.memref_squeeze %dma_start3A_79 : memref<1x128x32xf32, #tpu.memory_space<vmem>> -> memref<128x32xf32, #tpu.memory_space<vmem>>
        %dma_start3A_81 = arith.constant 0 : i32
        %dma_start3A_82 = tpu.memref_slice %arg7[%add3A_70, %dma_start3A_81] : memref<158x128xi32, #tpu.memory_space<vmem>> -> memref<1x128xi32, #tpu.memory_space<vmem>>
        %dma_start3A_83 = tpu.memref_squeeze %dma_start3A_82 : memref<1x128xi32, #tpu.memory_space<vmem>> -> memref<128xi32, #tpu.memory_space<vmem>>
        %dma_start3A_84 = arith.constant 0 : i32
        %dma_start3A_85 = arith.constant 0 : i32
        %dma_start3A_86 = tpu.memref_slice %arg10[%dma_start3A_84, %dma_start3A_85] : memref<20096x32xf32, #tpu.memory_space<vmem_shared>> -> memref<20096x32xf32, #tpu.memory_space<vmem_shared>>
        tpu.enqueue_indirect_dma source(%dma_start3A_86 : memref<20096x32xf32, #tpu.memory_space<vmem_shared>>) target(%dma_start3A_80 : memref<128x32xf32, #tpu.memory_space<vmem>>) offsets(%dma_start3A_83 : memref<128xi32, #tpu.memory_space<vmem>>) semaphore(%arg13 : memref<!tpu.dma_semaphore, #tpu.memory_space<semaphore_mem>>)
      } else {
      }
    }
    %scan3A_32 = arith.constant 79 : i32
    %barrier3A_33 = arith.constant 0 : index
    tpu.barrier barrier_id(%barrier3A_33)
    "tpu.region"() ({
      %run_scoped3A = tpu.sem_alloc : memref<!tpu.dma_semaphore, #tpu.memory_space<semaphore_mem>>
      %dma_start3A_34 = arith.constant 0 : i32
      %dma_start3A_35 = tpu.memref_slice %arg6[%arg0, %mul3A_4, %dma_start3A_34] : memref<2x10112x32xf32, #tpu.memory_space<hbm>> -> memref<1x632x32xf32, #tpu.memory_space<hbm>>
      %dma_start3A_36 = tpu.memref_squeeze %dma_start3A_35 : memref<1x632x32xf32, #tpu.memory_space<hbm>> -> memref<632x32xf32, #tpu.memory_space<hbm>>
      %dma_start3A_37 = arith.constant 0 : i32
      %dma_start3A_38 = tpu.memref_slice %arg11[%mul3A_4, %dma_start3A_37] : memref<10112x32xf32, #tpu.memory_space<vmem_shared>> -> memref<632x32xf32, #tpu.memory_space<vmem_shared>>
      tpu.enqueue_dma source(%dma_start3A_38 : memref<632x32xf32, #tpu.memory_space<vmem_shared>>) target(%dma_start3A_36 : memref<632x32xf32, #tpu.memory_space<hbm>>) target_semaphore(%run_scoped3A : memref<!tpu.dma_semaphore, #tpu.memory_space<semaphore_mem>>)
      %dma_wait3A = arith.constant 0 : i32
      %dma_wait3A_39 = tpu.memref_slice %arg6[%arg0, %mul3A_4, %dma_wait3A] : memref<2x10112x32xf32, #tpu.memory_space<hbm>> -> memref<1x632x32xf32, #tpu.memory_space<hbm>>
      %dma_wait3A_40 = tpu.memref_squeeze %dma_wait3A_39 : memref<1x632x32xf32, #tpu.memory_space<hbm>> -> memref<632x32xf32, #tpu.memory_space<hbm>>
      %dma_wait3A_41 = arith.constant 0 : i32
      %dma_wait3A_42 = tpu.memref_slice %arg11[%mul3A_4, %dma_wait3A_41] : memref<10112x32xf32, #tpu.memory_space<vmem_shared>> -> memref<632x32xf32, #tpu.memory_space<vmem_shared>>
      tpu.wait_dma2 semaphore(%run_scoped3A : memref<!tpu.dma_semaphore, #tpu.memory_space<semaphore_mem>>) src(%dma_wait3A_42 : memref<632x32xf32, #tpu.memory_space<vmem_shared>>) dst(%dma_wait3A_40 : memref<632x32xf32, #tpu.memory_space<hbm>>)
      tpu.yield
    }) : () -> ()
    return
  }
}

#map = affine_map<(d0, d1) -> (0, 0)>
#map1 = affine_map<(d0, d1) -> (0, 0, 0)>
module attributes {stable_mosaic.version = 14 : i64} {
  func.func @agg(%arg0: i32, %arg1: i32, %arg2: memref<20000x64xf32, #tpu.memory_space<hbm>>, %arg3: memref<32x158x128xi32, #tpu.memory_space<hbm>>, %arg4: memref<16x158x128xi32, #tpu.memory_space<hbm>>, %arg5: memref<10112x64xf32, #tpu.memory_space<hbm>>, %arg6: memref<2x10112x64xf32, #tpu.memory_space<hbm>>, %arg7: memref<158x128xi32, #tpu.memory_space<vmem>>, %arg8: memref<158x128xi32, #tpu.memory_space<vmem>>, %arg9: memref<2x128x64xf32, #tpu.memory_space<vmem>>, %arg10: memref<10112x64xf32, #tpu.memory_space<vmem_shared>>, %arg11: memref<!tpu.dma_semaphore, #tpu.memory_space<semaphore_mem>>, %arg12: memref<!tpu.dma_semaphore, #tpu.memory_space<semaphore_mem>>) attributes {dimension_semantics = [#tpu.dimension_semantics<core_parallel>, #tpu.dimension_semantics<subcore_parallel>], iteration_bounds = array<i64: 2, 16>, scalar_prefetch = 0 : i64, scratch_operands = 6 : i64, tpu.core_type = #tpu.core_type<sc_vector_subcore>, window_params = [{transform_indices = #map}, {transform_indices = #map1}, {transform_indices = #map1}, {transform_indices = #map}, {transform_indices = #map1}]} {
    %mul3A = arith.constant 16 : i32
    %mul3A_0 = arith.muli %arg0, %mul3A : i32
    %add3A = arith.addi %mul3A_0, %arg1 : i32
    "tpu.region"() ({
      %run_scoped3A = tpu.sem_alloc : memref<!tpu.dma_semaphore, #tpu.memory_space<semaphore_mem>>
      %dma_start3A_32 = arith.constant 0 : i32
      %dma_start3A_33 = arith.constant 0 : i32
      %dma_start3A_34 = tpu.memref_slice %arg3[%add3A, %dma_start3A_32, %dma_start3A_33] : memref<32x158x128xi32, #tpu.memory_space<hbm>> -> memref<1x158x128xi32, #tpu.memory_space<hbm>>
      %dma_start3A_35 = tpu.memref_squeeze %dma_start3A_34 : memref<1x158x128xi32, #tpu.memory_space<hbm>> -> memref<158x128xi32, #tpu.memory_space<hbm>>
      %dma_start3A_36 = arith.constant 0 : i32
      %dma_start3A_37 = arith.constant 0 : i32
      %dma_start3A_38 = tpu.memref_slice %arg3[%add3A, %dma_start3A_36, %dma_start3A_37] : memref<32x158x128xi32, #tpu.memory_space<hbm>> -> memref<1x158x128xi32, #tpu.memory_space<hbm>>
      %dma_start3A_39 = tpu.memref_squeeze %dma_start3A_38 : memref<1x158x128xi32, #tpu.memory_space<hbm>> -> memref<158x128xi32, #tpu.memory_space<hbm>>
      tpu.enqueue_dma source(%dma_start3A_39 : memref<158x128xi32, #tpu.memory_space<hbm>>) target(%arg7 : memref<158x128xi32, #tpu.memory_space<vmem>>) target_semaphore(%run_scoped3A : memref<!tpu.dma_semaphore, #tpu.memory_space<semaphore_mem>>)
      %dma_wait3A = arith.constant 0 : i32
      %dma_wait3A_40 = arith.constant 0 : i32
      %dma_wait3A_41 = tpu.memref_slice %arg3[%add3A, %dma_wait3A, %dma_wait3A_40] : memref<32x158x128xi32, #tpu.memory_space<hbm>> -> memref<1x158x128xi32, #tpu.memory_space<hbm>>
      %dma_wait3A_42 = tpu.memref_squeeze %dma_wait3A_41 : memref<1x158x128xi32, #tpu.memory_space<hbm>> -> memref<158x128xi32, #tpu.memory_space<hbm>>
      %dma_wait3A_43 = arith.constant 0 : i32
      %dma_wait3A_44 = arith.constant 0 : i32
      %dma_wait3A_45 = tpu.memref_slice %arg3[%add3A, %dma_wait3A_43, %dma_wait3A_44] : memref<32x158x128xi32, #tpu.memory_space<hbm>> -> memref<1x158x128xi32, #tpu.memory_space<hbm>>
      %dma_wait3A_46 = tpu.memref_squeeze %dma_wait3A_45 : memref<1x158x128xi32, #tpu.memory_space<hbm>> -> memref<158x128xi32, #tpu.memory_space<hbm>>
      tpu.wait_dma2 semaphore(%run_scoped3A : memref<!tpu.dma_semaphore, #tpu.memory_space<semaphore_mem>>) src(%dma_wait3A_46 : memref<158x128xi32, #tpu.memory_space<hbm>>) dst(%arg7 : memref<158x128xi32, #tpu.memory_space<vmem>>)
      tpu.yield
    }) : () -> ()
    "tpu.region"() ({
      %run_scoped3A = tpu.sem_alloc : memref<!tpu.dma_semaphore, #tpu.memory_space<semaphore_mem>>
      %dma_start3A_32 = arith.constant 0 : i32
      %dma_start3A_33 = arith.constant 0 : i32
      %dma_start3A_34 = tpu.memref_slice %arg4[%arg1, %dma_start3A_32, %dma_start3A_33] : memref<16x158x128xi32, #tpu.memory_space<hbm>> -> memref<1x158x128xi32, #tpu.memory_space<hbm>>
      %dma_start3A_35 = tpu.memref_squeeze %dma_start3A_34 : memref<1x158x128xi32, #tpu.memory_space<hbm>> -> memref<158x128xi32, #tpu.memory_space<hbm>>
      %dma_start3A_36 = arith.constant 0 : i32
      %dma_start3A_37 = arith.constant 0 : i32
      %dma_start3A_38 = tpu.memref_slice %arg4[%arg1, %dma_start3A_36, %dma_start3A_37] : memref<16x158x128xi32, #tpu.memory_space<hbm>> -> memref<1x158x128xi32, #tpu.memory_space<hbm>>
      %dma_start3A_39 = tpu.memref_squeeze %dma_start3A_38 : memref<1x158x128xi32, #tpu.memory_space<hbm>> -> memref<158x128xi32, #tpu.memory_space<hbm>>
      tpu.enqueue_dma source(%dma_start3A_39 : memref<158x128xi32, #tpu.memory_space<hbm>>) target(%arg8 : memref<158x128xi32, #tpu.memory_space<vmem>>) target_semaphore(%run_scoped3A : memref<!tpu.dma_semaphore, #tpu.memory_space<semaphore_mem>>)
      %dma_wait3A = arith.constant 0 : i32
      %dma_wait3A_40 = arith.constant 0 : i32
      %dma_wait3A_41 = tpu.memref_slice %arg4[%arg1, %dma_wait3A, %dma_wait3A_40] : memref<16x158x128xi32, #tpu.memory_space<hbm>> -> memref<1x158x128xi32, #tpu.memory_space<hbm>>
      %dma_wait3A_42 = tpu.memref_squeeze %dma_wait3A_41 : memref<1x158x128xi32, #tpu.memory_space<hbm>> -> memref<158x128xi32, #tpu.memory_space<hbm>>
      %dma_wait3A_43 = arith.constant 0 : i32
      %dma_wait3A_44 = arith.constant 0 : i32
      %dma_wait3A_45 = tpu.memref_slice %arg4[%arg1, %dma_wait3A_43, %dma_wait3A_44] : memref<16x158x128xi32, #tpu.memory_space<hbm>> -> memref<1x158x128xi32, #tpu.memory_space<hbm>>
      %dma_wait3A_46 = tpu.memref_squeeze %dma_wait3A_45 : memref<1x158x128xi32, #tpu.memory_space<hbm>> -> memref<158x128xi32, #tpu.memory_space<hbm>>
      tpu.wait_dma2 semaphore(%run_scoped3A : memref<!tpu.dma_semaphore, #tpu.memory_space<semaphore_mem>>) src(%dma_wait3A_46 : memref<158x128xi32, #tpu.memory_space<hbm>>) dst(%arg8 : memref<158x128xi32, #tpu.memory_space<vmem>>)
      tpu.yield
    }) : () -> ()
    %dma_start3A = arith.constant 0 : i32
    %dma_start3A_1 = arith.constant 0 : i32
    %dma_start3A_2 = arith.constant 0 : i32
    %dma_start3A_3 = arith.constant 0 : i32
    %dma_start3A_4 = tpu.memref_slice %arg9[%dma_start3A_1, %dma_start3A_2, %dma_start3A_3] : memref<2x128x64xf32, #tpu.memory_space<vmem>> -> memref<1x128x64xf32, #tpu.memory_space<vmem>>
    %dma_start3A_5 = tpu.memref_squeeze %dma_start3A_4 : memref<1x128x64xf32, #tpu.memory_space<vmem>> -> memref<128x64xf32, #tpu.memory_space<vmem>>
    %dma_start3A_6 = arith.constant 0 : i32
    %dma_start3A_7 = tpu.memref_slice %arg7[%dma_start3A, %dma_start3A_6] : memref<158x128xi32, #tpu.memory_space<vmem>> -> memref<1x128xi32, #tpu.memory_space<vmem>>
    %dma_start3A_8 = tpu.memref_squeeze %dma_start3A_7 : memref<1x128xi32, #tpu.memory_space<vmem>> -> memref<128xi32, #tpu.memory_space<vmem>>
    %dma_start3A_9 = arith.constant 0 : i32
    %dma_start3A_10 = arith.constant 0 : i32
    %dma_start3A_11 = tpu.memref_slice %arg2[%dma_start3A_9, %dma_start3A_10] : memref<20000x64xf32, #tpu.memory_space<hbm>> -> memref<20000x64xf32, #tpu.memory_space<hbm>>
    tpu.enqueue_indirect_dma source(%dma_start3A_11 : memref<20000x64xf32, #tpu.memory_space<hbm>>) target(%dma_start3A_5 : memref<128x64xf32, #tpu.memory_space<vmem>>) offsets(%dma_start3A_8 : memref<128xi32, #tpu.memory_space<vmem>>) semaphore(%arg11 : memref<!tpu.dma_semaphore, #tpu.memory_space<semaphore_mem>>)
    %dma_start3A_12 = arith.constant 1 : i32
    %dma_start3A_13 = arith.constant 1 : i32
    %dma_start3A_14 = arith.constant 0 : i32
    %dma_start3A_15 = arith.constant 0 : i32
    %dma_start3A_16 = tpu.memref_slice %arg9[%dma_start3A_13, %dma_start3A_14, %dma_start3A_15] : memref<2x128x64xf32, #tpu.memory_space<vmem>> -> memref<1x128x64xf32, #tpu.memory_space<vmem>>
    %dma_start3A_17 = tpu.memref_squeeze %dma_start3A_16 : memref<1x128x64xf32, #tpu.memory_space<vmem>> -> memref<128x64xf32, #tpu.memory_space<vmem>>
    %dma_start3A_18 = arith.constant 0 : i32
    %dma_start3A_19 = tpu.memref_slice %arg7[%dma_start3A_12, %dma_start3A_18] : memref<158x128xi32, #tpu.memory_space<vmem>> -> memref<1x128xi32, #tpu.memory_space<vmem>>
    %dma_start3A_20 = tpu.memref_squeeze %dma_start3A_19 : memref<1x128xi32, #tpu.memory_space<vmem>> -> memref<128xi32, #tpu.memory_space<vmem>>
    %dma_start3A_21 = arith.constant 0 : i32
    %dma_start3A_22 = arith.constant 0 : i32
    %dma_start3A_23 = tpu.memref_slice %arg2[%dma_start3A_21, %dma_start3A_22] : memref<20000x64xf32, #tpu.memory_space<hbm>> -> memref<20000x64xf32, #tpu.memory_space<hbm>>
    tpu.enqueue_indirect_dma source(%dma_start3A_23 : memref<20000x64xf32, #tpu.memory_space<hbm>>) target(%dma_start3A_17 : memref<128x64xf32, #tpu.memory_space<vmem>>) offsets(%dma_start3A_20 : memref<128xi32, #tpu.memory_space<vmem>>) semaphore(%arg12 : memref<!tpu.dma_semaphore, #tpu.memory_space<semaphore_mem>>)
    %mul3A_24 = arith.constant 632 : i32
    %mul3A_25 = arith.muli %arg1, %mul3A_24 : i32
    "tpu.region"() ({
      %run_scoped3A = tpu.sem_alloc : memref<!tpu.dma_semaphore, #tpu.memory_space<semaphore_mem>>
      %dma_start3A_32 = arith.constant 0 : i32
      %dma_start3A_33 = tpu.memref_slice %arg10[%mul3A_25, %dma_start3A_32] : memref<10112x64xf32, #tpu.memory_space<vmem_shared>> -> memref<632x64xf32, #tpu.memory_space<vmem_shared>>
      %dma_start3A_34 = arith.constant 0 : i32
      %dma_start3A_35 = tpu.memref_slice %arg5[%mul3A_25, %dma_start3A_34] : memref<10112x64xf32, #tpu.memory_space<hbm>> -> memref<632x64xf32, #tpu.memory_space<hbm>>
      tpu.enqueue_dma source(%dma_start3A_35 : memref<632x64xf32, #tpu.memory_space<hbm>>) target(%dma_start3A_33 : memref<632x64xf32, #tpu.memory_space<vmem_shared>>) target_semaphore(%run_scoped3A : memref<!tpu.dma_semaphore, #tpu.memory_space<semaphore_mem>>)
      %dma_wait3A = arith.constant 0 : i32
      %dma_wait3A_36 = tpu.memref_slice %arg10[%mul3A_25, %dma_wait3A] : memref<10112x64xf32, #tpu.memory_space<vmem_shared>> -> memref<632x64xf32, #tpu.memory_space<vmem_shared>>
      %dma_wait3A_37 = arith.constant 0 : i32
      %dma_wait3A_38 = tpu.memref_slice %arg5[%mul3A_25, %dma_wait3A_37] : memref<10112x64xf32, #tpu.memory_space<hbm>> -> memref<632x64xf32, #tpu.memory_space<hbm>>
      tpu.wait_dma2 semaphore(%run_scoped3A : memref<!tpu.dma_semaphore, #tpu.memory_space<semaphore_mem>>) src(%dma_wait3A_38 : memref<632x64xf32, #tpu.memory_space<hbm>>) dst(%dma_wait3A_36 : memref<632x64xf32, #tpu.memory_space<vmem_shared>>)
      tpu.yield
    }) : () -> ()
    %barrier3A = arith.constant 0 : index
    tpu.barrier barrier_id(%barrier3A)
    %scan3A = arith.constant 0 : i32
    %scan3A_26 = arith.constant 0 : i32
    %scan3A_27 = arith.constant 79 : i32
    %scan3A_28 = arith.addi %scan3A_26, %scan3A_27 : i32
    %scan3A_29 = arith.constant 1 : i32
    scf.for %scan3A_32 = %scan3A_26 to %scan3A_28 step %scan3A_29  : i32 {
      %mul3A_33 = arith.constant 2 : i32
      %mul3A_34 = arith.muli %mul3A_33, %scan3A_32 : i32
      %add3A_35 = arith.constant 0 : i32
      %add3A_36 = arith.addi %mul3A_34, %add3A_35 : i32
      %dma_wait3A = arith.constant 0 : i32
      %dma_wait3A_37 = arith.constant 0 : i32
      %dma_wait3A_38 = arith.constant 0 : i32
      %dma_wait3A_39 = tpu.memref_slice %arg9[%dma_wait3A, %dma_wait3A_37, %dma_wait3A_38] : memref<2x128x64xf32, #tpu.memory_space<vmem>> -> memref<1x128x64xf32, #tpu.memory_space<vmem>>
      %dma_wait3A_40 = tpu.memref_squeeze %dma_wait3A_39 : memref<1x128x64xf32, #tpu.memory_space<vmem>> -> memref<128x64xf32, #tpu.memory_space<vmem>>
      %dma_wait3A_41 = arith.constant 0 : i32
      %dma_wait3A_42 = tpu.memref_slice %arg7[%add3A_36, %dma_wait3A_41] : memref<158x128xi32, #tpu.memory_space<vmem>> -> memref<1x128xi32, #tpu.memory_space<vmem>>
      %dma_wait3A_43 = tpu.memref_squeeze %dma_wait3A_42 : memref<1x128xi32, #tpu.memory_space<vmem>> -> memref<128xi32, #tpu.memory_space<vmem>>
      %dma_wait3A_44 = arith.constant 0 : i32
      %dma_wait3A_45 = arith.constant 0 : i32
      %dma_wait3A_46 = tpu.memref_slice %arg2[%dma_wait3A_44, %dma_wait3A_45] : memref<20000x64xf32, #tpu.memory_space<hbm>> -> memref<20000x64xf32, #tpu.memory_space<hbm>>
      tpu.wait_indirect_dma semaphore(%arg11 : memref<!tpu.dma_semaphore, #tpu.memory_space<semaphore_mem>>) src(%dma_wait3A_46 : memref<20000x64xf32, #tpu.memory_space<hbm>>) dst(%dma_wait3A_40 : memref<128x64xf32, #tpu.memory_space<vmem>>)
      %run_scoped3A = arith.constant 0 : i32
      "tpu.region"() ({
        %run_scoped3A_74 = tpu.sem_alloc : memref<!tpu.dma_semaphore, #tpu.memory_space<semaphore_mem>>
        %dma_start3A_75 = arith.constant 0 : i32
        %dma_start3A_76 = arith.constant 0 : i32
        %dma_start3A_77 = tpu.memref_slice %arg9[%run_scoped3A, %dma_start3A_75, %dma_start3A_76] : memref<2x128x64xf32, #tpu.memory_space<vmem>> -> memref<1x128x64xf32, #tpu.memory_space<vmem>>
        %dma_start3A_78 = tpu.memref_squeeze %dma_start3A_77 : memref<1x128x64xf32, #tpu.memory_space<vmem>> -> memref<128x64xf32, #tpu.memory_space<vmem>>
        %dma_start3A_79 = arith.constant 0 : i32
        %dma_start3A_80 = tpu.memref_slice %arg8[%add3A_36, %dma_start3A_79] : memref<158x128xi32, #tpu.memory_space<vmem>> -> memref<1x128xi32, #tpu.memory_space<vmem>>
        %dma_start3A_81 = tpu.memref_squeeze %dma_start3A_80 : memref<1x128xi32, #tpu.memory_space<vmem>> -> memref<128xi32, #tpu.memory_space<vmem>>
        %dma_start3A_82 = arith.constant 0 : i32
        %dma_start3A_83 = arith.constant 0 : i32
        %dma_start3A_84 = tpu.memref_slice %arg10[%dma_start3A_82, %dma_start3A_83] : memref<10112x64xf32, #tpu.memory_space<vmem_shared>> -> memref<10112x64xf32, #tpu.memory_space<vmem_shared>>
        tpu.enqueue_indirect_dma source(%dma_start3A_78 : memref<128x64xf32, #tpu.memory_space<vmem>>) target(%dma_start3A_84 : memref<10112x64xf32, #tpu.memory_space<vmem_shared>>) offsets(%dma_start3A_81 : memref<128xi32, #tpu.memory_space<vmem>>) semaphore(%run_scoped3A_74 : memref<!tpu.dma_semaphore, #tpu.memory_space<semaphore_mem>>) {add = true}
        %dma_wait3A_85 = arith.constant 0 : i32
        %dma_wait3A_86 = arith.constant 0 : i32
        %dma_wait3A_87 = tpu.memref_slice %arg9[%run_scoped3A, %dma_wait3A_85, %dma_wait3A_86] : memref<2x128x64xf32, #tpu.memory_space<vmem>> -> memref<1x128x64xf32, #tpu.memory_space<vmem>>
        %dma_wait3A_88 = tpu.memref_squeeze %dma_wait3A_87 : memref<1x128x64xf32, #tpu.memory_space<vmem>> -> memref<128x64xf32, #tpu.memory_space<vmem>>
        %dma_wait3A_89 = arith.constant 0 : i32
        %dma_wait3A_90 = tpu.memref_slice %arg8[%add3A_36, %dma_wait3A_89] : memref<158x128xi32, #tpu.memory_space<vmem>> -> memref<1x128xi32, #tpu.memory_space<vmem>>
        %dma_wait3A_91 = tpu.memref_squeeze %dma_wait3A_90 : memref<1x128xi32, #tpu.memory_space<vmem>> -> memref<128xi32, #tpu.memory_space<vmem>>
        %dma_wait3A_92 = arith.constant 0 : i32
        %dma_wait3A_93 = arith.constant 0 : i32
        %dma_wait3A_94 = tpu.memref_slice %arg10[%dma_wait3A_92, %dma_wait3A_93] : memref<10112x64xf32, #tpu.memory_space<vmem_shared>> -> memref<10112x64xf32, #tpu.memory_space<vmem_shared>>
        tpu.wait_indirect_dma semaphore(%run_scoped3A_74 : memref<!tpu.dma_semaphore, #tpu.memory_space<semaphore_mem>>) src(%dma_wait3A_88 : memref<128x64xf32, #tpu.memory_space<vmem>>) dst(%dma_wait3A_94 : memref<10112x64xf32, #tpu.memory_space<vmem_shared>>)
        tpu.yield
      }) : () -> ()
      %add3A_47 = arith.constant 2 : i32
      %add3A_48 = arith.addi %add3A_36, %add3A_47 : i32
      %lt3A = arith.constant 158 : i32
      %lt3A_49 = arith.cmpi slt, %add3A_48, %lt3A : i32
      %convert_element_type3A = arith.extui %lt3A_49 : i1 to i32
      %cond3A = arith.constant 0 : i32
      %cond3A_50 = arith.cmpi ne, %convert_element_type3A, %cond3A : i32
      scf.if %cond3A_50 {
        %dma_start3A_74 = arith.constant 0 : i32
        %dma_start3A_75 = arith.constant 0 : i32
        %dma_start3A_76 = arith.constant 0 : i32
        %dma_start3A_77 = tpu.memref_slice %arg9[%dma_start3A_74, %dma_start3A_75, %dma_start3A_76] : memref<2x128x64xf32, #tpu.memory_space<vmem>> -> memref<1x128x64xf32, #tpu.memory_space<vmem>>
        %dma_start3A_78 = tpu.memref_squeeze %dma_start3A_77 : memref<1x128x64xf32, #tpu.memory_space<vmem>> -> memref<128x64xf32, #tpu.memory_space<vmem>>
        %dma_start3A_79 = arith.constant 0 : i32
        %dma_start3A_80 = tpu.memref_slice %arg7[%add3A_48, %dma_start3A_79] : memref<158x128xi32, #tpu.memory_space<vmem>> -> memref<1x128xi32, #tpu.memory_space<vmem>>
        %dma_start3A_81 = tpu.memref_squeeze %dma_start3A_80 : memref<1x128xi32, #tpu.memory_space<vmem>> -> memref<128xi32, #tpu.memory_space<vmem>>
        %dma_start3A_82 = arith.constant 0 : i32
        %dma_start3A_83 = arith.constant 0 : i32
        %dma_start3A_84 = tpu.memref_slice %arg2[%dma_start3A_82, %dma_start3A_83] : memref<20000x64xf32, #tpu.memory_space<hbm>> -> memref<20000x64xf32, #tpu.memory_space<hbm>>
        tpu.enqueue_indirect_dma source(%dma_start3A_84 : memref<20000x64xf32, #tpu.memory_space<hbm>>) target(%dma_start3A_78 : memref<128x64xf32, #tpu.memory_space<vmem>>) offsets(%dma_start3A_81 : memref<128xi32, #tpu.memory_space<vmem>>) semaphore(%arg11 : memref<!tpu.dma_semaphore, #tpu.memory_space<semaphore_mem>>)
      } else {
      }
      %mul3A_51 = arith.constant 2 : i32
      %mul3A_52 = arith.muli %mul3A_51, %scan3A_32 : i32
      %add3A_53 = arith.constant 1 : i32
      %add3A_54 = arith.addi %mul3A_52, %add3A_53 : i32
      %dma_wait3A_55 = arith.constant 1 : i32
      %dma_wait3A_56 = arith.constant 0 : i32
      %dma_wait3A_57 = arith.constant 0 : i32
      %dma_wait3A_58 = tpu.memref_slice %arg9[%dma_wait3A_55, %dma_wait3A_56, %dma_wait3A_57] : memref<2x128x64xf32, #tpu.memory_space<vmem>> -> memref<1x128x64xf32, #tpu.memory_space<vmem>>
      %dma_wait3A_59 = tpu.memref_squeeze %dma_wait3A_58 : memref<1x128x64xf32, #tpu.memory_space<vmem>> -> memref<128x64xf32, #tpu.memory_space<vmem>>
      %dma_wait3A_60 = arith.constant 0 : i32
      %dma_wait3A_61 = tpu.memref_slice %arg7[%add3A_54, %dma_wait3A_60] : memref<158x128xi32, #tpu.memory_space<vmem>> -> memref<1x128xi32, #tpu.memory_space<vmem>>
      %dma_wait3A_62 = tpu.memref_squeeze %dma_wait3A_61 : memref<1x128xi32, #tpu.memory_space<vmem>> -> memref<128xi32, #tpu.memory_space<vmem>>
      %dma_wait3A_63 = arith.constant 0 : i32
      %dma_wait3A_64 = arith.constant 0 : i32
      %dma_wait3A_65 = tpu.memref_slice %arg2[%dma_wait3A_63, %dma_wait3A_64] : memref<20000x64xf32, #tpu.memory_space<hbm>> -> memref<20000x64xf32, #tpu.memory_space<hbm>>
      tpu.wait_indirect_dma semaphore(%arg12 : memref<!tpu.dma_semaphore, #tpu.memory_space<semaphore_mem>>) src(%dma_wait3A_65 : memref<20000x64xf32, #tpu.memory_space<hbm>>) dst(%dma_wait3A_59 : memref<128x64xf32, #tpu.memory_space<vmem>>)
      %run_scoped3A_66 = arith.constant 1 : i32
      "tpu.region"() ({
        %run_scoped3A_74 = tpu.sem_alloc : memref<!tpu.dma_semaphore, #tpu.memory_space<semaphore_mem>>
        %dma_start3A_75 = arith.constant 0 : i32
        %dma_start3A_76 = arith.constant 0 : i32
        %dma_start3A_77 = tpu.memref_slice %arg9[%run_scoped3A_66, %dma_start3A_75, %dma_start3A_76] : memref<2x128x64xf32, #tpu.memory_space<vmem>> -> memref<1x128x64xf32, #tpu.memory_space<vmem>>
        %dma_start3A_78 = tpu.memref_squeeze %dma_start3A_77 : memref<1x128x64xf32, #tpu.memory_space<vmem>> -> memref<128x64xf32, #tpu.memory_space<vmem>>
        %dma_start3A_79 = arith.constant 0 : i32
        %dma_start3A_80 = tpu.memref_slice %arg8[%add3A_54, %dma_start3A_79] : memref<158x128xi32, #tpu.memory_space<vmem>> -> memref<1x128xi32, #tpu.memory_space<vmem>>
        %dma_start3A_81 = tpu.memref_squeeze %dma_start3A_80 : memref<1x128xi32, #tpu.memory_space<vmem>> -> memref<128xi32, #tpu.memory_space<vmem>>
        %dma_start3A_82 = arith.constant 0 : i32
        %dma_start3A_83 = arith.constant 0 : i32
        %dma_start3A_84 = tpu.memref_slice %arg10[%dma_start3A_82, %dma_start3A_83] : memref<10112x64xf32, #tpu.memory_space<vmem_shared>> -> memref<10112x64xf32, #tpu.memory_space<vmem_shared>>
        tpu.enqueue_indirect_dma source(%dma_start3A_78 : memref<128x64xf32, #tpu.memory_space<vmem>>) target(%dma_start3A_84 : memref<10112x64xf32, #tpu.memory_space<vmem_shared>>) offsets(%dma_start3A_81 : memref<128xi32, #tpu.memory_space<vmem>>) semaphore(%run_scoped3A_74 : memref<!tpu.dma_semaphore, #tpu.memory_space<semaphore_mem>>) {add = true}
        %dma_wait3A_85 = arith.constant 0 : i32
        %dma_wait3A_86 = arith.constant 0 : i32
        %dma_wait3A_87 = tpu.memref_slice %arg9[%run_scoped3A_66, %dma_wait3A_85, %dma_wait3A_86] : memref<2x128x64xf32, #tpu.memory_space<vmem>> -> memref<1x128x64xf32, #tpu.memory_space<vmem>>
        %dma_wait3A_88 = tpu.memref_squeeze %dma_wait3A_87 : memref<1x128x64xf32, #tpu.memory_space<vmem>> -> memref<128x64xf32, #tpu.memory_space<vmem>>
        %dma_wait3A_89 = arith.constant 0 : i32
        %dma_wait3A_90 = tpu.memref_slice %arg8[%add3A_54, %dma_wait3A_89] : memref<158x128xi32, #tpu.memory_space<vmem>> -> memref<1x128xi32, #tpu.memory_space<vmem>>
        %dma_wait3A_91 = tpu.memref_squeeze %dma_wait3A_90 : memref<1x128xi32, #tpu.memory_space<vmem>> -> memref<128xi32, #tpu.memory_space<vmem>>
        %dma_wait3A_92 = arith.constant 0 : i32
        %dma_wait3A_93 = arith.constant 0 : i32
        %dma_wait3A_94 = tpu.memref_slice %arg10[%dma_wait3A_92, %dma_wait3A_93] : memref<10112x64xf32, #tpu.memory_space<vmem_shared>> -> memref<10112x64xf32, #tpu.memory_space<vmem_shared>>
        tpu.wait_indirect_dma semaphore(%run_scoped3A_74 : memref<!tpu.dma_semaphore, #tpu.memory_space<semaphore_mem>>) src(%dma_wait3A_88 : memref<128x64xf32, #tpu.memory_space<vmem>>) dst(%dma_wait3A_94 : memref<10112x64xf32, #tpu.memory_space<vmem_shared>>)
        tpu.yield
      }) : () -> ()
      %add3A_67 = arith.constant 2 : i32
      %add3A_68 = arith.addi %add3A_54, %add3A_67 : i32
      %lt3A_69 = arith.constant 158 : i32
      %lt3A_70 = arith.cmpi slt, %add3A_68, %lt3A_69 : i32
      %convert_element_type3A_71 = arith.extui %lt3A_70 : i1 to i32
      %cond3A_72 = arith.constant 0 : i32
      %cond3A_73 = arith.cmpi ne, %convert_element_type3A_71, %cond3A_72 : i32
      scf.if %cond3A_73 {
        %dma_start3A_74 = arith.constant 1 : i32
        %dma_start3A_75 = arith.constant 0 : i32
        %dma_start3A_76 = arith.constant 0 : i32
        %dma_start3A_77 = tpu.memref_slice %arg9[%dma_start3A_74, %dma_start3A_75, %dma_start3A_76] : memref<2x128x64xf32, #tpu.memory_space<vmem>> -> memref<1x128x64xf32, #tpu.memory_space<vmem>>
        %dma_start3A_78 = tpu.memref_squeeze %dma_start3A_77 : memref<1x128x64xf32, #tpu.memory_space<vmem>> -> memref<128x64xf32, #tpu.memory_space<vmem>>
        %dma_start3A_79 = arith.constant 0 : i32
        %dma_start3A_80 = tpu.memref_slice %arg7[%add3A_68, %dma_start3A_79] : memref<158x128xi32, #tpu.memory_space<vmem>> -> memref<1x128xi32, #tpu.memory_space<vmem>>
        %dma_start3A_81 = tpu.memref_squeeze %dma_start3A_80 : memref<1x128xi32, #tpu.memory_space<vmem>> -> memref<128xi32, #tpu.memory_space<vmem>>
        %dma_start3A_82 = arith.constant 0 : i32
        %dma_start3A_83 = arith.constant 0 : i32
        %dma_start3A_84 = tpu.memref_slice %arg2[%dma_start3A_82, %dma_start3A_83] : memref<20000x64xf32, #tpu.memory_space<hbm>> -> memref<20000x64xf32, #tpu.memory_space<hbm>>
        tpu.enqueue_indirect_dma source(%dma_start3A_84 : memref<20000x64xf32, #tpu.memory_space<hbm>>) target(%dma_start3A_78 : memref<128x64xf32, #tpu.memory_space<vmem>>) offsets(%dma_start3A_81 : memref<128xi32, #tpu.memory_space<vmem>>) semaphore(%arg12 : memref<!tpu.dma_semaphore, #tpu.memory_space<semaphore_mem>>)
      } else {
      }
    }
    %scan3A_30 = arith.constant 79 : i32
    %barrier3A_31 = arith.constant 0 : index
    tpu.barrier barrier_id(%barrier3A_31)
    "tpu.region"() ({
      %run_scoped3A = tpu.sem_alloc : memref<!tpu.dma_semaphore, #tpu.memory_space<semaphore_mem>>
      %dma_start3A_32 = arith.constant 0 : i32
      %dma_start3A_33 = tpu.memref_slice %arg6[%arg0, %mul3A_25, %dma_start3A_32] : memref<2x10112x64xf32, #tpu.memory_space<hbm>> -> memref<1x632x64xf32, #tpu.memory_space<hbm>>
      %dma_start3A_34 = tpu.memref_squeeze %dma_start3A_33 : memref<1x632x64xf32, #tpu.memory_space<hbm>> -> memref<632x64xf32, #tpu.memory_space<hbm>>
      %dma_start3A_35 = arith.constant 0 : i32
      %dma_start3A_36 = tpu.memref_slice %arg10[%mul3A_25, %dma_start3A_35] : memref<10112x64xf32, #tpu.memory_space<vmem_shared>> -> memref<632x64xf32, #tpu.memory_space<vmem_shared>>
      tpu.enqueue_dma source(%dma_start3A_36 : memref<632x64xf32, #tpu.memory_space<vmem_shared>>) target(%dma_start3A_34 : memref<632x64xf32, #tpu.memory_space<hbm>>) target_semaphore(%run_scoped3A : memref<!tpu.dma_semaphore, #tpu.memory_space<semaphore_mem>>)
      %dma_wait3A = arith.constant 0 : i32
      %dma_wait3A_37 = tpu.memref_slice %arg6[%arg0, %mul3A_25, %dma_wait3A] : memref<2x10112x64xf32, #tpu.memory_space<hbm>> -> memref<1x632x64xf32, #tpu.memory_space<hbm>>
      %dma_wait3A_38 = tpu.memref_squeeze %dma_wait3A_37 : memref<1x632x64xf32, #tpu.memory_space<hbm>> -> memref<632x64xf32, #tpu.memory_space<hbm>>
      %dma_wait3A_39 = arith.constant 0 : i32
      %dma_wait3A_40 = tpu.memref_slice %arg10[%mul3A_25, %dma_wait3A_39] : memref<10112x64xf32, #tpu.memory_space<vmem_shared>> -> memref<632x64xf32, #tpu.memory_space<vmem_shared>>
      tpu.wait_dma2 semaphore(%run_scoped3A : memref<!tpu.dma_semaphore, #tpu.memory_space<semaphore_mem>>) src(%dma_wait3A_40 : memref<632x64xf32, #tpu.memory_space<vmem_shared>>) dst(%dma_wait3A_38 : memref<632x64xf32, #tpu.memory_space<hbm>>)
      tpu.yield
    }) : () -> ()
    return
  }
}

module attributes {stable_mosaic.version = 14 : i64} {
  func.func @s0_body(%arg0: i32, %arg1: memref<2000x1xi32, #tpu.memory_space<vmem>>, %arg2: memref<2000x128xf32, #tpu.memory_space<vmem>>, %arg3: memref<128x128xf32, #tpu.memory_space<vmem>>, %arg4: memref<1x128xf32, #tpu.memory_space<vmem>>, %arg5: memref<128x128xf32, #tpu.memory_space<vmem>>, %arg6: memref<1x128xf32, #tpu.memory_space<vmem>>, %arg7: memref<128x128xf32, #tpu.memory_space<vmem>>, %arg8: memref<2000x128xf32, #tpu.memory_space<vmem>>) attributes {dimension_semantics = [#tpu.dimension_semantics<arbitrary>], iteration_bounds = array<i64: 5>, scalar_prefetch = 0 : i64, scratch_operands = 0 : i64, tpu.core_type = #tpu.core_type<tc>, window_params = [{transform_indices = @transform_0, window_bounds = array<i64: 2000, 1>}, {transform_indices = @transform_1, window_bounds = array<i64: 2000, 128>}, {pipeline_mode = #tpu.pipeline_mode<synchronous>, transform_indices = @transform_2, window_bounds = array<i64: 128, 128>}, {pipeline_mode = #tpu.pipeline_mode<synchronous>, transform_indices = @transform_3, window_bounds = array<i64: 1, 128>}, {pipeline_mode = #tpu.pipeline_mode<synchronous>, transform_indices = @transform_4, window_bounds = array<i64: 128, 128>}, {pipeline_mode = #tpu.pipeline_mode<synchronous>, transform_indices = @transform_5, window_bounds = array<i64: 1, 128>}, {pipeline_mode = #tpu.pipeline_mode<synchronous>, transform_indices = @transform_6, window_bounds = array<i64: 128, 128>}, {transform_indices = @transform_7, window_bounds = array<i64: 2000, 128>}]} {
    %get3A = arith.constant 0 : index
    %get3A_0 = arith.constant 0 : index
    %get3A_1 = vector.load %arg1[%get3A, %get3A_0] : memref<2000x1xi32, #tpu.memory_space<vmem>>, vector<2000x1xi32>
    %convert_element_type3A = arith.sitofp %get3A_1 : vector<2000x1xi32> to vector<2000x1xf32>
    %iota3A = tpu.iota {dimensions = array<i32: 1>} : vector<1x64xi32>
    %convert_element_type3A_2 = arith.sitofp %iota3A : vector<1x64xi32> to vector<1x64xf32>
    %mul3A = arith.constant -0.146195874 : f32
    %mul3A_3 = vector.broadcast %mul3A : f32 to vector<1x64xf32>
    %mul3A_4 = arith.mulf %convert_element_type3A_2, %mul3A_3 : vector<1x64xf32>
    %exp3A = math.exp %mul3A_4 : vector<1x64xf32>
    %mul3A_5 = vector.broadcast %convert_element_type3A : vector<2000x1xf32> to vector<2000x64xf32>
    %mul3A_6 = vector.broadcast %exp3A : vector<1x64xf32> to vector<2000x64xf32>
    %mul3A_7 = arith.mulf %mul3A_5, %mul3A_6 : vector<2000x64xf32>
    %sin3A = math.sin %mul3A_7 : vector<2000x64xf32>
    %cos3A = math.cos %mul3A_7 : vector<2000x64xf32>
    %concatenate3A = tpu.concatenate %sin3A, %cos3A in 1 : vector<2000x64xf32>, vector<2000x64xf32> -> vector<2000x128xf32>
    %get3A_8 = arith.constant 0 : index
    %get3A_9 = arith.constant 0 : index
    %get3A_10 = vector.load %arg3[%get3A_8, %get3A_9] : memref<128x128xf32, #tpu.memory_space<vmem>>, vector<128x128xf32>
    %dot_general3A = arith.constant dense<0.000000e+00> : vector<2000x128xf32>
    %dot_general3A_11 = tpu.matmul %concatenate3A, %get3A_10, %dot_general3A {dimension_numbers = #tpu.dot_dimension_numbers<[1], [0], [0], [1], [0, 0, 1, 1], [], []>, transpose_lhs_hint = false} : vector<2000x128xf32>, vector<128x128xf32>, vector<2000x128xf32> -> vector<2000x128xf32>
    %get3A_12 = arith.constant 0 : index
    %get3A_13 = arith.constant 0 : index
    %get3A_14 = vector.load %arg4[%get3A_12, %get3A_13] : memref<1x128xf32, #tpu.memory_space<vmem>>, vector<1x128xf32>
    %add3A = vector.broadcast %get3A_14 : vector<1x128xf32> to vector<2000x128xf32>
    %add3A_15 = arith.addf %dot_general3A_11, %add3A : vector<2000x128xf32>
    %neg3A = arith.constant 0.000000e+00 : f32
    %neg3A_16 = vector.broadcast %neg3A : f32 to vector<2000x128xf32>
    %neg3A_17 = arith.subf %neg3A_16, %add3A_15 : vector<2000x128xf32>
    %exp3A_18 = math.exp %neg3A_17 : vector<2000x128xf32>
    %add3A_19 = arith.constant 1.000000e+00 : f32
    %add3A_20 = vector.broadcast %add3A_19 : f32 to vector<2000x128xf32>
    %add3A_21 = arith.addf %add3A_20, %exp3A_18 : vector<2000x128xf32>
    %div3A = arith.constant 1.000000e+00 : f32
    %div3A_22 = vector.broadcast %div3A : f32 to vector<2000x128xf32>
    %div3A_23 = arith.divf %div3A_22, %add3A_21 : vector<2000x128xf32>
    %mul3A_24 = arith.mulf %add3A_15, %div3A_23 : vector<2000x128xf32>
    %get3A_25 = arith.constant 0 : index
    %get3A_26 = arith.constant 0 : index
    %get3A_27 = vector.load %arg2[%get3A_25, %get3A_26] : memref<2000x128xf32, #tpu.memory_space<vmem>>, vector<2000x128xf32>
    %get3A_28 = arith.constant 0 : index
    %get3A_29 = arith.constant 0 : index
    %get3A_30 = vector.load %arg5[%get3A_28, %get3A_29] : memref<128x128xf32, #tpu.memory_space<vmem>>, vector<128x128xf32>
    %dot_general3A_31 = arith.constant dense<0.000000e+00> : vector<2000x128xf32>
    %dot_general3A_32 = tpu.matmul %mul3A_24, %get3A_30, %dot_general3A_31 {dimension_numbers = #tpu.dot_dimension_numbers<[1], [0], [0], [1], [0, 0, 1, 1], [], []>, transpose_lhs_hint = false} : vector<2000x128xf32>, vector<128x128xf32>, vector<2000x128xf32> -> vector<2000x128xf32>
    %add3A_33 = arith.addf %get3A_27, %dot_general3A_32 : vector<2000x128xf32>
    %get3A_34 = arith.constant 0 : index
    %get3A_35 = arith.constant 0 : index
    %get3A_36 = vector.load %arg6[%get3A_34, %get3A_35] : memref<1x128xf32, #tpu.memory_space<vmem>>, vector<1x128xf32>
    %add3A_37 = vector.broadcast %get3A_36 : vector<1x128xf32> to vector<2000x128xf32>
    %add3A_38 = arith.addf %add3A_33, %add3A_37 : vector<2000x128xf32>
    %get3A_39 = arith.constant 0 : index
    %get3A_40 = arith.constant 0 : index
    %get3A_41 = vector.load %arg7[%get3A_39, %get3A_40] : memref<128x128xf32, #tpu.memory_space<vmem>>, vector<128x128xf32>
    %dot_general3A_42 = arith.constant dense<0.000000e+00> : vector<2000x128xf32>
    %dot_general3A_43 = tpu.matmul %add3A_38, %get3A_41, %dot_general3A_42 {dimension_numbers = #tpu.dot_dimension_numbers<[1], [0], [0], [1], [0, 0, 1, 1], [], []>, transpose_lhs_hint = false} : vector<2000x128xf32>, vector<128x128xf32>, vector<2000x128xf32> -> vector<2000x128xf32>
    %swap3A = arith.constant 0 : index
    %swap3A_44 = arith.constant 0 : index
    %swap3A_45 = vector.load %arg8[%swap3A, %swap3A_44] : memref<2000x128xf32, #tpu.memory_space<vmem>>, vector<2000x128xf32>
    tpu.vector_store %arg8[%swap3A, %swap3A_44], %dot_general3A_43 {strides = array<i32>} : memref<2000x128xf32, #tpu.memory_space<vmem>>, vector<2000x128xf32>,
    return
  }
  func.func @transform_0(%arg0: i32) -> (i32, i32) {
    %c0_i32 = arith.constant 0 : i32
    %c0_i32_0 = arith.constant 0 : i32
    return %arg0, %c0_i32 : i32, i32
  }
  func.func @transform_1(%arg0: i32) -> (i32, i32) {
    %c0_i32 = arith.constant 0 : i32
    %c0_i32_0 = arith.constant 0 : i32
    return %arg0, %c0_i32 : i32, i32
  }
  func.func @transform_2(%arg0: i32) -> (i32, i32) {
    %c0_i32 = arith.constant 0 : i32
    %c0_i32_0 = arith.constant 0 : i32
    %c0_i32_1 = arith.constant 0 : i32
    return %c0_i32, %c0_i32_0 : i32, i32
  }
  func.func @transform_3(%arg0: i32) -> (i32, i32) {
    %c0_i32 = arith.constant 0 : i32
    %c0_i32_0 = arith.constant 0 : i32
    %c0_i32_1 = arith.constant 0 : i32
    return %c0_i32, %c0_i32_0 : i32, i32
  }
  func.func @transform_4(%arg0: i32) -> (i32, i32) {
    %c0_i32 = arith.constant 0 : i32
    %c0_i32_0 = arith.constant 0 : i32
    %c0_i32_1 = arith.constant 0 : i32
    return %c0_i32, %c0_i32_0 : i32, i32
  }
  func.func @transform_5(%arg0: i32) -> (i32, i32) {
    %c0_i32 = arith.constant 0 : i32
    %c0_i32_0 = arith.constant 0 : i32
    %c0_i32_1 = arith.constant 0 : i32
    return %c0_i32, %c0_i32_0 : i32, i32
  }
  func.func @transform_6(%arg0: i32) -> (i32, i32) {
    %c0_i32 = arith.constant 0 : i32
    %c0_i32_0 = arith.constant 0 : i32
    %c0_i32_1 = arith.constant 0 : i32
    return %c0_i32, %c0_i32_0 : i32, i32
  }
  func.func @transform_7(%arg0: i32) -> (i32, i32) {
    %c0_i32 = arith.constant 0 : i32
    %c0_i32_0 = arith.constant 0 : i32
    return %arg0, %c0_i32 : i32, i32
  }
}

module attributes {stable_mosaic.version = 14 : i64} {
  func.func @s1_body(%arg0: i32, %arg1: memref<2x2000x64xf32, #tpu.memory_space<vmem>>, %arg2: memref<2000x128xf32, #tpu.memory_space<vmem>>, %arg3: memref<2000x1xf32, #tpu.memory_space<vmem>>, %arg4: memref<1x128xf32, #tpu.memory_space<vmem>>, %arg5: memref<128x64xf32, #tpu.memory_space<vmem>>, %arg6: memref<2000x128xf32, #tpu.memory_space<vmem>>, %arg7: memref<2000x64xf32, #tpu.memory_space<vmem>>) attributes {dimension_semantics = [#tpu.dimension_semantics<arbitrary>], iteration_bounds = array<i64: 5>, scalar_prefetch = 0 : i64, scratch_operands = 0 : i64, tpu.core_type = #tpu.core_type<tc>, window_params = [{transform_indices = @transform_0, window_bounds = array<i64: 2, 2000, 64>}, {transform_indices = @transform_1, window_bounds = array<i64: 2000, 128>}, {transform_indices = @transform_2, window_bounds = array<i64: 2000, 1>}, {pipeline_mode = #tpu.pipeline_mode<synchronous>, transform_indices = @transform_3, window_bounds = array<i64: 1, 128>}, {pipeline_mode = #tpu.pipeline_mode<synchronous>, transform_indices = @transform_4, window_bounds = array<i64: 128, 64>}, {transform_indices = @transform_5, window_bounds = array<i64: 2000, 128>}, {transform_indices = @transform_6, window_bounds = array<i64: 2000, 64>}]} {
    %get3A = arith.constant 0 : index
    %get3A_0 = arith.constant 0 : index
    %get3A_1 = vector.load %arg3[%get3A, %get3A_0] : memref<2000x1xf32, #tpu.memory_space<vmem>>, vector<2000x1xf32>
    %add3A = arith.constant 1.000000e+00 : f32
    %add3A_2 = vector.broadcast %add3A : f32 to vector<2000x1xf32>
    %add3A_3 = arith.addf %get3A_1, %add3A_2 : vector<2000x1xf32>
    %rsqrt3A = math.rsqrt %add3A_3 : vector<2000x1xf32>
    %get3A_4 = arith.constant 0 : index
    %get3A_5 = arith.constant 0 : index
    %get3A_6 = arith.constant 0 : index
    %get3A_7 = vector.load %arg1[%get3A_4, %get3A_5, %get3A_6] : memref<2x2000x64xf32, #tpu.memory_space<vmem>>, vector<1x2000x64xf32>
    %get3A_8 = vector.shape_cast %get3A_7 : vector<1x2000x64xf32> to vector<2000x64xf32>
    %get3A_9 = arith.constant 1 : index
    %get3A_10 = arith.constant 0 : index
    %get3A_11 = arith.constant 0 : index
    %get3A_12 = vector.load %arg1[%get3A_9, %get3A_10, %get3A_11] : memref<2x2000x64xf32, #tpu.memory_space<vmem>>, vector<1x2000x64xf32>
    %get3A_13 = vector.shape_cast %get3A_12 : vector<1x2000x64xf32> to vector<2000x64xf32>
    %concatenate3A = tpu.concatenate %get3A_8, %get3A_13 in 1 : vector<2000x64xf32>, vector<2000x64xf32> -> vector<2000x128xf32>
    %get3A_14 = arith.constant 0 : index
    %get3A_15 = arith.constant 0 : index
    %get3A_16 = vector.load %arg2[%get3A_14, %get3A_15] : memref<2000x128xf32, #tpu.memory_space<vmem>>, vector<2000x128xf32>
    %add3A_17 = arith.addf %concatenate3A, %get3A_16 : vector<2000x128xf32>
    %mul3A = vector.broadcast %rsqrt3A : vector<2000x1xf32> to vector<2000x128xf32>
    %mul3A_18 = arith.mulf %mul3A, %add3A_17 : vector<2000x128xf32>
    %get3A_19 = arith.constant 0 : index
    %get3A_20 = arith.constant 0 : index
    %get3A_21 = vector.load %arg4[%get3A_19, %get3A_20] : memref<1x128xf32, #tpu.memory_space<vmem>>, vector<1x128xf32>
    %add3A_22 = vector.broadcast %get3A_21 : vector<1x128xf32> to vector<2000x128xf32>
    %add3A_23 = arith.addf %mul3A_18, %add3A_22 : vector<2000x128xf32>
    %neg3A = arith.constant 0.000000e+00 : f32
    %neg3A_24 = vector.broadcast %neg3A : f32 to vector<2000x128xf32>
    %neg3A_25 = arith.subf %neg3A_24, %add3A_23 : vector<2000x128xf32>
    %exp3A = math.exp %neg3A_25 : vector<2000x128xf32>
    %add3A_26 = arith.constant 1.000000e+00 : f32
    %add3A_27 = vector.broadcast %add3A_26 : f32 to vector<2000x128xf32>
    %add3A_28 = arith.addf %add3A_27, %exp3A : vector<2000x128xf32>
    %div3A = arith.constant 1.000000e+00 : f32
    %div3A_29 = vector.broadcast %div3A : f32 to vector<2000x128xf32>
    %div3A_30 = arith.divf %div3A_29, %add3A_28 : vector<2000x128xf32>
    %mul3A_31 = arith.mulf %add3A_23, %div3A_30 : vector<2000x128xf32>
    %swap3A = arith.constant 0 : index
    %swap3A_32 = arith.constant 0 : index
    %swap3A_33 = vector.load %arg6[%swap3A, %swap3A_32] : memref<2000x128xf32, #tpu.memory_space<vmem>>, vector<2000x128xf32>
    tpu.vector_store %arg6[%swap3A, %swap3A_32], %mul3A_31 {strides = array<i32>} : memref<2000x128xf32, #tpu.memory_space<vmem>>, vector<2000x128xf32>,
    %get3A_34 = arith.constant 0 : index
    %get3A_35 = arith.constant 0 : index
    %get3A_36 = vector.load %arg5[%get3A_34, %get3A_35] : memref<128x64xf32, #tpu.memory_space<vmem>>, vector<128x64xf32>
    %dot_general3A = arith.constant dense<0.000000e+00> : vector<2000x64xf32>
    %dot_general3A_37 = tpu.matmul %mul3A_31, %get3A_36, %dot_general3A {dimension_numbers = #tpu.dot_dimension_numbers<[1], [0], [0], [1], [0, 0, 1, 1], [], []>, transpose_lhs_hint = false} : vector<2000x128xf32>, vector<128x64xf32>, vector<2000x64xf32> -> vector<2000x64xf32>
    %mul3A_38 = vector.broadcast %rsqrt3A : vector<2000x1xf32> to vector<2000x64xf32>
    %mul3A_39 = arith.mulf %mul3A_38, %dot_general3A_37 : vector<2000x64xf32>
    %swap3A_40 = arith.constant 0 : index
    %swap3A_41 = arith.constant 0 : index
    %swap3A_42 = vector.load %arg7[%swap3A_40, %swap3A_41] : memref<2000x64xf32, #tpu.memory_space<vmem>>, vector<2000x64xf32>
    tpu.vector_store %arg7[%swap3A_40, %swap3A_41], %mul3A_39 {strides = array<i32>} : memref<2000x64xf32, #tpu.memory_space<vmem>>, vector<2000x64xf32>,
    return
  }
  func.func @transform_0(%arg0: i32) -> (i32, i32, i32) {
    %c0_i32 = arith.constant 0 : i32
    %c0_i32_0 = arith.constant 0 : i32
    %c0_i32_1 = arith.constant 0 : i32
    return %c0_i32, %arg0, %c0_i32_0 : i32, i32, i32
  }
  func.func @transform_1(%arg0: i32) -> (i32, i32) {
    %c0_i32 = arith.constant 0 : i32
    %c0_i32_0 = arith.constant 0 : i32
    return %arg0, %c0_i32 : i32, i32
  }
  func.func @transform_2(%arg0: i32) -> (i32, i32) {
    %c0_i32 = arith.constant 0 : i32
    %c0_i32_0 = arith.constant 0 : i32
    return %arg0, %c0_i32 : i32, i32
  }
  func.func @transform_3(%arg0: i32) -> (i32, i32) {
    %c0_i32 = arith.constant 0 : i32
    %c0_i32_0 = arith.constant 0 : i32
    %c0_i32_1 = arith.constant 0 : i32
    return %c0_i32, %c0_i32_0 : i32, i32
  }
  func.func @transform_4(%arg0: i32) -> (i32, i32) {
    %c0_i32 = arith.constant 0 : i32
    %c0_i32_0 = arith.constant 0 : i32
    %c0_i32_1 = arith.constant 0 : i32
    return %c0_i32, %c0_i32_0 : i32, i32
  }
  func.func @transform_5(%arg0: i32) -> (i32, i32) {
    %c0_i32 = arith.constant 0 : i32
    %c0_i32_0 = arith.constant 0 : i32
    return %arg0, %c0_i32 : i32, i32
  }
  func.func @transform_6(%arg0: i32) -> (i32, i32) {
    %c0_i32 = arith.constant 0 : i32
    %c0_i32_0 = arith.constant 0 : i32
    return %arg0, %c0_i32 : i32, i32
  }
}

module attributes {stable_mosaic.version = 14 : i64} {
  func.func @s2_body(%arg0: i32, %arg1: memref<2x2000x32xf32, #tpu.memory_space<vmem>>, %arg2: memref<2000x64xf32, #tpu.memory_space<vmem>>, %arg3: memref<2000x1xf32, #tpu.memory_space<vmem>>, %arg4: memref<1x64xf32, #tpu.memory_space<vmem>>, %arg5: memref<2000x64xf32, #tpu.memory_space<vmem>>) attributes {dimension_semantics = [#tpu.dimension_semantics<arbitrary>], iteration_bounds = array<i64: 5>, scalar_prefetch = 0 : i64, scratch_operands = 0 : i64, tpu.core_type = #tpu.core_type<tc>, window_params = [{transform_indices = @transform_0, window_bounds = array<i64: 2, 2000, 32>}, {transform_indices = @transform_1, window_bounds = array<i64: 2000, 64>}, {transform_indices = @transform_2, window_bounds = array<i64: 2000, 1>}, {pipeline_mode = #tpu.pipeline_mode<synchronous>, transform_indices = @transform_3, window_bounds = array<i64: 1, 64>}, {transform_indices = @transform_4, window_bounds = array<i64: 2000, 64>}]} {
    %get3A = arith.constant 0 : index
    %get3A_0 = arith.constant 0 : index
    %get3A_1 = vector.load %arg3[%get3A, %get3A_0] : memref<2000x1xf32, #tpu.memory_space<vmem>>, vector<2000x1xf32>
    %add3A = arith.constant 1.000000e+00 : f32
    %add3A_2 = vector.broadcast %add3A : f32 to vector<2000x1xf32>
    %add3A_3 = arith.addf %get3A_1, %add3A_2 : vector<2000x1xf32>
    %rsqrt3A = math.rsqrt %add3A_3 : vector<2000x1xf32>
    %get3A_4 = arith.constant 0 : index
    %get3A_5 = arith.constant 0 : index
    %get3A_6 = arith.constant 0 : index
    %get3A_7 = vector.load %arg1[%get3A_4, %get3A_5, %get3A_6] : memref<2x2000x32xf32, #tpu.memory_space<vmem>>, vector<1x2000x32xf32>
    %get3A_8 = vector.shape_cast %get3A_7 : vector<1x2000x32xf32> to vector<2000x32xf32>
    %get3A_9 = arith.constant 1 : index
    %get3A_10 = arith.constant 0 : index
    %get3A_11 = arith.constant 0 : index
    %get3A_12 = vector.load %arg1[%get3A_9, %get3A_10, %get3A_11] : memref<2x2000x32xf32, #tpu.memory_space<vmem>>, vector<1x2000x32xf32>
    %get3A_13 = vector.shape_cast %get3A_12 : vector<1x2000x32xf32> to vector<2000x32xf32>
    %concatenate3A = tpu.concatenate %get3A_8, %get3A_13 in 1 : vector<2000x32xf32>, vector<2000x32xf32> -> vector<2000x64xf32>
    %get3A_14 = arith.constant 0 : index
    %get3A_15 = arith.constant 0 : index
    %get3A_16 = vector.load %arg2[%get3A_14, %get3A_15] : memref<2000x64xf32, #tpu.memory_space<vmem>>, vector<2000x64xf32>
    %add3A_17 = arith.addf %concatenate3A, %get3A_16 : vector<2000x64xf32>
    %mul3A = vector.broadcast %rsqrt3A : vector<2000x1xf32> to vector<2000x64xf32>
    %mul3A_18 = arith.mulf %mul3A, %add3A_17 : vector<2000x64xf32>
    %get3A_19 = arith.constant 0 : index
    %get3A_20 = arith.constant 0 : index
    %get3A_21 = vector.load %arg4[%get3A_19, %get3A_20] : memref<1x64xf32, #tpu.memory_space<vmem>>, vector<1x64xf32>
    %add3A_22 = vector.broadcast %get3A_21 : vector<1x64xf32> to vector<2000x64xf32>
    %add3A_23 = arith.addf %mul3A_18, %add3A_22 : vector<2000x64xf32>
    %neg3A = arith.constant 0.000000e+00 : f32
    %neg3A_24 = vector.broadcast %neg3A : f32 to vector<2000x64xf32>
    %neg3A_25 = arith.subf %neg3A_24, %add3A_23 : vector<2000x64xf32>
    %exp3A = math.exp %neg3A_25 : vector<2000x64xf32>
    %add3A_26 = arith.constant 1.000000e+00 : f32
    %add3A_27 = vector.broadcast %add3A_26 : f32 to vector<2000x64xf32>
    %add3A_28 = arith.addf %add3A_27, %exp3A : vector<2000x64xf32>
    %div3A = arith.constant 1.000000e+00 : f32
    %div3A_29 = vector.broadcast %div3A : f32 to vector<2000x64xf32>
    %div3A_30 = arith.divf %div3A_29, %add3A_28 : vector<2000x64xf32>
    %mul3A_31 = arith.mulf %add3A_23, %div3A_30 : vector<2000x64xf32>
    %mul3A_32 = vector.broadcast %rsqrt3A : vector<2000x1xf32> to vector<2000x64xf32>
    %mul3A_33 = arith.mulf %mul3A_32, %mul3A_31 : vector<2000x64xf32>
    %swap3A = arith.constant 0 : index
    %swap3A_34 = arith.constant 0 : index
    %swap3A_35 = vector.load %arg5[%swap3A, %swap3A_34] : memref<2000x64xf32, #tpu.memory_space<vmem>>, vector<2000x64xf32>
    tpu.vector_store %arg5[%swap3A, %swap3A_34], %mul3A_33 {strides = array<i32>} : memref<2000x64xf32, #tpu.memory_space<vmem>>, vector<2000x64xf32>,
    return
  }
  func.func @transform_0(%arg0: i32) -> (i32, i32, i32) {
    %c0_i32 = arith.constant 0 : i32
    %c0_i32_0 = arith.constant 0 : i32
    %c0_i32_1 = arith.constant 0 : i32
    return %c0_i32, %arg0, %c0_i32_0 : i32, i32, i32
  }
  func.func @transform_1(%arg0: i32) -> (i32, i32) {
    %c0_i32 = arith.constant 0 : i32
    %c0_i32_0 = arith.constant 0 : i32
    return %arg0, %c0_i32 : i32, i32
  }
  func.func @transform_2(%arg0: i32) -> (i32, i32) {
    %c0_i32 = arith.constant 0 : i32
    %c0_i32_0 = arith.constant 0 : i32
    return %arg0, %c0_i32 : i32, i32
  }
  func.func @transform_3(%arg0: i32) -> (i32, i32) {
    %c0_i32 = arith.constant 0 : i32
    %c0_i32_0 = arith.constant 0 : i32
    %c0_i32_1 = arith.constant 0 : i32
    return %c0_i32, %c0_i32_0 : i32, i32
  }
  func.func @transform_4(%arg0: i32) -> (i32, i32) {
    %c0_i32 = arith.constant 0 : i32
    %c0_i32_0 = arith.constant 0 : i32
    return %arg0, %c0_i32 : i32, i32
  }
}

module attributes {stable_mosaic.version = 14 : i64} {
  func.func @s3_body(%arg0: i32, %arg1: memref<2x2000x32xf32, #tpu.memory_space<vmem>>, %arg2: memref<2000x64xf32, #tpu.memory_space<vmem>>, %arg3: memref<2000x128xf32, #tpu.memory_space<vmem>>, %arg4: memref<2000x1xf32, #tpu.memory_space<vmem>>, %arg5: memref<64x128xf32, #tpu.memory_space<vmem>>, %arg6: memref<1x128xf32, #tpu.memory_space<vmem>>, %arg7: memref<128x128xf32, #tpu.memory_space<vmem>>, %arg8: memref<128x128xf32, #tpu.memory_space<vmem>>, %arg9: memref<2000x128xf32, #tpu.memory_space<vmem>>) attributes {dimension_semantics = [#tpu.dimension_semantics<arbitrary>], iteration_bounds = array<i64: 5>, scalar_prefetch = 0 : i64, scratch_operands = 0 : i64, tpu.core_type = #tpu.core_type<tc>, window_params = [{transform_indices = @transform_0, window_bounds = array<i64: 2, 2000, 32>}, {transform_indices = @transform_1, window_bounds = array<i64: 2000, 64>}, {transform_indices = @transform_2, window_bounds = array<i64: 2000, 128>}, {transform_indices = @transform_3, window_bounds = array<i64: 2000, 1>}, {pipeline_mode = #tpu.pipeline_mode<synchronous>, transform_indices = @transform_4, window_bounds = array<i64: 64, 128>}, {pipeline_mode = #tpu.pipeline_mode<synchronous>, transform_indices = @transform_5, window_bounds = array<i64: 1, 128>}, {pipeline_mode = #tpu.pipeline_mode<synchronous>, transform_indices = @transform_6, window_bounds = array<i64: 128, 128>}, {pipeline_mode = #tpu.pipeline_mode<synchronous>, transform_indices = @transform_7, window_bounds = array<i64: 128, 128>}, {transform_indices = @transform_8, window_bounds = array<i64: 2000, 128>}]} {
    %get3A = arith.constant 0 : index
    %get3A_0 = arith.constant 0 : index
    %get3A_1 = vector.load %arg4[%get3A, %get3A_0] : memref<2000x1xf32, #tpu.memory_space<vmem>>, vector<2000x1xf32>
    %add3A = arith.constant 1.000000e+00 : f32
    %add3A_2 = vector.broadcast %add3A : f32 to vector<2000x1xf32>
    %add3A_3 = arith.addf %get3A_1, %add3A_2 : vector<2000x1xf32>
    %rsqrt3A = math.rsqrt %add3A_3 : vector<2000x1xf32>
    %get3A_4 = arith.constant 0 : index
    %get3A_5 = arith.constant 0 : index
    %get3A_6 = arith.constant 0 : index
    %get3A_7 = vector.load %arg1[%get3A_4, %get3A_5, %get3A_6] : memref<2x2000x32xf32, #tpu.memory_space<vmem>>, vector<1x2000x32xf32>
    %get3A_8 = vector.shape_cast %get3A_7 : vector<1x2000x32xf32> to vector<2000x32xf32>
    %get3A_9 = arith.constant 1 : index
    %get3A_10 = arith.constant 0 : index
    %get3A_11 = arith.constant 0 : index
    %get3A_12 = vector.load %arg1[%get3A_9, %get3A_10, %get3A_11] : memref<2x2000x32xf32, #tpu.memory_space<vmem>>, vector<1x2000x32xf32>
    %get3A_13 = vector.shape_cast %get3A_12 : vector<1x2000x32xf32> to vector<2000x32xf32>
    %concatenate3A = tpu.concatenate %get3A_8, %get3A_13 in 1 : vector<2000x32xf32>, vector<2000x32xf32> -> vector<2000x64xf32>
    %get3A_14 = arith.constant 0 : index
    %get3A_15 = arith.constant 0 : index
    %get3A_16 = vector.load %arg2[%get3A_14, %get3A_15] : memref<2000x64xf32, #tpu.memory_space<vmem>>, vector<2000x64xf32>
    %add3A_17 = arith.addf %concatenate3A, %get3A_16 : vector<2000x64xf32>
    %get3A_18 = arith.constant 0 : index
    %get3A_19 = arith.constant 0 : index
    %get3A_20 = vector.load %arg5[%get3A_18, %get3A_19] : memref<64x128xf32, #tpu.memory_space<vmem>>, vector<64x128xf32>
    %dot_general3A = arith.constant dense<0.000000e+00> : vector<2000x128xf32>
    %dot_general3A_21 = tpu.matmul %add3A_17, %get3A_20, %dot_general3A {dimension_numbers = #tpu.dot_dimension_numbers<[1], [0], [0], [1], [0, 0, 1, 1], [], []>, transpose_lhs_hint = false} : vector<2000x64xf32>, vector<64x128xf32>, vector<2000x128xf32> -> vector<2000x128xf32>
    %mul3A = vector.broadcast %rsqrt3A : vector<2000x1xf32> to vector<2000x128xf32>
    %mul3A_22 = arith.mulf %mul3A, %dot_general3A_21 : vector<2000x128xf32>
    %get3A_23 = arith.constant 0 : index
    %get3A_24 = arith.constant 0 : index
    %get3A_25 = vector.load %arg6[%get3A_23, %get3A_24] : memref<1x128xf32, #tpu.memory_space<vmem>>, vector<1x128xf32>
    %add3A_26 = vector.broadcast %get3A_25 : vector<1x128xf32> to vector<2000x128xf32>
    %add3A_27 = arith.addf %mul3A_22, %add3A_26 : vector<2000x128xf32>
    %neg3A = arith.constant 0.000000e+00 : f32
    %neg3A_28 = vector.broadcast %neg3A : f32 to vector<2000x128xf32>
    %neg3A_29 = arith.subf %neg3A_28, %add3A_27 : vector<2000x128xf32>
    %exp3A = math.exp %neg3A_29 : vector<2000x128xf32>
    %add3A_30 = arith.constant 1.000000e+00 : f32
    %add3A_31 = vector.broadcast %add3A_30 : f32 to vector<2000x128xf32>
    %add3A_32 = arith.addf %add3A_31, %exp3A : vector<2000x128xf32>
    %div3A = arith.constant 1.000000e+00 : f32
    %div3A_33 = vector.broadcast %div3A : f32 to vector<2000x128xf32>
    %div3A_34 = arith.divf %div3A_33, %add3A_32 : vector<2000x128xf32>
    %mul3A_35 = arith.mulf %add3A_27, %div3A_34 : vector<2000x128xf32>
    %get3A_36 = arith.constant 0 : index
    %get3A_37 = arith.constant 0 : index
    %get3A_38 = vector.load %arg7[%get3A_36, %get3A_37] : memref<128x128xf32, #tpu.memory_space<vmem>>, vector<128x128xf32>
    %dot_general3A_39 = arith.constant dense<0.000000e+00> : vector<2000x128xf32>
    %dot_general3A_40 = tpu.matmul %mul3A_35, %get3A_38, %dot_general3A_39 {dimension_numbers = #tpu.dot_dimension_numbers<[1], [0], [0], [1], [0, 0, 1, 1], [], []>, transpose_lhs_hint = false} : vector<2000x128xf32>, vector<128x128xf32>, vector<2000x128xf32> -> vector<2000x128xf32>
    %get3A_41 = arith.constant 0 : index
    %get3A_42 = arith.constant 0 : index
    %get3A_43 = vector.load %arg3[%get3A_41, %get3A_42] : memref<2000x128xf32, #tpu.memory_space<vmem>>, vector<2000x128xf32>
    %get3A_44 = arith.constant 0 : index
    %get3A_45 = arith.constant 0 : index
    %get3A_46 = vector.load %arg8[%get3A_44, %get3A_45] : memref<128x128xf32, #tpu.memory_space<vmem>>, vector<128x128xf32>
    %dot_general3A_47 = arith.constant dense<0.000000e+00> : vector<2000x128xf32>
    %dot_general3A_48 = tpu.matmul %get3A_43, %get3A_46, %dot_general3A_47 {dimension_numbers = #tpu.dot_dimension_numbers<[1], [0], [0], [1], [0, 0, 1, 1], [], []>, transpose_lhs_hint = false} : vector<2000x128xf32>, vector<128x128xf32>, vector<2000x128xf32> -> vector<2000x128xf32>
    %add3A_49 = arith.addf %dot_general3A_40, %dot_general3A_48 : vector<2000x128xf32>
    %mul3A_50 = vector.broadcast %rsqrt3A : vector<2000x1xf32> to vector<2000x128xf32>
    %mul3A_51 = arith.mulf %mul3A_50, %add3A_49 : vector<2000x128xf32>
    %swap3A = arith.constant 0 : index
    %swap3A_52 = arith.constant 0 : index
    %swap3A_53 = vector.load %arg9[%swap3A, %swap3A_52] : memref<2000x128xf32, #tpu.memory_space<vmem>>, vector<2000x128xf32>
    tpu.vector_store %arg9[%swap3A, %swap3A_52], %mul3A_51 {strides = array<i32>} : memref<2000x128xf32, #tpu.memory_space<vmem>>, vector<2000x128xf32>,
    return
  }
  func.func @transform_0(%arg0: i32) -> (i32, i32, i32) {
    %c0_i32 = arith.constant 0 : i32
    %c0_i32_0 = arith.constant 0 : i32
    %c0_i32_1 = arith.constant 0 : i32
    return %c0_i32, %arg0, %c0_i32_0 : i32, i32, i32
  }
  func.func @transform_1(%arg0: i32) -> (i32, i32) {
    %c0_i32 = arith.constant 0 : i32
    %c0_i32_0 = arith.constant 0 : i32
    return %arg0, %c0_i32 : i32, i32
  }
  func.func @transform_2(%arg0: i32) -> (i32, i32) {
    %c0_i32 = arith.constant 0 : i32
    %c0_i32_0 = arith.constant 0 : i32
    return %arg0, %c0_i32 : i32, i32
  }
  func.func @transform_3(%arg0: i32) -> (i32, i32) {
    %c0_i32 = arith.constant 0 : i32
    %c0_i32_0 = arith.constant 0 : i32
    return %arg0, %c0_i32 : i32, i32
  }
  func.func @transform_4(%arg0: i32) -> (i32, i32) {
    %c0_i32 = arith.constant 0 : i32
    %c0_i32_0 = arith.constant 0 : i32
    %c0_i32_1 = arith.constant 0 : i32
    return %c0_i32, %c0_i32_0 : i32, i32
  }
  func.func @transform_5(%arg0: i32) -> (i32, i32) {
    %c0_i32 = arith.constant 0 : i32
    %c0_i32_0 = arith.constant 0 : i32
    %c0_i32_1 = arith.constant 0 : i32
    return %c0_i32, %c0_i32_0 : i32, i32
  }
  func.func @transform_6(%arg0: i32) -> (i32, i32) {
    %c0_i32 = arith.constant 0 : i32
    %c0_i32_0 = arith.constant 0 : i32
    %c0_i32_1 = arith.constant 0 : i32
    return %c0_i32, %c0_i32_0 : i32, i32
  }
  func.func @transform_7(%arg0: i32) -> (i32, i32) {
    %c0_i32 = arith.constant 0 : i32
    %c0_i32_0 = arith.constant 0 : i32
    %c0_i32_1 = arith.constant 0 : i32
    return %c0_i32, %c0_i32_0 : i32, i32
  }
  func.func @transform_8(%arg0: i32) -> (i32, i32) {
    %c0_i32 = arith.constant 0 : i32
    %c0_i32_0 = arith.constant 0 : i32
    return %arg0, %c0_i32 : i32, i32
  }
}

module attributes {stable_mosaic.version = 14 : i64} {
  func.func @s4_body(%arg0: i32, %arg1: memref<2x2000x64xf32, #tpu.memory_space<vmem>>, %arg2: memref<2000x128xf32, #tpu.memory_space<vmem>>, %arg3: memref<2000x1xf32, #tpu.memory_space<vmem>>, %arg4: memref<1x128xf32, #tpu.memory_space<vmem>>, %arg5: memref<2000x128xf32, #tpu.memory_space<vmem>>) attributes {dimension_semantics = [#tpu.dimension_semantics<arbitrary>], iteration_bounds = array<i64: 5>, scalar_prefetch = 0 : i64, scratch_operands = 0 : i64, tpu.core_type = #tpu.core_type<tc>, window_params = [{transform_indices = @transform_0, window_bounds = array<i64: 2, 2000, 64>}, {transform_indices = @transform_1, window_bounds = array<i64: 2000, 128>}, {transform_indices = @transform_2, window_bounds = array<i64: 2000, 1>}, {pipeline_mode = #tpu.pipeline_mode<synchronous>, transform_indices = @transform_3, window_bounds = array<i64: 1, 128>}, {transform_indices = @transform_4, window_bounds = array<i64: 2000, 128>}]} {
    %get3A = arith.constant 0 : index
    %get3A_0 = arith.constant 0 : index
    %get3A_1 = vector.load %arg3[%get3A, %get3A_0] : memref<2000x1xf32, #tpu.memory_space<vmem>>, vector<2000x1xf32>
    %add3A = arith.constant 1.000000e+00 : f32
    %add3A_2 = vector.broadcast %add3A : f32 to vector<2000x1xf32>
    %add3A_3 = arith.addf %get3A_1, %add3A_2 : vector<2000x1xf32>
    %rsqrt3A = math.rsqrt %add3A_3 : vector<2000x1xf32>
    %get3A_4 = arith.constant 0 : index
    %get3A_5 = arith.constant 0 : index
    %get3A_6 = arith.constant 0 : index
    %get3A_7 = vector.load %arg1[%get3A_4, %get3A_5, %get3A_6] : memref<2x2000x64xf32, #tpu.memory_space<vmem>>, vector<1x2000x64xf32>
    %get3A_8 = vector.shape_cast %get3A_7 : vector<1x2000x64xf32> to vector<2000x64xf32>
    %get3A_9 = arith.constant 1 : index
    %get3A_10 = arith.constant 0 : index
    %get3A_11 = arith.constant 0 : index
    %get3A_12 = vector.load %arg1[%get3A_9, %get3A_10, %get3A_11] : memref<2x2000x64xf32, #tpu.memory_space<vmem>>, vector<1x2000x64xf32>
    %get3A_13 = vector.shape_cast %get3A_12 : vector<1x2000x64xf32> to vector<2000x64xf32>
    %concatenate3A = tpu.concatenate %get3A_8, %get3A_13 in 1 : vector<2000x64xf32>, vector<2000x64xf32> -> vector<2000x128xf32>
    %get3A_14 = arith.constant 0 : index
    %get3A_15 = arith.constant 0 : index
    %get3A_16 = vector.load %arg2[%get3A_14, %get3A_15] : memref<2000x128xf32, #tpu.memory_space<vmem>>, vector<2000x128xf32>
    %add3A_17 = arith.addf %concatenate3A, %get3A_16 : vector<2000x128xf32>
    %mul3A = vector.broadcast %rsqrt3A : vector<2000x1xf32> to vector<2000x128xf32>
    %mul3A_18 = arith.mulf %mul3A, %add3A_17 : vector<2000x128xf32>
    %get3A_19 = arith.constant 0 : index
    %get3A_20 = arith.constant 0 : index
    %get3A_21 = vector.load %arg4[%get3A_19, %get3A_20] : memref<1x128xf32, #tpu.memory_space<vmem>>, vector<1x128xf32>
    %add3A_22 = vector.broadcast %get3A_21 : vector<1x128xf32> to vector<2000x128xf32>
    %add3A_23 = arith.addf %mul3A_18, %add3A_22 : vector<2000x128xf32>
    %neg3A = arith.constant 0.000000e+00 : f32
    %neg3A_24 = vector.broadcast %neg3A : f32 to vector<2000x128xf32>
    %neg3A_25 = arith.subf %neg3A_24, %add3A_23 : vector<2000x128xf32>
    %exp3A = math.exp %neg3A_25 : vector<2000x128xf32>
    %add3A_26 = arith.constant 1.000000e+00 : f32
    %add3A_27 = vector.broadcast %add3A_26 : f32 to vector<2000x128xf32>
    %add3A_28 = arith.addf %add3A_27, %exp3A : vector<2000x128xf32>
    %div3A = arith.constant 1.000000e+00 : f32
    %div3A_29 = vector.broadcast %div3A : f32 to vector<2000x128xf32>
    %div3A_30 = arith.divf %div3A_29, %add3A_28 : vector<2000x128xf32>
    %mul3A_31 = arith.mulf %add3A_23, %div3A_30 : vector<2000x128xf32>
    %swap3A = arith.constant 0 : index
    %swap3A_32 = arith.constant 0 : index
    %swap3A_33 = vector.load %arg5[%swap3A, %swap3A_32] : memref<2000x128xf32, #tpu.memory_space<vmem>>, vector<2000x128xf32>
    tpu.vector_store %arg5[%swap3A, %swap3A_32], %mul3A_31 {strides = array<i32>} : memref<2000x128xf32, #tpu.memory_space<vmem>>, vector<2000x128xf32>,
    return
  }
  func.func @transform_0(%arg0: i32) -> (i32, i32, i32) {
    %c0_i32 = arith.constant 0 : i32
    %c0_i32_0 = arith.constant 0 : i32
    %c0_i32_1 = arith.constant 0 : i32
    return %c0_i32, %arg0, %c0_i32_0 : i32, i32, i32
  }
  func.func @transform_1(%arg0: i32) -> (i32, i32) {
    %c0_i32 = arith.constant 0 : i32
    %c0_i32_0 = arith.constant 0 : i32
    return %arg0, %c0_i32 : i32, i32
  }
  func.func @transform_2(%arg0: i32) -> (i32, i32) {
    %c0_i32 = arith.constant 0 : i32
    %c0_i32_0 = arith.constant 0 : i32
    return %arg0, %c0_i32 : i32, i32
  }
  func.func @transform_3(%arg0: i32) -> (i32, i32) {
    %c0_i32 = arith.constant 0 : i32
    %c0_i32_0 = arith.constant 0 : i32
    %c0_i32_1 = arith.constant 0 : i32
    return %c0_i32, %c0_i32_0 : i32, i32
  }
  func.func @transform_4(%arg0: i32) -> (i32, i32) {
    %c0_i32 = arith.constant 0 : i32
    %c0_i32_0 = arith.constant 0 : i32
    return %arg0, %c0_i32 : i32, i32
  }
}

</mosaic_0001>

<sc_bundles>
// kernel: kernel.12.cloned.1.call-start
scs
__scs_entry_jumppad:
0x0: {  	(pc) =	sbr.rel $0x88, $3  }
0x1: {  	(tag) =	ssettag $0x0;
	lr =	simm.s32 $0x1  }
0x2: {  	[smem:$0x3F92] =	sst lr;
	_ =	strace $0xD0000000  }
0x3: {  	_ = 	snop  }
0x4: {  	_ = 	snop  }
0x5: {  	_ = 	snop  }
0x6: {  	_ = 	snop  }
0x7: {  	_ = 	snop  }
__scs_overlays_trampoline_lowered:
0x8: {  	[smem:$0x3FA1] =	sst s0  }
0x9: {  	[smem:$0x3FA2] =	sst s1  }
0xa: {  	[smem:$0x3FA3] =	sst s2  }
0xb: {  	[smem:$0x3FA4] =	sst s3  }
0xc: {  	[smem:$0x3FA5] =	sst s4  }
0xd: {  	[smem:$0x3FA6] =	sst s5  }
0xe: {  	[smem:$0x3FA7] =	sst s6  }
0xf: {  	[smem:$0x3FA8] =	sst s7  }
0x10: {  	[smem:$0x3FA9] =	sst s8  }
0x11: {  	[smem:$0x3FAA] =	sst s9;
	s0 =	simm.s32 @!p0 $0x0  }
0x12: {  	s1 =	sld [smem:$0x3F90];
	s0 =	simm.s32 @p0 $0x1  }
0x13: {  	[smem:$0x3FAB] =	sst s0;
	s0 =	simm.s32 @!p1 $0x0  }
0x14: {  	s2 =	sld [smem:$0x3F8F];
	s0 =	simm.s32 @p1 $0x1  }
0x15: {  	[smem:$0x3FAC] =	sst s0;
	s0 =	simm.s32 @!p2 $0x0  }
0x16: {  	s3 =	sld [smem:$0x3FDB];
	s0 =	simm.s32 @p2 $0x1  }
0x17: {  	s4 =	simm.s32 $0x1BF5;
	[smem:$0x3FAE] =	sst s0  }
0x18: {  	s0 =	sld [smem:$0x3F91];
	_ =	swait.ge [sflag:s4], $0x0  }
0x19: {  	s7 =	sld [smem:$0x3F92]  }
0x1a: {  	s8 =	sadd.s32 $0xFFFFE003, lr  }
0x1b: {  	s9 =	sadd.s32 $0xFFFFFEF7, lr;
	s5 =	simm.s32 $0xFFFFFFFF;
	p2 =	slt.u32 s8, $0xFFFFF086  }
0x1c: {  	p1 =	slt.u32 s9, $0xF7A;
	s5 =	simm.s32 @!p2 $0x0  }
0x1d: {  	s5 =	simm.s32 @p1 $0x1;
	p0 =	seq.s32 s7, s2  }
0x1e: {  	s7 =	smul.u32 @!p0 $0xF7A, s2;
	p2 =	seq.s32 @!p0 s5, $0x0  }
0x1f: {  	s9 =	smul.u32 $0xF7A, s1;
	s8 =	simm.s32 @!p0 $0x1BF5;
	p2 =	por !p2, p0  }
0x20: {  	[sflag:s8] =	ssyncset.s32 @!p0 $0xFFFFF086;
	s6 =	sadd.s32 @!p0 s3, s7;
	s7 =	simm.s32 @!p0 $0x108  }
0x21: {  	s3 =	sadd.s32 s3, s9;
	s6 =	sadd.s32 @!p0 $0x88, s6;
	s7 =	simm.s32 @p2 $0x1082  }
0x22: {  	[simem:s7], [sflag:s8] =	dma.local @!p0 [hbm:s6], $0xF7A  }
0x23: {  	s9 =	sor.u32 $0xD0000000, s2;
	s6 =	simm.s32 $0x108;
	_ =	swait.ge @!p0 [sflag:s8], $0x0  }
0x24: {  	s3 =	sadd.s32 $0x88, s3;
	s6 =	simm.s32 @!p1 $0x1082;
	[sflag:s4] =	ssyncset.s32 $0xFFFFF086  }
0x25: {  	[simem:s6], [sflag:s4] =	dma.local [hbm:s3], $0xF7A  }
0x26: {  	[smem:$0x3F92] =	sst s1;
	(tag) =	ssettag s2;
	_ =	strace s9  }
0x27: {  	s1 =	sld [smem:$0x3FA2]  }
0x28: {  	s2 =	sld [smem:$0x3FA3]  }
0x29: {  	s4 =	sld [smem:$0x3FA5]  }
0x2a: {  	p0 =	seq.s32 s5, $0x0;
	s5 =	sld [smem:$0x3FA6]  }
0x2b: {  	s6 =	sld [smem:$0x3FA7]  }
0x2c: {  	s7 =	sld [smem:$0x3FA8]  }
0x2d: {  	s3 =	simm.s32 $0x108;
	s8 =	sld [smem:$0x3FA9]  }
0x2e: {  	s3 =	simm.s32 @!p0 $0x1082;
	s9 =	sld [smem:$0x3FAA]  }
0x2f: {  	lr =	sadd.s32 s0, s3;
	s0 =	sld [smem:$0x3FA1]  }
0x30: {  	s3 =	sld [smem:$0x3FA4]  }
0x31: {  	[smem:$0x3FAD] =	sst s10  }
0x32: {  	s10 =	sld [smem:$0x3FAB];
	_ =	sdelay $0x3  }
0x33: {  	p0 =	seq.s32 s10, $0x1;
	s10 =	sld [smem:$0x3FAD];
	_ =	sdelay $0x3  }
0x34: {  	[smem:$0x3FAD] =	sst s10  }
0x35: {  	s10 =	sld [smem:$0x3FAC];
	_ =	sdelay $0x3  }
0x36: {  	p1 =	seq.s32 s10, $0x1;
	s10 =	sld [smem:$0x3FAD];
	_ =	sdelay $0x3  }
0x37: {  	[smem:$0x3FAD] =	sst s10  }
0x38: {  	s10 =	sld [smem:$0x3FAE]  }
0x39: {  	_ = 	snop;
	(pc) =	sbr.ind lr, $3  }
0x3a: {  	_ = 	snop  }
0x3b: {  	_ = 	snop  }
0x3c: {  	p2 =	seq.s32 s10, $0x1;
	s10 =	sld [smem:$0x3FAD]  }
0x3d: {  	_ =	shalt  }
0x3e: {  	_ =	shalt  }
0x3f: {  	_ =	shalt  }
0x40: {  	_ =	shalt  }
0x41: {  	_ =	shalt  }
0x42: {  	_ =	shalt  }
0x43: {  	_ =	shalt  }
0x44: {  	_ =	shalt  }
0x45: {  	_ =	shalt  }
0x46: {  	_ =	shalt  }
0x47: {  	_ =	shalt  }
0x48: {  	_ =	shalt  }
0x49: {  	_ =	shalt  }
0x4a: {  	_ =	shalt  }
0x4b: {  	_ =	shalt  }
0x4c: {  	_ =	shalt  }
0x4d: {  	_ =	shalt  }
0x4e: {  	_ =	shalt  }
0x4f: {  	_ =	shalt  }
0x50: {  	_ =	shalt  }
0x51: {  	_ =	shalt  }
0x52: {  	_ =	shalt  }
0x53: {  	_ =	shalt  }
0x54: {  	_ =	shalt  }
0x55: {  	_ =	shalt  }
0x56: {  	_ =	shalt  }
0x57: {  	_ =	shalt  }
0x58: {  	_ =	shalt  }
0x59: {  	_ =	shalt  }
0x5a: {  	_ =	shalt  }
0x5b: {  	_ =	shalt  }
0x5c: {  	_ =	shalt  }
0x5d: {  	_ =	shalt  }
0x5e: {  	_ =	shalt  }
0x5f: {  	_ =	shalt  }
0x60: {  	_ =	shalt  }
0x61: {  	_ =	shalt  }
0x62: {  	_ =	shalt  }
0x63: {  	_ =	shalt  }
0x64: {  	_ =	shalt  }
0x65: {  	_ =	shalt  }
0x66: {  	_ =	shalt  }
0x67: {  	_ =	shalt  }
0x68: {  	_ =	shalt  }
0x69: {  	_ =	shalt  }
0x6a: {  	_ =	shalt  }
0x6b: {  	_ =	shalt  }
0x6c: {  	_ =	shalt  }
0x6d: {  	_ =	shalt  }
0x6e: {  	_ =	shalt  }
0x6f: {  	_ =	shalt  }
0x70: {  	_ =	shalt  }
0x71: {  	_ =	shalt  }
0x72: {  	_ =	shalt  }
0x73: {  	_ =	shalt  }
0x74: {  	_ =	shalt  }
0x75: {  	_ =	shalt  }
0x76: {  	_ =	shalt  }
0x77: {  	_ =	shalt  }
0x78: {  	_ =	shalt  }
0x79: {  	_ =	shalt  }
0x7a: {  	_ =	shalt  }
0x7b: {  	_ =	shalt  }
0x7c: {  	_ =	shalt  }
0x7d: {  	_ =	shalt  }
0x7e: {  	_ =	shalt  }
0x7f: {  	_ =	shalt  }
0x80: {  	_ =	shalt  }
0x81: {  	_ =	shalt  }
0x82: {  	_ =	shalt  }
0x83: {  	_ =	shalt  }
0x84: {  	_ =	shalt  }
0x85: {  	_ =	shalt  }
0x86: {  	_ =	shalt  }
0x87: {  	_ =	shalt  }
.Lfunc_end0:
.L_simem_size_0:
called_computation_lowered:
.L_overlay_start_0:
0x88: {  	s2 =	sld [smem:$0x3FD9]  }
0x89: {  	s3 =	sld [smem:$0x3FFE];
	_ =	sdelay $0x1  }
0x8a: {  	s1 =	srdreg.scid  }
0x8b: {  	s0 =	sand.u32 $0x1, s1  }
0x8c: {  	s17 =	sshll.u32 s0, $0xA;
	s2 =	sadd.s32 s3, s2  }
0x8d: {  	s2 =	sadd.s32 s2, s17  }
0x8e: {  	[smem:$0x3FB9] =	sst s2  }
0x8f: {  	_ = 	snop  }
0x90: {  	s2 =	sld [smem:$0x3FD0];
	(tm) =	ssettm $0x1  }
0x91: {  	s18 =	sld [smem:$0x3FFB];
	_ =	sdelay $0x3  }
0x92: {  	_ =	strace s18  }
0x93: {  	s3 =	sld [smem:$0x3FFC];
	_ =	sdelay $0x3  }
0x94: {  	_ =	strace s3  }
0x95: {  	s3 =	sld [smem:$0x3FFD];
	_ =	sdelay $0x3  }
0x96: {  	_ =	strace s3  }
0x97: {  	_ =	strace $0x8FFFFFFF  }
0x98: {  	s19 =	sld [smem:$0x3FDB];
	_ =	sdelay $0x1  }
0x99: {  	s4 =	simm.s32 $_scs_section_size  }
0x9a: {  	s5 =	simm.s32 $_size__tile_overlayer_lowered;
	s6 =	simm.s32 $_tile_overlayer_lowered  }
0x9b: {  	s22 =	simm.s32 $0x1BFF;
	s21 =	sshll.u32 s6, $0x1;
	s3 =	sadd.s32 s4, s19  }
0x9c: {  	s7 =	simm.s32 $0x0;
	s20 =	sshll.u32 s5, $0x1;
	s5 =	sadd.s32 s21, s3  }
0x9d: {  	[timem:s7], [sflag:s22] =	dma.local [hbm:s5], s20  }
0x9e: {  	_ =	swait.ge [sflag:s22], s20  }
0x9f: {  	s4 =	ssub.s32 $0x0, s20;
	[sflag:s22] =	ssyncset.done $0x0  }
0xa0: {  	[sflag:s22] =	ssyncadd.s32 s4;
	_ =	sdelay $0x1  }
0xa1: {  	s23 =	simm.s32 $0x1B8B  }
0xa2: {  	_ =	swait.ge [sflag:s23], $0x1  }
0xa3: {  	[sflag:s23] =	ssyncset.done $0x0  }
0xa4: {  	s25 =	simm.s32 $0x1B8E;
	s24 =	sld [smem:$0x3FFE];
	[sflag:s23] =	ssyncadd.s32 $0xFFFFFFFF  }
0xa5: {  	s26 =	simm.s32 $execute0_lowered;
	[smem:$0x3FD2] =	sst s25  }
0xa6: {  	s5 =	sshll.u32 s26, $0x1;
	_ =	strace $0x80000046;
	[dreg:$0x1] =	wrdreg $0xFFFFFFFF  }
0xa7: {  	s28 =	simm.s32 $_size_execute0_lowered;
	s3 =	sadd.s32 s3, s5;
	[dreg:$0x0] =	wrdreg $0x0  }
0xa8: {  	s5 =	sshll.u32 s28, $0x1;
	[dreg:$0x2] =	wrdreg s3  }
0xa9: {  	[dreg:$0x3] =	wrdreg s5  }
0xaa: {  	[dreg:$0x4] =	wrdreg $0xC0  }
0xab: {  	_ =	task [dreg:s7], $0x5FFFF  }
0xac: {  	[dreg:$0x1] =	wrdreg $0xFFFFFFFF  }
0xad: {  	[dreg:$0x0] =	wrdreg $0x60  }
0xae: {  	[dreg:$0x2] =	wrdreg s24  }
0xaf: {  	[dreg:$0x3] =	wrdreg s2  }
0xb0: {  	[dreg:$0x4] =	wrdreg $0x77800  }
0xb1: {  	[dreg:$0x5] =	wrdreg $0x9  }
0xb2: {  	_ =	task.clear_ibuf [dreg:s7], $0x6FFFF;
	_ =	strace $0x90000046  }
0xb3: {  	s29 =	simm.s32 $0x9;
	_ =	strace $0x80000048  }
0xb4: {  	_ =	swait.ge [sflag:s29], $0x1  }
0xb5: {  	[sflag:s29] =	ssyncadd.s32 $0xFFFFFFFF  }
0xb6: {  	_ =	strace $0x90000048  }
0xb7: {  	_ =	sfence  }
0xb8: {  	s30 =	sld [smem:$0x0];
	_ =	sdelay $0x2  }
0xb9: {  	s31 =	sshll.u32 s1, $0xD;
	s1 =	sshrl.u32 s1, $0x2  }
0xba: {  	s3 =	sand.u32 $0x4000, s31;
	s1 =	sadd.s32 s1, s30  }
0xbb: {  	s0 =	sor.u32 s3, s0;
	s1 =	sshll.u32 s1, $0x11  }
0xbc: {  	s0 =	sor.u32 s1, s0  }
0xbd: {  	s0 =	sadd.s32 $0x8F2B, s0  }
0xbe: {  	[sflag:s0] =	ssyncadd.remote.s32 $0x1  }
0xbf: {  	_ =	sfence.sel $0xFFFF  }
0xc0: {  	[dreg:$0x0] =	wrdreg $0xFFFFFFFF;
	(pc) =	sbr.abs _section_cstart, $3  }
0xc1: {  	[dreg:$0x1] =	wrdreg $0xFFFFFFFF  }
0xc2: {  	_ =	task.clear_ibuf [dreg:s7], $0x2FFFF;
	_ =	strace $0x9FFFFFFF  }
0xc3: {  	(tm) =	ssettm $0x7FFFFFFF  }
tec
execute0_lowered:
.L_overlay_start_1:
0x0: {  	(tag) =	ssettag $0x1  }
0x1: {  	s4 =	rddreg [dreg:$0x0]  }
0x2: {  	s6 =	rddreg [dreg:$0x1]  }
0x3: {  	s0 =	srdreg.scid;
	s7 =	rddreg [dreg:$0x2]  }
0x4: {  	s2 =	simm.s32 $0x0;
	s3 =	sand.u32 $0x1, s0;
	s0 =	stileid.u32  }
0x5: {  	s11 =	simm.s32 $0x2800;
	s12 =	simm.s32 $0x4F80;
	s8 =	smul.u32 $0xA000, s0  }
0x6: {  	s13 =	simm.s32 $0x0;
	s1 =	sshll.u32 s3, $0x4;
	s9 =	smul.u32 $0x280, s0  }
0x7: {  	s10 =	ssub.s32 $0x2, s3;
	s3 =	smul.u32 $0x2800, s3;
	s1 =	sor.u32 s0, s1  }
0x8: {  	[smem:$0x7FF] =	sst s2;
	s29 =	sshrl.u32 s10, $0x1;
	s5 =	smul.u32 $0x4F0, s1  }
0x9: {  	s1 =	rddreg [dreg:$0x3];
	_ =	strace $0x80000047;
	s31 =	sadd.s32 s9, s3  }
0xa: {  	s10 =	ssub.s32 s10, s29;
	s30 =	sshrl.u32 s8, $0x2;
	s8 =	sshrl.u32 s31, $0x3  }
0xb: {  	s4 =	sadd.s32 s5, s4;
	s5 =	sadd.s32 s9, s7;
	s6 =	sadd.s32 s6, s8  }
0xc: {  	s8 =	simm.s32 $0x1;
	s9 =	simm.s32 $0x2780;
	s3 =	sadd.s32 $0x3A00, s4  }
0xd: {  	v0 =	vimm.f32 $0.0e+00;
	v1 =	vimm.f32 $1.000000000e+00;
	s4 =	sadd.s32 s30, s7;
	s7 =	smax.u32 s10, $0x1;
	s10 =	simm.s32 $0x280  }
.LBB2_1:
0xe: {  	[tilespmem:s2], [sflag:$0x1] =	stream.linear.gather [hbm4b:s3+s2], $0x2780, $0x38;
	[tilespmem:$0x9F80] =	vst v63  }
0xf: {  	_ =	swait.ge [sflag:s8], $0x2780  }
0x10: {  	[sflag:s8] =	ssyncset.done $0x0  }
0x11: {  	s14 =	simm.s32 $0x0;
	[sflag:s8] =	ssyncadd.s32 $0xFFFFD880  }
.LBB2_2:
0x12: {  	p0 =	sne.s32 s14, $0x9FC0  }
.Ltmp0:
0x13: {  	_ = 	snop;
	(pc) =	sbr.rel @p0 .LBB2_2-.Ltmp0, $3  }
0x14: {  	_ =	sdelay $0x1  }
0x15: {  	s15 =	sshra.s32 s14, $0x2  }
0x16: {  	s14 =	sadd.s32 $0x40, s14;
	[tilespmem:s15+$0x2780] =	vst v0  }
0x17: {  	s14 =	simm.s32 $0x0  }
.LBB2_4:
0x18: {  	s15 =	sshra.s32 s14, $0x2  }
0x19: {  	v2 =	vld [tilespmem:s15+$0x0];
	_ =	sdelay $0x7  }
0x1a: {  	[tilespmem:v2+s9+$0x0] =	vst.idx.add.f32.msk $0xffff, v1  }
0x1b: {  	v2 =	vld [tilespmem:s15+$0x10];
	_ =	sdelay $0x7  }
0x1c: {  	[tilespmem:v2+s9+$0x0] =	vst.idx.add.f32.msk $0xffff, v1  }
0x1d: {  	v2 =	vld [tilespmem:s15+$0x20];
	_ =	sdelay $0x7  }
0x1e: {  	[tilespmem:v2+s9+$0x0] =	vst.idx.add.f32.msk $0xffff, v1  }
0x1f: {  	v2 =	vld [tilespmem:s15+$0x30];
	_ =	sdelay $0x7  }
0x20: {  	[tilespmem:v2+s9+$0x0] =	vst.idx.add.f32.msk $0xffff, v1  }
0x21: {  	v2 =	vld [tilespmem:s15+$0x40];
	_ =	sdelay $0x7  }
0x22: {  	[tilespmem:v2+s9+$0x0] =	vst.idx.add.f32.msk $0xffff, v1  }
0x23: {  	v2 =	vld [tilespmem:s15+$0x50];
	_ =	sdelay $0x7  }
0x24: {  	[tilespmem:v2+s9+$0x0] =	vst.idx.add.f32.msk $0xffff, v1  }
0x25: {  	v2 =	vld [tilespmem:s15+$0x60];
	_ =	sdelay $0x7  }
0x26: {  	[tilespmem:v2+s9+$0x0] =	vst.idx.add.f32.msk $0xffff, v1  }
0x27: {  	v2 =	vld [tilespmem:s15+$0x70];
	_ =	sdelay $0x2  }
0x28: {  	p0 =	sne.s32 s14, $0x9C00  }
.Ltmp1:
0x29: {  	_ = 	snop;
	(pc) =	sbr.rel @p0 .LBB2_4-.Ltmp1, $2  }
0x2a: {  	_ =	sdelay $0x2  }
0x2b: {  	s14 =	sadd.s32 $0x200, s14;
	[tilespmem:v2+s9+$0x0] =	vst.idx.add.f32.msk $0xffff, v1  }
0x2c: {  	[spmem:s4] =	stream.linear.scatter [tilespmem:s9], [sflag:$0x1], $0x2800, $0x38;
	[tilespmem:$0x9F80] =	vst v63  }
0x2d: {  	_ =	swait.ge [sflag:s8], $0x2800  }
0x2e: {  	[sflag:s8] =	ssyncset.done $0x0  }
0x2f: {  	[sflag:s8] =	ssyncadd.s32 $0xFFFFD800  }
0x30: {  	[bflag:$0x0] =	sbarrier.arrive $0xFFFF  }
0x31: {  	[tilespmem:s12], [sflag:$0x1] =	stream.strided.gather [spmem:s5], $0x2800, s11, s10, $0x38;
	[tilespmem:$0x9F80] =	vst v63  }
0x32: {  	_ =	swait.ge [sflag:s8], $0x2800  }
0x33: {  	[sflag:s8] =	ssyncset.done $0x0  }
0x34: {  	s15 =	simm.s32 $0x0;
	[sflag:s8] =	ssyncadd.s32 $0xFFFFD800  }
0x35: {  	v2 =	vld [tilespmem:s15+$0x4F80]  }
0x36: {  	v3 =	vld [tilespmem:s15+$0x5200];
	_ =	sdelay $0x1  }
0x37: {  	v4 =	vld [tilespmem:s15+$0x5480];
	_ =	sdelay $0x1  }
0x38: {  	v5 =	vld [tilespmem:s15+$0x5700]  }
0x39: {  	v2 =	vadd.f32 v3, v2  }
0x3a: {  	v3 =	vld [tilespmem:s15+$0x5980]  }
0x3b: {  	v2 =	vadd.f32 v4, v2  }
0x3c: {  	v4 =	vld [tilespmem:s15+$0x5C00]  }
0x3d: {  	v2 =	vadd.f32 v5, v2  }
0x3e: {  	v5 =	vld [tilespmem:s15+$0x5E80]  }
0x3f: {  	v2 =	vadd.f32 v3, v2  }
0x40: {  	v3 =	vld [tilespmem:s15+$0x6100]  }
0x41: {  	s14 =	simm.s32 $0x10;
	v6 =	vld [tilespmem:s15+$0x6380];
	v2 =	vadd.f32 v4, v2  }
0x42: {  	v7 =	vld [tilespmem:s14+$0x4F80]  }
0x43: {  	v4 =	vld [tilespmem:s15+$0x6600];
	v2 =	vadd.f32 v5, v2  }
0x44: {  	v5 =	vld [tilespmem:s14+$0x5200]  }
0x45: {  	v8 =	vld [tilespmem:s14+$0x5480];
	v2 =	vadd.f32 v3, v2  }
0x46: {  	v3 =	vld [tilespmem:s15+$0x6880]  }
0x47: {  	v9 =	vld [tilespmem:s14+$0x5700];
	v2 =	vadd.f32 v6, v2  }
0x48: {  	v6 =	vld [tilespmem:s15+$0x6B00]  }
0x49: {  	v5 =	vadd.f32 v5, v7;
	v7 =	vld [tilespmem:s14+$0x5980];
	v2 =	vadd.f32 v4, v2  }
0x4a: {  	v4 =	vld [tilespmem:s15+$0x6D80]  }
0x4b: {  	v5 =	vadd.f32 v8, v5;
	v8 =	vld [tilespmem:s14+$0x5C00];
	v2 =	vadd.f32 v3, v2  }
0x4c: {  	v3 =	vld [tilespmem:s15+$0x7000]  }
0x4d: {  	v10 =	vld [tilespmem:s14+$0x5E80];
	v5 =	vadd.f32 v9, v5;
	v2 =	vadd.f32 v6, v2  }
0x4e: {  	v9 =	vld [tilespmem:s15+$0x7280]  }
0x4f: {  	v6 =	vadd.f32 v7, v5;
	v5 =	vld [tilespmem:s14+$0x6100];
	v7 =	vadd.f32 v4, v2  }
0x50: {  	v4 =	vld [tilespmem:s15+$0x7500]  }
0x51: {  	v2 =	vld [tilespmem:s14+$0x6600];
	v8 =	vadd.f32 v8, v6;
	v11 =	vadd.f32 v3, v7  }
0x52: {  	s16 =	simm.s32 $0x20;
	v6 =	vld [tilespmem:s14+$0x6380]  }
0x53: {  	s17 =	simm.s32 $0xC0;
	v3 =	vld [tilespmem:s16+$0x4F80];
	v7 =	vadd.f32 v10, v8;
	v8 =	vadd.f32 v9, v11  }
.LBB2_6:
0x54: {  	p0 =	sne.s32 s17, $0x9C0;
	v9 =	vld [tilespmem:s16+$0x5200]  }
0x55: {  	v5 =	vadd.f32 v5, v7;
	v7 =	vld [tilespmem:s14+$0x6880];
	v4 =	vadd.f32 v4, v8  }
0x56: {  	v8 =	vld [tilespmem:s16+$0x5480]  }
0x57: {  	v5 =	vadd.f32 v6, v5;
	v6 =	vld [tilespmem:s14+$0x6B00];
	[tilespmem:s15+$0x2780] =	vst v4;
	s15 =	smov.u32 s14;
	s14 =	smov.u32 s16  }
0x58: {  	v4 =	vld [tilespmem:s14+$0x5700]  }
0x59: {  	v3 =	vadd.f32 v9, v3;
	v2 =	vadd.f32 v2, v5;
	v5 =	vld [tilespmem:s15+$0x6D80]  }
0x5a: {  	v9 =	vld [tilespmem:s14+$0x5980]  }
0x5b: {  	v3 =	vadd.f32 v8, v3;
	v2 =	vadd.f32 v7, v2;
	v7 =	vld [tilespmem:s15+$0x7000]  }
0x5c: {  	v8 =	vld [tilespmem:s14+$0x5C00]  }
0x5d: {  	v3 =	vadd.f32 v4, v3;
	v2 =	vadd.f32 v6, v2;
	v10 =	vld [tilespmem:s15+$0x7280]  }
0x5e: {  	v11 =	vld [tilespmem:s14+$0x5E80]  }
.Ltmp2:
0x5f: {  	v3 =	vadd.f32 v9, v3;
	v6 =	vadd.f32 v5, v2;
	v4 =	vld [tilespmem:s15+$0x7500];
	(pc) =	sbr.rel @p0 .LBB2_6-.Ltmp2, $4  }
0x60: {  	v5 =	vld [tilespmem:s14+$0x6100]  }
0x61: {  	v8 =	vadd.f32 v8, v3;
	v2 =	vld [tilespmem:s14+$0x6600];
	v9 =	vadd.f32 v7, v6  }
0x62: {  	s16 =	sshra.s32 s17, $0x2;
	v6 =	vld [tilespmem:s14+$0x6380]  }
0x63: {  	s17 =	sadd.s32 $0x40, s17;
	v3 =	vld [tilespmem:s16+$0x4F80];
	v7 =	vadd.f32 v11, v8;
	v8 =	vadd.f32 v10, v9  }
0x64: {  	v9 =	vld [tilespmem:s16+$0x5200]  }
0x65: {  	v10 =	vld [tilespmem:s14+$0x6880];
	v4 =	vadd.f32 v4, v8  }
0x66: {  	v49 =	vld [tilespmem:s16+$0x5480]  }
0x67: {  	v11 =	vld [tilespmem:s14+$0x6B00];
	v5 =	vadd.f32 v5, v7;
	[tilespmem:s15+$0x2780] =	vst v4  }
0x68: {  	v4 =	vld [tilespmem:s16+$0x5700]  }
0x69: {  	v5 =	vadd.f32 v6, v5;
	v3 =	vadd.f32 v9, v3  }
0x6a: {  	v50 =	vld [tilespmem:s16+$0x5980]  }
0x6b: {  	v51 =	vld [tilespmem:s14+$0x6D80];
	v2 =	vadd.f32 v2, v5;
	v3 =	vadd.f32 v49, v3  }
0x6c: {  	v52 =	vld [tilespmem:s16+$0x5C00]  }
0x6d: {  	v53 =	vld [tilespmem:s14+$0x7000];
	v2 =	vadd.f32 v10, v2;
	v3 =	vadd.f32 v4, v3  }
0x6e: {  	v54 =	vld [tilespmem:s16+$0x5E80]  }
0x6f: {  	v55 =	vld [tilespmem:s14+$0x7280];
	v2 =	vadd.f32 v11, v2;
	v3 =	vadd.f32 v50, v3  }
0x70: {  	v56 =	vld [tilespmem:s16+$0x6100]  }
0x71: {  	v57 =	vld [tilespmem:s14+$0x7500];
	v2 =	vadd.f32 v51, v2;
	v3 =	vadd.f32 v52, v3  }
0x72: {  	v58 =	vld [tilespmem:s16+$0x6380]  }
0x73: {  	v2 =	vadd.f32 v53, v2;
	v3 =	vadd.f32 v54, v3  }
0x74: {  	v59 =	vld [tilespmem:s16+$0x6600]  }
0x75: {  	v2 =	vadd.f32 v55, v2;
	v3 =	vadd.f32 v56, v3  }
0x76: {  	v60 =	vld [tilespmem:s16+$0x6880]  }
0x77: {  	v2 =	vadd.f32 v57, v2;
	v3 =	vadd.f32 v58, v3  }
0x78: {  	v61 =	vld [tilespmem:s16+$0x6B00]  }
0x79: {  	[tilespmem:s14+$0x2780] =	vst v2;
	v2 =	vadd.f32 v59, v3  }
0x7a: {  	v3 =	vld [tilespmem:s16+$0x6D80]  }
0x7b: {  	v2 =	vadd.f32 v60, v2  }
0x7c: {  	v62 =	vld [tilespmem:s16+$0x7000]  }
0x7d: {  	v2 =	vadd.f32 v61, v2  }
0x7e: {  	v63 =	vld [tilespmem:s16+$0x7280]  }
0x7f: {  	v2 =	vadd.f32 v3, v2  }
0x80: {  	v3 =	vld [tilespmem:s16+$0x7500]  }
0x81: {  	v2 =	vadd.f32 v62, v2;
	_ =	sdelay $0x1  }
0x82: {  	v2 =	vadd.f32 v63, v2;
	_ =	sdelay $0x1  }
0x83: {  	s13 =	sadd.s32 $0x1, s13;
	v2 =	vadd.f32 v3, v2  }
0x84: {  	p0 =	sne.s32 s13, s7  }
.Ltmp3:
0x85: {  	[tilespmem:s16+$0x2780] =	vst v2;
	(pc) =	sbr.rel @p0 .LBB2_1-.Ltmp3, $4  }
0x86: {  	[hbm4b:s6+s2] =	stream.linear.scatter [tilespmem:s9], [sflag:$0x1], $0x280, $0x38;
	[tilespmem:$0x9F80] =	vst v63  }
0x87: {  	_ =	swait.ge [sflag:s8], $0x280  }
0x88: {  	[sflag:s8] =	ssyncset.done $0x0  }
0x89: {  	[sflag:s8] =	ssyncadd.s32 $0xFFFFFD80  }
0x8a: {  	_ =	sfence.sel $0x180000  }
0x8b: {  	[bflag:$0x0] =	sbarrier.arrive $0xFFFF  }
0x8c: {  	p0 =	sne.s32 s0, $0x0;
	_ =	strace $0x90000047  }
0x8d: {  	s0 =	sadd.s32 @!p0 $0x100000, s1;
	[bflag:$0x2] =	sbarrier.arrive $0xFFFF  }
0x8e: {  	[sflag:s0] =	ssyncadd.tile.s32 @!p0 $0x1;
	_ =	shalt  }
.Lfunc_end2:
_tile_overlayer_lowered:
.L_overlay_start_2:
0x8f: {  	(tag) =	ssettag $0x2  }
0x90: {  	s0 =	rddreg [dreg:$0x0];
	s2 =	stileid.u32  }
0x91: {  	s1 =	rddreg [dreg:$0x1];
	p0 =	sne.s32 s2, $0x0  }
0x92: {  	s3 =	rddreg [dreg:$0x2];
	[bflag:$0x3] =	sbarrier.arrive $0xFFFF;
	s2 =	simm.s32 @!p0 $0x1C01  }
0x93: {  	[timem:s3], [sflag:s2] =	dma.local @!p0 [hbm:s0], s1  }
0x94: {  	s0 =	simm.s32 @!p0 $0x1  }
0x95: {  	_ =	swait.ge @!p0 [sflag:s0], s1  }
0x96: {  	s1 =	ssub.s32 @!p0 $0x0, s1;
	[sflag:s0] =	ssyncset.done @!p0 $0x0  }
0x97: {  	[sflag:s0] =	ssyncadd.s32 @!p0 s1  }
0x98: {  	[bflag:$0x3] =	sbarrier.arrive $0xFFFF  }
0x99: {  	_ =	shalt  }

// kernel: kernel.15.cloned.1.call-start
scs
__scs_entry_jumppad:
0x0: {  	(pc) =	sbr.rel $0x88, $3  }
0x1: {  	(tag) =	ssettag $0x0;
	lr =	simm.s32 $0x1  }
0x2: {  	[smem:$0x3F92] =	sst lr;
	_ =	strace $0xD0000000  }
0x3: {  	_ = 	snop  }
0x4: {  	_ = 	snop  }
0x5: {  	_ = 	snop  }
0x6: {  	_ = 	snop  }
0x7: {  	_ = 	snop  }
__scs_overlays_trampoline_lowered:
0x8: {  	[smem:$0x3FA1] =	sst s0  }
0x9: {  	[smem:$0x3FA2] =	sst s1  }
0xa: {  	[smem:$0x3FA3] =	sst s2  }
0xb: {  	[smem:$0x3FA4] =	sst s3  }
0xc: {  	[smem:$0x3FA5] =	sst s4  }
0xd: {  	[smem:$0x3FA6] =	sst s5  }
0xe: {  	[smem:$0x3FA7] =	sst s6  }
0xf: {  	[smem:$0x3FA8] =	sst s7  }
0x10: {  	[smem:$0x3FA9] =	sst s8  }
0x11: {  	[smem:$0x3FAA] =	sst s9;
	s0 =	simm.s32 @!p0 $0x0  }
0x12: {  	s1 =	sld [smem:$0x3F90];
	s0 =	simm.s32 @p0 $0x1  }
0x13: {  	[smem:$0x3FAB] =	sst s0;
	s0 =	simm.s32 @!p1 $0x0  }
0x14: {  	s2 =	sld [smem:$0x3F8F];
	s0 =	simm.s32 @p1 $0x1  }
0x15: {  	[smem:$0x3FAC] =	sst s0;
	s0 =	simm.s32 @!p2 $0x0  }
0x16: {  	s3 =	sld [smem:$0x3FDB];
	s0 =	simm.s32 @p2 $0x1  }
0x17: {  	s4 =	simm.s32 $0x1BF5;
	[smem:$0x3FAE] =	sst s0  }
0x18: {  	s0 =	sld [smem:$0x3F91];
	_ =	swait.ge [sflag:s4], $0x0  }
0x19: {  	s7 =	sld [smem:$0x3F92]  }
0x1a: {  	s8 =	sadd.s32 $0xFFFFE003, lr  }
0x1b: {  	s9 =	sadd.s32 $0xFFFFFEF7, lr;
	s5 =	simm.s32 $0xFFFFFFFF;
	p2 =	slt.u32 s8, $0xFFFFF086  }
0x1c: {  	p1 =	slt.u32 s9, $0xF7A;
	s5 =	simm.s32 @!p2 $0x0  }
0x1d: {  	s5 =	simm.s32 @p1 $0x1;
	p0 =	seq.s32 s7, s2  }
0x1e: {  	s7 =	smul.u32 @!p0 $0xF7A, s2;
	p2 =	seq.s32 @!p0 s5, $0x0  }
0x1f: {  	s9 =	smul.u32 $0xF7A, s1;
	s8 =	simm.s32 @!p0 $0x1BF5;
	p2 =	por !p2, p0  }
0x20: {  	[sflag:s8] =	ssyncset.s32 @!p0 $0xFFFFF086;
	s6 =	sadd.s32 @!p0 s3, s7;
	s7 =	simm.s32 @!p0 $0x108  }
0x21: {  	s3 =	sadd.s32 s3, s9;
	s6 =	sadd.s32 @!p0 $0x88, s6;
	s7 =	simm.s32 @p2 $0x1082  }
0x22: {  	[simem:s7], [sflag:s8] =	dma.local @!p0 [hbm:s6], $0xF7A  }
0x23: {  	s9 =	sor.u32 $0xD0000000, s2;
	s6 =	simm.s32 $0x108;
	_ =	swait.ge @!p0 [sflag:s8], $0x0  }
0x24: {  	s3 =	sadd.s32 $0x88, s3;
	s6 =	simm.s32 @!p1 $0x1082;
	[sflag:s4] =	ssyncset.s32 $0xFFFFF086  }
0x25: {  	[simem:s6], [sflag:s4] =	dma.local [hbm:s3], $0xF7A  }
0x26: {  	[smem:$0x3F92] =	sst s1;
	(tag) =	ssettag s2;
	_ =	strace s9  }
0x27: {  	s1 =	sld [smem:$0x3FA2]  }
0x28: {  	s2 =	sld [smem:$0x3FA3]  }
0x29: {  	s4 =	sld [smem:$0x3FA5]  }
0x2a: {  	p0 =	seq.s32 s5, $0x0;
	s5 =	sld [smem:$0x3FA6]  }
0x2b: {  	s6 =	sld [smem:$0x3FA7]  }
0x2c: {  	s7 =	sld [smem:$0x3FA8]  }
0x2d: {  	s3 =	simm.s32 $0x108;
	s8 =	sld [smem:$0x3FA9]  }
0x2e: {  	s3 =	simm.s32 @!p0 $0x1082;
	s9 =	sld [smem:$0x3FAA]  }
0x2f: {  	lr =	sadd.s32 s0, s3;
	s0 =	sld [smem:$0x3FA1]  }
0x30: {  	s3 =	sld [smem:$0x3FA4]  }
0x31: {  	[smem:$0x3FAD] =	sst s10  }
0x32: {  	s10 =	sld [smem:$0x3FAB];
	_ =	sdelay $0x3  }
0x33: {  	p0 =	seq.s32 s10, $0x1;
	s10 =	sld [smem:$0x3FAD];
	_ =	sdelay $0x3  }
0x34: {  	[smem:$0x3FAD] =	sst s10  }
0x35: {  	s10 =	sld [smem:$0x3FAC];
	_ =	sdelay $0x3  }
0x36: {  	p1 =	seq.s32 s10, $0x1;
	s10 =	sld [smem:$0x3FAD];
	_ =	sdelay $0x3  }
0x37: {  	[smem:$0x3FAD] =	sst s10  }
0x38: {  	s10 =	sld [smem:$0x3FAE]  }
0x39: {  	_ = 	snop;
	(pc) =	sbr.ind lr, $3  }
0x3a: {  	_ = 	snop  }
0x3b: {  	_ = 	snop  }
0x3c: {  	p2 =	seq.s32 s10, $0x1;
	s10 =	sld [smem:$0x3FAD]  }
0x3d: {  	_ =	shalt  }
0x3e: {  	_ =	shalt  }
0x3f: {  	_ =	shalt  }
0x40: {  	_ =	shalt  }
0x41: {  	_ =	shalt  }
0x42: {  	_ =	shalt  }
0x43: {  	_ =	shalt  }
0x44: {  	_ =	shalt  }
0x45: {  	_ =	shalt  }
0x46: {  	_ =	shalt  }
0x47: {  	_ =	shalt  }
0x48: {  	_ =	shalt  }
0x49: {  	_ =	shalt  }
0x4a: {  	_ =	shalt  }
0x4b: {  	_ =	shalt  }
0x4c: {  	_ =	shalt  }
0x4d: {  	_ =	shalt  }
0x4e: {  	_ =	shalt  }
0x4f: {  	_ =	shalt  }
0x50: {  	_ =	shalt  }
0x51: {  	_ =	shalt  }
0x52: {  	_ =	shalt  }
0x53: {  	_ =	shalt  }
0x54: {  	_ =	shalt  }
0x55: {  	_ =	shalt  }
0x56: {  	_ =	shalt  }
0x57: {  	_ =	shalt  }
0x58: {  	_ =	shalt  }
0x59: {  	_ =	shalt  }
0x5a: {  	_ =	shalt  }
0x5b: {  	_ =	shalt  }
0x5c: {  	_ =	shalt  }
0x5d: {  	_ =	shalt  }
0x5e: {  	_ =	shalt  }
0x5f: {  	_ =	shalt  }
0x60: {  	_ =	shalt  }
0x61: {  	_ =	shalt  }
0x62: {  	_ =	shalt  }
0x63: {  	_ =	shalt  }
0x64: {  	_ =	shalt  }
0x65: {  	_ =	shalt  }
0x66: {  	_ =	shalt  }
0x67: {  	_ =	shalt  }
0x68: {  	_ =	shalt  }
0x69: {  	_ =	shalt  }
0x6a: {  	_ =	shalt  }
0x6b: {  	_ =	shalt  }
0x6c: {  	_ =	shalt  }
0x6d: {  	_ =	shalt  }
0x6e: {  	_ =	shalt  }
0x6f: {  	_ =	shalt  }
0x70: {  	_ =	shalt  }
0x71: {  	_ =	shalt  }
0x72: {  	_ =	shalt  }
0x73: {  	_ =	shalt  }
0x74: {  	_ =	shalt  }
0x75: {  	_ =	shalt  }
0x76: {  	_ =	shalt  }
0x77: {  	_ =	shalt  }
0x78: {  	_ =	shalt  }
0x79: {  	_ =	shalt  }
0x7a: {  	_ =	shalt  }
0x7b: {  	_ =	shalt  }
0x7c: {  	_ =	shalt  }
0x7d: {  	_ =	shalt  }
0x7e: {  	_ =	shalt  }
0x7f: {  	_ =	shalt  }
0x80: {  	_ =	shalt  }
0x81: {  	_ =	shalt  }
0x82: {  	_ =	shalt  }
0x83: {  	_ =	shalt  }
0x84: {  	_ =	shalt  }
0x85: {  	_ =	shalt  }
0x86: {  	_ =	shalt  }
0x87: {  	_ =	shalt  }
.Lfunc_end0:
.L_simem_size_0:
called_computation.1_lowered:
.L_overlay_start_0:
0x88: {  	s2 =	sld [smem:$0x3FD9]  }
0x89: {  	s3 =	sld [smem:$0x3FFE];
	_ =	sdelay $0x1  }
0x8a: {  	s1 =	srdreg.scid  }
0x8b: {  	s0 =	sand.u32 $0x1, s1  }
0x8c: {  	s17 =	sshll.u32 s0, $0xA;
	s2 =	sadd.s32 s3, s2  }
0x8d: {  	s2 =	sadd.s32 s2, s17  }
0x8e: {  	[smem:$0x3FB9] =	sst s2  }
0x8f: {  	_ = 	snop  }
0x90: {  	s2 =	sld [smem:$0x3FD0];
	(tm) =	ssettm $0x1  }
0x91: {  	s18 =	sld [smem:$0x3FFB];
	_ =	sdelay $0x3  }
0x92: {  	_ =	strace s18  }
0x93: {  	s3 =	sld [smem:$0x3FFC];
	_ =	sdelay $0x3  }
0x94: {  	_ =	strace s3  }
0x95: {  	s3 =	sld [smem:$0x3FFD];
	_ =	sdelay $0x3  }
0x96: {  	_ =	strace s3  }
0x97: {  	_ =	strace $0x8FFFFFFF  }
0x98: {  	s19 =	sld [smem:$0x3FDB];
	_ =	sdelay $0x1  }
0x99: {  	s4 =	simm.s32 $_scs_section_size  }
0x9a: {  	s5 =	simm.s32 $_size__tile_overlayer_lowered;
	s6 =	simm.s32 $_tile_overlayer_lowered  }
0x9b: {  	s22 =	simm.s32 $0x1BFF;
	s21 =	sshll.u32 s6, $0x1;
	s3 =	sadd.s32 s4, s19  }
0x9c: {  	s7 =	simm.s32 $0x0;
	s20 =	sshll.u32 s5, $0x1;
	s5 =	sadd.s32 s21, s3  }
0x9d: {  	[timem:s7], [sflag:s22] =	dma.local [hbm:s5], s20  }
0x9e: {  	_ =	swait.ge [sflag:s22], s20  }
0x9f: {  	s4 =	ssub.s32 $0x0, s20;
	[sflag:s22] =	ssyncset.done $0x0  }
0xa0: {  	[sflag:s22] =	ssyncadd.s32 s4;
	_ =	sdelay $0x1  }
0xa1: {  	s23 =	simm.s32 $0x1B8B  }
0xa2: {  	_ =	swait.ge [sflag:s23], $0x1  }
0xa3: {  	[sflag:s23] =	ssyncset.done $0x0  }
0xa4: {  	s25 =	simm.s32 $0x1B8E;
	s24 =	sld [smem:$0x3FFE];
	[sflag:s23] =	ssyncadd.s32 $0xFFFFFFFF  }
0xa5: {  	s26 =	simm.s32 $execute0_lowered;
	[smem:$0x3FD2] =	sst s25  }
0xa6: {  	s5 =	sshll.u32 s26, $0x1;
	_ =	strace $0x80000049;
	[dreg:$0x1] =	wrdreg $0xFFFFFFFF  }
0xa7: {  	s28 =	simm.s32 $_size_execute0_lowered;
	s3 =	sadd.s32 s3, s5;
	[dreg:$0x0] =	wrdreg $0x0  }
0xa8: {  	s5 =	sshll.u32 s28, $0x1;
	[dreg:$0x2] =	wrdreg s3  }
0xa9: {  	[dreg:$0x3] =	wrdreg s5  }
0xaa: {  	[dreg:$0x4] =	wrdreg $0xC0  }
0xab: {  	_ =	task [dreg:s7], $0x5FFFF  }
0xac: {  	[dreg:$0x1] =	wrdreg $0xFFFFFFFF  }
0xad: {  	[dreg:$0x0] =	wrdreg $0x60  }
0xae: {  	[dreg:$0x2] =	wrdreg s2  }
0xaf: {  	[dreg:$0x3] =	wrdreg s24  }
0xb0: {  	[dreg:$0x4] =	wrdreg $0xDE000  }
0xb1: {  	[dreg:$0x5] =	wrdreg $0x9  }
0xb2: {  	_ =	task.clear_ibuf [dreg:s7], $0x6FFFF;
	_ =	strace $0x90000049  }
0xb3: {  	s29 =	simm.s32 $0x9;
	_ =	strace $0x8000004B  }
0xb4: {  	_ =	swait.ge [sflag:s29], $0x1  }
0xb5: {  	[sflag:s29] =	ssyncadd.s32 $0xFFFFFFFF  }
0xb6: {  	_ =	strace $0x9000004B  }
0xb7: {  	_ =	sfence  }
0xb8: {  	s30 =	sld [smem:$0x0];
	_ =	sdelay $0x2  }
0xb9: {  	s31 =	sshll.u32 s1, $0xD;
	s1 =	sshrl.u32 s1, $0x2  }
0xba: {  	s3 =	sand.u32 $0x4000, s31;
	s1 =	sadd.s32 s1, s30  }
0xbb: {  	s0 =	sor.u32 s3, s0;
	s1 =	sshll.u32 s1, $0x11  }
0xbc: {  	s0 =	sor.u32 s1, s0  }
0xbd: {  	s0 =	sadd.s32 $0x8F2B, s0  }
0xbe: {  	[sflag:s0] =	ssyncadd.remote.s32 $0x1  }
0xbf: {  	_ =	sfence.sel $0xFFFF  }
0xc0: {  	[dreg:$0x0] =	wrdreg $0xFFFFFFFF;
	(pc) =	sbr.abs _section_cstart, $3  }
0xc1: {  	[dreg:$0x1] =	wrdreg $0xFFFFFFFF  }
0xc2: {  	_ =	task.clear_ibuf [dreg:s7], $0x2FFFF;
	_ =	strace $0x9FFFFFFF  }
0xc3: {  	(tm) =	ssettm $0x7FFFFFFF  }
tec
execute0_lowered:
.L_overlay_start_1:
0x0: {  	(tag) =	ssettag $0x1  }
0x1: {  	s2 =	rddreg [dreg:$0x0]  }
0x2: {  	s0 =	srdreg.scid;
	s6 =	rddreg [dreg:$0x1]  }
0x3: {  	s3 =	rddreg [dreg:$0x2];
	s4 =	simm.s32 $0x0;
	s13 =	simm.s32 $0x9E00  }
0x4: {  	s14 =	simm.s32 $0xBE00;
	s17 =	simm.s32 $0x1;
	s18 =	simm.s32 $0x2  }
0x5: {  	s19 =	simm.s32 $0x9D00;
	s5 =	sand.u32 $0x1, s0;
	s0 =	stileid.u32  }
0x6: {  	s20 =	simm.s32 $0x9D80;
	s21 =	simm.s32 $0x0;
	s8 =	smul.u32 $0x9E0, s0  }
0x7: {  	[smem:$0x7FF] =	sst s4;
	s1 =	sshll.u32 s5, $0x4;
	s9 =	smul.u32 $0x9E00, s0  }
0x8: {  	s10 =	smul.u32 $0x9E000, s5;
	s5 =	ssub.s32 $0x2, s5;
	s15 =	sshll.u32 s0, $0x6  }
0x9: {  	s1 =	sor.u32 s0, s1;
	s12 =	sshrl.u32 s5, $0x1;
	s15 =	sor.u32 $0x1C03, s15  }
0xa: {  	s7 =	smul.u32 $0x9E0, s1;
	s1 =	rddreg [dreg:$0x3];
	_ =	strace $0x8000004A  }
0xb: {  	s8 =	sadd.s32 s8, s6;
	s11 =	sshrl.u32 s9, $0x3;
	s10 =	sadd.s32 s9, s10  }
0xc: {  	s12 =	ssub.s32 s5, s12;
	s16 =	sadd.s32 s9, s3;
	s11 =	sadd.s32 s11, s6  }
0xd: {  	s10 =	sshrl.u32 s10, $0x3;
	s9 =	smax.u32 s12, $0x1;
	s12 =	simm.s32 $0x80  }
0xe: {  	s16 =	sshrl.u32 s16, $0x3;
	s7 =	sadd.s32 s7, s6;
	s10 =	sadd.s32 s10, s6  }
0xf: {  	s6 =	sadd.s32 $0x3A00, s8;
	s5 =	sadd.s32 $0xD800, s7;
	s7 =	sadd.s32 $0x21400, s11  }
0x10: {  	s8 =	sadd.s32 $0x35000, s10;
	s10 =	simm.s32 $0x3;
	s11 =	simm.s32 $0x4F00  }
.LBB2_1:
0x11: {  	[tilespmem:s4], [sflag:$0x3] =	stream.linear.gather [hbm4b:s5+s4], $0x4F00, $0x38;
	[tilespmem:$0x17C00] =	vst v63  }
0x12: {  	_ =	swait.ge [sflag:s10], $0x4F00  }
0x13: {  	[sflag:s10] =	ssyncset.done $0x0  }
0x14: {  	[sflag:s10] =	ssyncadd.s32 $0xFFFFB100  }
0x15: {  	[tilespmem:s11], [sflag:$0x3] =	stream.linear.gather [hbm4b:s6+s4], $0x4F00, $0x38;
	[tilespmem:$0x17C00] =	vst v63  }
0x16: {  	_ =	swait.ge [sflag:s10], $0x4F00  }
0x17: {  	[sflag:s10] =	ssyncset.done $0x0  }
0x18: {  	[sflag:s10] =	ssyncadd.s32 $0xFFFFB100  }
0x19: {  	[tilespmem:s13], [sflag:$0x1] =	stream.indirect.gather [hbm4b:s2+s12], $0x40, s4, s12, $0xb8;
	[tilespmem:$0x17C00] =	vst v63  }
0x1a: {  	_ = 	snop  }
0x1b: {  	[tilespmem:s14], [sflag:$0x2] =	stream.indirect.gather [hbm4b:s2+s12], $0x40, s12, s12, $0xb8;
	[tilespmem:$0x17C00] =	vst v63  }
0x1c: {  	[spmem:s16], [sflag:s15] =	dma.local [hbm:s7], $0x13C0  }
0x1d: {  	_ =	swait.ge [sflag:s10], $0x13C0  }
0x1e: {  	[sflag:s10] =	ssyncset.done $0x0  }
0x1f: {  	[sflag:s10] =	ssyncadd.s32 $0xFFFFEC40  }
0x20: {  	[bflag:$0x0] =	sbarrier.arrive $0xFFFF  }
0x21: {  	_ =	swait.ge [sflag:s17], $0x2000  }
0x22: {  	[sflag:s17] =	ssyncset.done $0x0  }
0x23: {  	s22 =	simm.s32 $0x4F00;
	[sflag:s17] =	ssyncadd.s32 $0xFFFFE000  }
0x24: {  	[spmem:s3] =	stream.indirect.scatter.add.f32 [tilespmem:s13], [sflag:$0x3], $0x40, s22, s12, $0xb8;
	[tilespmem:$0x17C00] =	vst v63  }
0x25: {  	_ =	swait.ge [sflag:s10], $0x2000  }
0x26: {  	[sflag:s10] =	ssyncset.done $0x0  }
0x27: {  	s30 =	simm.s32 $0x100;
	[sflag:s10] =	ssyncadd.s32 $0xFFFFE000  }
0x28: {  	[tilespmem:s13], [sflag:$0x1] =	stream.indirect.gather [hbm4b:s2+s12], $0x40, s30, s12, $0xb8;
	[tilespmem:$0x17C00] =	vst v63  }
0x29: {  	_ =	swait.ge [sflag:s18], $0x2000  }
0x2a: {  	[sflag:s18] =	ssyncset.done $0x0  }
0x2b: {  	s31 =	simm.s32 $0x4F80;
	[sflag:s18] =	ssyncadd.s32 $0xFFFFE000  }
0x2c: {  	[spmem:s3] =	stream.indirect.scatter.add.f32 [tilespmem:s14], [sflag:$0x3], $0x40, s31, s12, $0xb8;
	[tilespmem:$0x17C00] =	vst v63  }
0x2d: {  	_ =	swait.ge [sflag:s10], $0x2000  }
0x2e: {  	[sflag:s10] =	ssyncset.done $0x0  }
0x2f: {  	s23 =	simm.s32 $0x180;
	s22 =	simm.s32 $0x400;
	[sflag:s10] =	ssyncadd.s32 $0xFFFFE000  }
.LBB2_2:
0x30: {  	[tilespmem:s14], [sflag:$0x2] =	stream.indirect.gather [hbm4b:s2+s12], $0x40, s23, s12, $0xb8;
	[tilespmem:$0x17C00] =	vst v63  }
0x31: {  	s23 =	smov.u32 s22  }
0x32: {  	p0 =	sne.s32 s22, $0x13400;
	s22 =	sadd.s32 $0x400, s22;
	_ =	swait.ge [sflag:s17], $0x2000  }
0x33: {  	s23 =	sshra.s32 s23, $0x2;
	[sflag:s17] =	ssyncset.done $0x0  }
0x34: {  	s24 =	sadd.s32 $0x4F00, s23;
	[sflag:s17] =	ssyncadd.s32 $0xFFFFE000  }
0x35: {  	[spmem:s3] =	stream.indirect.scatter.add.f32 [tilespmem:s13], [sflag:$0x3], $0x40, s24, s12, $0xb8;
	[tilespmem:$0x17C00] =	vst v63  }
0x36: {  	_ =	swait.ge [sflag:s10], $0x2000  }
0x37: {  	[sflag:s10] =	ssyncset.done $0x0  }
0x38: {  	s24 =	sadd.s32 $0x100, s23;
	[sflag:s10] =	ssyncadd.s32 $0xFFFFE000  }
0x39: {  	[tilespmem:s13], [sflag:$0x1] =	stream.indirect.gather [hbm4b:s2+s12], $0x40, s24, s12, $0xb8;
	[tilespmem:$0x17C00] =	vst v63  }
0x3a: {  	_ =	swait.ge [sflag:s18], $0x2000  }
0x3b: {  	[sflag:s18] =	ssyncset.done $0x0  }
.Ltmp0:
0x3c: {  	s24 =	sadd.s32 $0x4F80, s23;
	[sflag:s18] =	ssyncadd.s32 $0xFFFFE000;
	(pc) =	sbr.rel @p0 .LBB2_2-.Ltmp0, $4  }
0x3d: {  	[spmem:s3] =	stream.indirect.scatter.add.f32 [tilespmem:s14], [sflag:$0x3], $0x40, s24, s12, $0xb8;
	[tilespmem:$0x17C00] =	vst v63  }
0x3e: {  	_ =	swait.ge [sflag:s10], $0x2000  }
0x3f: {  	[sflag:s10] =	ssyncset.done $0x0  }
0x40: {  	s23 =	sadd.s32 $0x180, s23;
	[sflag:s10] =	ssyncadd.s32 $0xFFFFE000  }
0x41: {  	[tilespmem:s14], [sflag:$0x2] =	stream.indirect.gather [hbm4b:s2+s12], $0x40, s23, s12, $0xb8;
	[tilespmem:$0x17C00] =	vst v63  }
0x42: {  	_ =	swait.ge [sflag:s17], $0x2000  }
0x43: {  	[sflag:s17] =	ssyncset.done $0x0  }
0x44: {  	[sflag:s17] =	ssyncadd.s32 $0xFFFFE000  }
0x45: {  	[spmem:s3] =	stream.indirect.scatter.add.f32 [tilespmem:s13], [sflag:$0x3], $0x40, s19, s12, $0xb8;
	[tilespmem:$0x17C00] =	vst v63  }
0x46: {  	_ =	swait.ge [sflag:s10], $0x2000  }
0x47: {  	[sflag:s10] =	ssyncset.done $0x0  }
0x48: {  	[sflag:s10] =	ssyncadd.s32 $0xFFFFE000  }
0x49: {  	_ =	swait.ge [sflag:s18], $0x2000  }
0x4a: {  	[sflag:s18] =	ssyncset.done $0x0  }
0x4b: {  	[sflag:s18] =	ssyncadd.s32 $0xFFFFE000  }
0x4c: {  	[spmem:s3] =	stream.indirect.scatter.add.f32 [tilespmem:s14], [sflag:$0x3], $0x40, s20, s12, $0xb8;
	[tilespmem:$0x17C00] =	vst v63  }
0x4d: {  	_ =	swait.ge [sflag:s10], $0x2000  }
0x4e: {  	s21 =	sadd.s32 $0x1, s21;
	[sflag:s10] =	ssyncset.done $0x0  }
0x4f: {  	p0 =	sne.s32 s21, s9;
	[sflag:s10] =	ssyncadd.s32 $0xFFFFE000  }
.Ltmp1:
0x50: {  	[bflag:$0x0] =	sbarrier.arrive $0xFFFF;
	(pc) =	sbr.rel @p0 .LBB2_1-.Ltmp1, $4  }
0x51: {  	[hbm:s8], [sflag:s15] =	dma.local [spmem:s16], $0x13C0  }
0x52: {  	_ =	swait.ge [sflag:s10], $0x13C0  }
0x53: {  	[sflag:s10] =	ssyncset.done $0x0  }
0x54: {  	[sflag:s10] =	ssyncadd.s32 $0xFFFFEC40  }
0x55: {  	_ =	sfence.sel $0x180000  }
0x56: {  	[bflag:$0x0] =	sbarrier.arrive $0xFFFF  }
0x57: {  	p0 =	sne.s32 s0, $0x0;
	_ =	strace $0x9000004A  }
0x58: {  	s0 =	sadd.s32 @!p0 $0x100000, s1;
	[bflag:$0x2] =	sbarrier.arrive $0xFFFF  }
0x59: {  	[sflag:s0] =	ssyncadd.tile.s32 @!p0 $0x1;
	_ =	shalt  }
.Lfunc_end2:
_tile_overlayer_lowered:
.L_overlay_start_2:
0x5a: {  	(tag) =	ssettag $0x2  }
0x5b: {  	s0 =	rddreg [dreg:$0x0];
	s2 =	stileid.u32  }
0x5c: {  	s1 =	rddreg [dreg:$0x1];
	p0 =	sne.s32 s2, $0x0  }
0x5d: {  	s3 =	rddreg [dreg:$0x2];
	[bflag:$0x3] =	sbarrier.arrive $0xFFFF;
	s2 =	simm.s32 @!p0 $0x1C03  }
0x5e: {  	[timem:s3], [sflag:s2] =	dma.local @!p0 [hbm:s0], s1  }
0x5f: {  	s0 =	simm.s32 @!p0 $0x3  }
0x60: {  	_ =	swait.ge @!p0 [sflag:s0], s1  }
0x61: {  	s1 =	ssub.s32 @!p0 $0x0, s1;
	[sflag:s0] =	ssyncset.done @!p0 $0x0  }
0x62: {  	[sflag:s0] =	ssyncadd.s32 @!p0 s1  }
0x63: {  	[bflag:$0x3] =	sbarrier.arrive $0xFFFF  }
0x64: {  	_ =	shalt  }

// kernel: kernel.18.cloned.1.call-start
scs
__scs_entry_jumppad:
0x0: {  	(pc) =	sbr.rel $0x88, $3  }
0x1: {  	(tag) =	ssettag $0x0;
	lr =	simm.s32 $0x1  }
0x2: {  	[smem:$0x3F92] =	sst lr;
	_ =	strace $0xD0000000  }
0x3: {  	_ = 	snop  }
0x4: {  	_ = 	snop  }
0x5: {  	_ = 	snop  }
0x6: {  	_ = 	snop  }
0x7: {  	_ = 	snop  }
__scs_overlays_trampoline_lowered:
0x8: {  	[smem:$0x3FA1] =	sst s0  }
0x9: {  	[smem:$0x3FA2] =	sst s1  }
0xa: {  	[smem:$0x3FA3] =	sst s2  }
0xb: {  	[smem:$0x3FA4] =	sst s3  }
0xc: {  	[smem:$0x3FA5] =	sst s4  }
0xd: {  	[smem:$0x3FA6] =	sst s5  }
0xe: {  	[smem:$0x3FA7] =	sst s6  }
0xf: {  	[smem:$0x3FA8] =	sst s7  }
0x10: {  	[smem:$0x3FA9] =	sst s8  }
0x11: {  	[smem:$0x3FAA] =	sst s9;
	s0 =	simm.s32 @!p0 $0x0  }
0x12: {  	s1 =	sld [smem:$0x3F90];
	s0 =	simm.s32 @p0 $0x1  }
0x13: {  	[smem:$0x3FAB] =	sst s0;
	s0 =	simm.s32 @!p1 $0x0  }
0x14: {  	s2 =	sld [smem:$0x3F8F];
	s0 =	simm.s32 @p1 $0x1  }
0x15: {  	[smem:$0x3FAC] =	sst s0;
	s0 =	simm.s32 @!p2 $0x0  }
0x16: {  	s3 =	sld [smem:$0x3FDB];
	s0 =	simm.s32 @p2 $0x1  }
0x17: {  	s4 =	simm.s32 $0x1BF5;
	[smem:$0x3FAE] =	sst s0  }
0x18: {  	s0 =	sld [smem:$0x3F91];
	_ =	swait.ge [sflag:s4], $0x0  }
0x19: {  	s7 =	sld [smem:$0x3F92]  }
0x1a: {  	s8 =	sadd.s32 $0xFFFFE003, lr  }
0x1b: {  	s9 =	sadd.s32 $0xFFFFFEF7, lr;
	s5 =	simm.s32 $0xFFFFFFFF;
	p2 =	slt.u32 s8, $0xFFFFF086  }
0x1c: {  	p1 =	slt.u32 s9, $0xF7A;
	s5 =	simm.s32 @!p2 $0x0  }
0x1d: {  	s5 =	simm.s32 @p1 $0x1;
	p0 =	seq.s32 s7, s2  }
0x1e: {  	s7 =	smul.u32 @!p0 $0xF7A, s2;
	p2 =	seq.s32 @!p0 s5, $0x0  }
0x1f: {  	s9 =	smul.u32 $0xF7A, s1;
	s8 =	simm.s32 @!p0 $0x1BF5;
	p2 =	por !p2, p0  }
0x20: {  	[sflag:s8] =	ssyncset.s32 @!p0 $0xFFFFF086;
	s6 =	sadd.s32 @!p0 s3, s7;
	s7 =	simm.s32 @!p0 $0x108  }
0x21: {  	s3 =	sadd.s32 s3, s9;
	s6 =	sadd.s32 @!p0 $0x88, s6;
	s7 =	simm.s32 @p2 $0x1082  }
0x22: {  	[simem:s7], [sflag:s8] =	dma.local @!p0 [hbm:s6], $0xF7A  }
0x23: {  	s9 =	sor.u32 $0xD0000000, s2;
	s6 =	simm.s32 $0x108;
	_ =	swait.ge @!p0 [sflag:s8], $0x0  }
0x24: {  	s3 =	sadd.s32 $0x88, s3;
	s6 =	simm.s32 @!p1 $0x1082;
	[sflag:s4] =	ssyncset.s32 $0xFFFFF086  }
0x25: {  	[simem:s6], [sflag:s4] =	dma.local [hbm:s3], $0xF7A  }
0x26: {  	[smem:$0x3F92] =	sst s1;
	(tag) =	ssettag s2;
	_ =	strace s9  }
0x27: {  	s1 =	sld [smem:$0x3FA2]  }
0x28: {  	s2 =	sld [smem:$0x3FA3]  }
0x29: {  	s4 =	sld [smem:$0x3FA5]  }
0x2a: {  	p0 =	seq.s32 s5, $0x0;
	s5 =	sld [smem:$0x3FA6]  }
0x2b: {  	s6 =	sld [smem:$0x3FA7]  }
0x2c: {  	s7 =	sld [smem:$0x3FA8]  }
0x2d: {  	s3 =	simm.s32 $0x108;
	s8 =	sld [smem:$0x3FA9]  }
0x2e: {  	s3 =	simm.s32 @!p0 $0x1082;
	s9 =	sld [smem:$0x3FAA]  }
0x2f: {  	lr =	sadd.s32 s0, s3;
	s0 =	sld [smem:$0x3FA1]  }
0x30: {  	s3 =	sld [smem:$0x3FA4]  }
0x31: {  	[smem:$0x3FAD] =	sst s10  }
0x32: {  	s10 =	sld [smem:$0x3FAB];
	_ =	sdelay $0x3  }
0x33: {  	p0 =	seq.s32 s10, $0x1;
	s10 =	sld [smem:$0x3FAD];
	_ =	sdelay $0x3  }
0x34: {  	[smem:$0x3FAD] =	sst s10  }
0x35: {  	s10 =	sld [smem:$0x3FAC];
	_ =	sdelay $0x3  }
0x36: {  	p1 =	seq.s32 s10, $0x1;
	s10 =	sld [smem:$0x3FAD];
	_ =	sdelay $0x3  }
0x37: {  	[smem:$0x3FAD] =	sst s10  }
0x38: {  	s10 =	sld [smem:$0x3FAE]  }
0x39: {  	_ = 	snop;
	(pc) =	sbr.ind lr, $3  }
0x3a: {  	_ = 	snop  }
0x3b: {  	_ = 	snop  }
0x3c: {  	p2 =	seq.s32 s10, $0x1;
	s10 =	sld [smem:$0x3FAD]  }
0x3d: {  	_ =	shalt  }
0x3e: {  	_ =	shalt  }
0x3f: {  	_ =	shalt  }
0x40: {  	_ =	shalt  }
0x41: {  	_ =	shalt  }
0x42: {  	_ =	shalt  }
0x43: {  	_ =	shalt  }
0x44: {  	_ =	shalt  }
0x45: {  	_ =	shalt  }
0x46: {  	_ =	shalt  }
0x47: {  	_ =	shalt  }
0x48: {  	_ =	shalt  }
0x49: {  	_ =	shalt  }
0x4a: {  	_ =	shalt  }
0x4b: {  	_ =	shalt  }
0x4c: {  	_ =	shalt  }
0x4d: {  	_ =	shalt  }
0x4e: {  	_ =	shalt  }
0x4f: {  	_ =	shalt  }
0x50: {  	_ =	shalt  }
0x51: {  	_ =	shalt  }
0x52: {  	_ =	shalt  }
0x53: {  	_ =	shalt  }
0x54: {  	_ =	shalt  }
0x55: {  	_ =	shalt  }
0x56: {  	_ =	shalt  }
0x57: {  	_ =	shalt  }
0x58: {  	_ =	shalt  }
0x59: {  	_ =	shalt  }
0x5a: {  	_ =	shalt  }
0x5b: {  	_ =	shalt  }
0x5c: {  	_ =	shalt  }
0x5d: {  	_ =	shalt  }
0x5e: {  	_ =	shalt  }
0x5f: {  	_ =	shalt  }
0x60: {  	_ =	shalt  }
0x61: {  	_ =	shalt  }
0x62: {  	_ =	shalt  }
0x63: {  	_ =	shalt  }
0x64: {  	_ =	shalt  }
0x65: {  	_ =	shalt  }
0x66: {  	_ =	shalt  }
0x67: {  	_ =	shalt  }
0x68: {  	_ =	shalt  }
0x69: {  	_ =	shalt  }
0x6a: {  	_ =	shalt  }
0x6b: {  	_ =	shalt  }
0x6c: {  	_ =	shalt  }
0x6d: {  	_ =	shalt  }
0x6e: {  	_ =	shalt  }
0x6f: {  	_ =	shalt  }
0x70: {  	_ =	shalt  }
0x71: {  	_ =	shalt  }
0x72: {  	_ =	shalt  }
0x73: {  	_ =	shalt  }
0x74: {  	_ =	shalt  }
0x75: {  	_ =	shalt  }
0x76: {  	_ =	shalt  }
0x77: {  	_ =	shalt  }
0x78: {  	_ =	shalt  }
0x79: {  	_ =	shalt  }
0x7a: {  	_ =	shalt  }
0x7b: {  	_ =	shalt  }
0x7c: {  	_ =	shalt  }
0x7d: {  	_ =	shalt  }
0x7e: {  	_ =	shalt  }
0x7f: {  	_ =	shalt  }
0x80: {  	_ =	shalt  }
0x81: {  	_ =	shalt  }
0x82: {  	_ =	shalt  }
0x83: {  	_ =	shalt  }
0x84: {  	_ =	shalt  }
0x85: {  	_ =	shalt  }
0x86: {  	_ =	shalt  }
0x87: {  	_ =	shalt  }
.Lfunc_end0:
.L_simem_size_0:
called_computation.2_lowered:
.L_overlay_start_0:
0x88: {  	s2 =	sld [smem:$0x3FD9]  }
0x89: {  	s3 =	sld [smem:$0x3FFE];
	_ =	sdelay $0x1  }
0x8a: {  	s1 =	srdreg.scid  }
0x8b: {  	s0 =	sand.u32 $0x1, s1  }
0x8c: {  	s17 =	sshll.u32 s0, $0xA;
	s2 =	sadd.s32 s3, s2  }
0x8d: {  	s2 =	sadd.s32 s2, s17  }
0x8e: {  	[smem:$0x3FB9] =	sst s2  }
0x8f: {  	_ = 	snop  }
0x90: {  	s2 =	sld [smem:$0x3FD0];
	(tm) =	ssettm $0x1  }
0x91: {  	s18 =	sld [smem:$0x3FFB];
	_ =	sdelay $0x3  }
0x92: {  	_ =	strace s18  }
0x93: {  	s3 =	sld [smem:$0x3FFC];
	_ =	sdelay $0x3  }
0x94: {  	_ =	strace s3  }
0x95: {  	s3 =	sld [smem:$0x3FFD];
	_ =	sdelay $0x3  }
0x96: {  	_ =	strace s3  }
0x97: {  	_ =	strace $0x8FFFFFFF  }
0x98: {  	s19 =	sld [smem:$0x3FDB];
	_ =	sdelay $0x1  }
0x99: {  	s4 =	simm.s32 $_scs_section_size  }
0x9a: {  	s5 =	simm.s32 $_size__tile_overlayer_lowered;
	s6 =	simm.s32 $_tile_overlayer_lowered  }
0x9b: {  	s22 =	simm.s32 $0x1BFF;
	s21 =	sshll.u32 s6, $0x1;
	s3 =	sadd.s32 s4, s19  }
0x9c: {  	s7 =	simm.s32 $0x0;
	s20 =	sshll.u32 s5, $0x1;
	s5 =	sadd.s32 s21, s3  }
0x9d: {  	[timem:s7], [sflag:s22] =	dma.local [hbm:s5], s20  }
0x9e: {  	_ =	swait.ge [sflag:s22], s20  }
0x9f: {  	s4 =	ssub.s32 $0x0, s20;
	[sflag:s22] =	ssyncset.done $0x0  }
0xa0: {  	[sflag:s22] =	ssyncadd.s32 s4;
	_ =	sdelay $0x1  }
0xa1: {  	s23 =	simm.s32 $0x1B8B  }
0xa2: {  	_ =	swait.ge [sflag:s23], $0x1  }
0xa3: {  	[sflag:s23] =	ssyncset.done $0x0  }
0xa4: {  	s25 =	simm.s32 $0x1B8E;
	s24 =	sld [smem:$0x3FFE];
	[sflag:s23] =	ssyncadd.s32 $0xFFFFFFFF  }
0xa5: {  	s26 =	simm.s32 $execute0_lowered;
	[smem:$0x3FD2] =	sst s25  }
0xa6: {  	s5 =	sshll.u32 s26, $0x1;
	_ =	strace $0x8000004C;
	[dreg:$0x1] =	wrdreg $0xFFFFFFFF  }
0xa7: {  	s28 =	simm.s32 $_size_execute0_lowered;
	s3 =	sadd.s32 s3, s5;
	[dreg:$0x0] =	wrdreg $0x0  }
0xa8: {  	s5 =	sshll.u32 s28, $0x1;
	[dreg:$0x2] =	wrdreg s3  }
0xa9: {  	[dreg:$0x3] =	wrdreg s5  }
0xaa: {  	[dreg:$0x4] =	wrdreg $0xC0  }
0xab: {  	_ =	task [dreg:s7], $0x5FFFF  }
0xac: {  	[dreg:$0x1] =	wrdreg $0xFFFFFFFF  }
0xad: {  	[dreg:$0x0] =	wrdreg $0x60  }
0xae: {  	[dreg:$0x2] =	wrdreg s24  }
0xaf: {  	[dreg:$0x3] =	wrdreg s2  }
0xb0: {  	[dreg:$0x4] =	wrdreg $0xBE000  }
0xb1: {  	[dreg:$0x5] =	wrdreg $0x15B000  }
0xb2: {  	[dreg:$0x6] =	wrdreg $0x9  }
0xb3: {  	_ =	task.clear_ibuf [dreg:s7], $0x7FFFF;
	_ =	strace $0x9000004C  }
0xb4: {  	s29 =	simm.s32 $0x9;
	_ =	strace $0x8000004E  }
0xb5: {  	_ =	swait.ge [sflag:s29], $0x1  }
0xb6: {  	[sflag:s29] =	ssyncadd.s32 $0xFFFFFFFF  }
0xb7: {  	_ =	strace $0x9000004E  }
0xb8: {  	_ =	sfence  }
0xb9: {  	s30 =	sld [smem:$0x0];
	_ =	sdelay $0x2  }
0xba: {  	s31 =	sshll.u32 s1, $0xD;
	s1 =	sshrl.u32 s1, $0x2  }
0xbb: {  	s3 =	sand.u32 $0x4000, s31;
	s1 =	sadd.s32 s1, s30  }
0xbc: {  	s0 =	sor.u32 s3, s0;
	s1 =	sshll.u32 s1, $0x11  }
0xbd: {  	s0 =	sor.u32 s1, s0  }
0xbe: {  	s0 =	sadd.s32 $0x8F2B, s0  }
0xbf: {  	[sflag:s0] =	ssyncadd.remote.s32 $0x1  }
0xc0: {  	_ =	sfence.sel $0xFFFF  }
0xc1: {  	[dreg:$0x0] =	wrdreg $0xFFFFFFFF;
	(pc) =	sbr.abs _section_cstart, $3  }
0xc2: {  	[dreg:$0x1] =	wrdreg $0xFFFFFFFF  }
0xc3: {  	_ =	task.clear_ibuf [dreg:s7], $0x2FFFF;
	_ =	strace $0x9FFFFFFF  }
0xc4: {  	(tm) =	ssettm $0x7FFFFFFF  }
0xc5: {  	_ =	shalt  }
tec
execute0_lowered:
.L_overlay_start_1:
0x0: {  	(tag) =	ssettag $0x1  }
0x1: {  	s5 =	rddreg [dreg:$0x0]  }
0x2: {  	s9 =	rddreg [dreg:$0x1]  }
0x3: {  	s1 =	srdreg.scid;
	s2 =	rddreg [dreg:$0x2]  }
0x4: {  	s0 =	stileid.u32;
	s3 =	rddreg [dreg:$0x3]  }
0x5: {  	s4 =	simm.s32 $0x0;
	s17 =	simm.s32 $0x9E00;
	s18 =	simm.s32 $0xAE00  }
0x6: {  	s19 =	simm.s32 $0x1;
	s20 =	simm.s32 $0x2;
	s21 =	simm.s32 $0x9D00  }
0x7: {  	s22 =	simm.s32 $0x9D80;
	s23 =	simm.s32 $0x0;
	s7 =	smul.u32 $0x9D00, s0  }
0x8: {  	s6 =	sand.u32 $0x1, s1;
	s1 =	rddreg [dreg:$0x4];
	s11 =	smul.u32 $0x4F00, s0  }
0x9: {  	[smem:$0x7FF] =	sst s4;
	s12 =	smul.u32 $0x9E0, s0;
	s31 =	sshll.u32 s0, $0x6  }
0xa: {  	s8 =	sshll.u32 s6, $0x4;
	_ =	strace $0x8000004D;
	s13 =	ssub.s32 $0x2, s6  }
0xb: {  	s16 =	smul.u32 $0x4F000, s6;
	s8 =	sor.u32 s0, s8;
	s10 =	sshrl.u32 s7, $0x3  }
0xc: {  	s14 =	sshrl.u32 s11, $0x3;
	s15 =	sshrl.u32 s13, $0x1;
	s24 =	sadd.s32 s12, s5  }
0xd: {  	s28 =	sadd.s32 s7, s2;
	s30 =	sadd.s32 s11, s3;
	s12 =	simm.s32 $0x4F00  }
0xe: {  	s8 =	smul.u32 $0x9E0, s8;
	s10 =	sadd.s32 s10, s5;
	s25 =	sadd.s32 s14, s5  }
0xf: {  	s13 =	ssub.s32 s13, s15;
	s6 =	sadd.s32 $0x3A00, s24;
	s26 =	sadd.s32 s11, s16  }
0x10: {  	s11 =	simm.s32 $0x3;
	s14 =	sshrl.u32 s28, $0x3;
	s15 =	sshrl.u32 s30, $0x3  }
0x11: {  	s16 =	simm.s32 $0x80;
	s7 =	sadd.s32 $0x35000, s10;
	s29 =	sshrl.u32 s26, $0x3  }
0x12: {  	s10 =	smax.u32 s13, $0x1;
	s13 =	sor.u32 $0x1C03, s31;
	s8 =	sadd.s32 s8, s5  }
0x13: {  	s9 =	sadd.s32 s9, s29;
	s5 =	sadd.s32 $0xD800, s8;
	s8 =	sadd.s32 $0x48A00, s25  }
.LBB2_1:
0x14: {  	[tilespmem:s4], [sflag:$0x3] =	stream.linear.gather [hbm4b:s5+s4], $0x4F00, $0x38;
	[tilespmem:$0x1AA00] =	vst v63  }
0x15: {  	_ =	swait.ge [sflag:s11], $0x4F00  }
0x16: {  	[sflag:s11] =	ssyncset.done $0x0  }
0x17: {  	[sflag:s11] =	ssyncadd.s32 $0xFFFFB100  }
0x18: {  	[tilespmem:s12], [sflag:$0x3] =	stream.linear.gather [hbm4b:s6+s4], $0x4F00, $0x38;
	[tilespmem:$0x1AA00] =	vst v63  }
0x19: {  	_ =	swait.ge [sflag:s11], $0x4F00  }
0x1a: {  	[sflag:s11] =	ssyncset.done $0x0  }
0x1b: {  	[sflag:s11] =	ssyncadd.s32 $0xFFFFB100  }
0x1c: {  	[spmem:s14], [sflag:s13] =	dma.local [hbm:s7], $0x13A0  }
0x1d: {  	_ =	swait.ge [sflag:s11], $0x13A0  }
0x1e: {  	[sflag:s11] =	ssyncset.done $0x0  }
0x1f: {  	[sflag:s11] =	ssyncadd.s32 $0xFFFFEC60  }
0x20: {  	[spmem:s15], [sflag:s13] =	dma.local [hbm:s8], $0x9E0  }
0x21: {  	_ =	swait.ge [sflag:s11], $0x9E0  }
0x22: {  	[sflag:s11] =	ssyncset.done $0x0  }
0x23: {  	[sflag:s11] =	ssyncadd.s32 $0xFFFFF620  }
0x24: {  	[bflag:$0x0] =	sbarrier.arrive $0xFFFF  }
0x25: {  	[tilespmem:s17], [sflag:$0x1] =	stream.indirect.gather [spmem:s2], $0x20, s4, s16, $0xb8;
	[tilespmem:$0x1AA00] =	vst v63  }
0x26: {  	_ = 	snop  }
0x27: {  	[tilespmem:s18], [sflag:$0x2] =	stream.indirect.gather [spmem:s2], $0x20, s16, s16, $0xb8;
	[tilespmem:$0x1AA00] =	vst v63  }
0x28: {  	_ =	swait.ge [sflag:s19], $0x1000  }
0x29: {  	[sflag:s19] =	ssyncset.done $0x0  }
0x2a: {  	s24 =	simm.s32 $0x4F00;
	[sflag:s19] =	ssyncadd.s32 $0xFFFFF000  }
0x2b: {  	[spmem:s3] =	stream.indirect.scatter.add.f32 [tilespmem:s17], [sflag:$0x3], $0x20, s24, s16, $0xb8;
	[tilespmem:$0x1AA00] =	vst v63  }
0x2c: {  	_ =	swait.ge [sflag:s11], $0x1000  }
0x2d: {  	[sflag:s11] =	ssyncset.done $0x0  }
0x2e: {  	s30 =	simm.s32 $0x100;
	[sflag:s11] =	ssyncadd.s32 $0xFFFFF000  }
0x2f: {  	[tilespmem:s17], [sflag:$0x1] =	stream.indirect.gather [spmem:s2], $0x20, s30, s16, $0xb8;
	[tilespmem:$0x1AA00] =	vst v63  }
0x30: {  	_ =	swait.ge [sflag:s20], $0x1000  }
0x31: {  	[sflag:s20] =	ssyncset.done $0x0  }
0x32: {  	s31 =	simm.s32 $0x4F80;
	[sflag:s20] =	ssyncadd.s32 $0xFFFFF000  }
0x33: {  	[spmem:s3] =	stream.indirect.scatter.add.f32 [tilespmem:s18], [sflag:$0x3], $0x20, s31, s16, $0xb8;
	[tilespmem:$0x1AA00] =	vst v63  }
0x34: {  	_ =	swait.ge [sflag:s11], $0x1000  }
0x35: {  	[sflag:s11] =	ssyncset.done $0x0  }
0x36: {  	s25 =	simm.s32 $0x180;
	s24 =	simm.s32 $0x400;
	[sflag:s11] =	ssyncadd.s32 $0xFFFFF000  }
.LBB2_2:
0x37: {  	[tilespmem:s18], [sflag:$0x2] =	stream.indirect.gather [spmem:s2], $0x20, s25, s16, $0xb8;
	[tilespmem:$0x1AA00] =	vst v63  }
0x38: {  	s25 =	smov.u32 s24  }
0x39: {  	p0 =	sne.s32 s24, $0x13400;
	s24 =	sadd.s32 $0x400, s24;
	_ =	swait.ge [sflag:s19], $0x1000  }
0x3a: {  	s25 =	sshra.s32 s25, $0x2;
	[sflag:s19] =	ssyncset.done $0x0  }
0x3b: {  	s26 =	sadd.s32 $0x4F00, s25;
	[sflag:s19] =	ssyncadd.s32 $0xFFFFF000  }
0x3c: {  	[spmem:s3] =	stream.indirect.scatter.add.f32 [tilespmem:s17], [sflag:$0x3], $0x20, s26, s16, $0xb8;
	[tilespmem:$0x1AA00] =	vst v63  }
0x3d: {  	_ =	swait.ge [sflag:s11], $0x1000  }
0x3e: {  	[sflag:s11] =	ssyncset.done $0x0  }
0x3f: {  	s26 =	sadd.s32 $0x100, s25;
	[sflag:s11] =	ssyncadd.s32 $0xFFFFF000  }
0x40: {  	[tilespmem:s17], [sflag:$0x1] =	stream.indirect.gather [spmem:s2], $0x20, s26, s16, $0xb8;
	[tilespmem:$0x1AA00] =	vst v63  }
0x41: {  	_ =	swait.ge [sflag:s20], $0x1000  }
0x42: {  	[sflag:s20] =	ssyncset.done $0x0  }
.Ltmp0:
0x43: {  	s26 =	sadd.s32 $0x4F80, s25;
	[sflag:s20] =	ssyncadd.s32 $0xFFFFF000;
	(pc) =	sbr.rel @p0 .LBB2_2-.Ltmp0, $4  }
0x44: {  	[spmem:s3] =	stream.indirect.scatter.add.f32 [tilespmem:s18], [sflag:$0x3], $0x20, s26, s16, $0xb8;
	[tilespmem:$0x1AA00] =	vst v63  }
0x45: {  	_ =	swait.ge [sflag:s11], $0x1000  }
0x46: {  	[sflag:s11] =	ssyncset.done $0x0  }
0x47: {  	s25 =	sadd.s32 $0x180, s25;
	[sflag:s11] =	ssyncadd.s32 $0xFFFFF000  }
0x48: {  	[tilespmem:s18], [sflag:$0x2] =	stream.indirect.gather [spmem:s2], $0x20, s25, s16, $0xb8;
	[tilespmem:$0x1AA00] =	vst v63  }
0x49: {  	_ =	swait.ge [sflag:s19], $0x1000  }
0x4a: {  	[sflag:s19] =	ssyncset.done $0x0  }
0x4b: {  	[sflag:s19] =	ssyncadd.s32 $0xFFFFF000  }
0x4c: {  	[spmem:s3] =	stream.indirect.scatter.add.f32 [tilespmem:s17], [sflag:$0x3], $0x20, s21, s16, $0xb8;
	[tilespmem:$0x1AA00] =	vst v63  }
0x4d: {  	_ =	swait.ge [sflag:s11], $0x1000  }
0x4e: {  	[sflag:s11] =	ssyncset.done $0x0  }
0x4f: {  	[sflag:s11] =	ssyncadd.s32 $0xFFFFF000  }
0x50: {  	_ =	swait.ge [sflag:s20], $0x1000  }
0x51: {  	[sflag:s20] =	ssyncset.done $0x0  }
0x52: {  	[sflag:s20] =	ssyncadd.s32 $0xFFFFF000  }
0x53: {  	[spmem:s3] =	stream.indirect.scatter.add.f32 [tilespmem:s18], [sflag:$0x3], $0x20, s22, s16, $0xb8;
	[tilespmem:$0x1AA00] =	vst v63  }
0x54: {  	_ =	swait.ge [sflag:s11], $0x1000  }
0x55: {  	s23 =	sadd.s32 $0x1, s23;
	[sflag:s11] =	ssyncset.done $0x0  }
0x56: {  	p0 =	sne.s32 s23, s10;
	[sflag:s11] =	ssyncadd.s32 $0xFFFFF000  }
.Ltmp1:
0x57: {  	[bflag:$0x0] =	sbarrier.arrive $0xFFFF;
	(pc) =	sbr.rel @p0 .LBB2_1-.Ltmp1, $4  }
0x58: {  	[hbm:s9], [sflag:s13] =	dma.local [spmem:s15], $0x9E0  }
0x59: {  	_ =	swait.ge [sflag:s11], $0x9E0  }
0x5a: {  	[sflag:s11] =	ssyncset.done $0x0  }
0x5b: {  	[sflag:s11] =	ssyncadd.s32 $0xFFFFF620  }
0x5c: {  	_ =	sfence.sel $0x180000  }
0x5d: {  	[bflag:$0x0] =	sbarrier.arrive $0xFFFF  }
0x5e: {  	p0 =	sne.s32 s0, $0x0;
	_ =	strace $0x9000004D  }
0x5f: {  	s0 =	sadd.s32 @!p0 $0x100000, s1;
	[bflag:$0x2] =	sbarrier.arrive $0xFFFF  }
0x60: {  	[sflag:s0] =	ssyncadd.tile.s32 @!p0 $0x1;
	_ =	shalt  }
.Lfunc_end2:
_tile_overlayer_lowered:
.L_overlay_start_2:
0x61: {  	(tag) =	ssettag $0x2  }
0x62: {  	s0 =	rddreg [dreg:$0x0];
	s2 =	stileid.u32  }
0x63: {  	s1 =	rddreg [dreg:$0x1];
	p0 =	sne.s32 s2, $0x0  }
0x64: {  	s3 =	rddreg [dreg:$0x2];
	[bflag:$0x3] =	sbarrier.arrive $0xFFFF;
	s2 =	simm.s32 @!p0 $0x1C03  }
0x65: {  	[timem:s3], [sflag:s2] =	dma.local @!p0 [hbm:s0], s1  }
0x66: {  	s0 =	simm.s32 @!p0 $0x3  }
0x67: {  	_ =	swait.ge @!p0 [sflag:s0], s1  }
0x68: {  	s1 =	ssub.s32 @!p0 $0x0, s1;
	[sflag:s0] =	ssyncset.done @!p0 $0x0  }
0x69: {  	[sflag:s0] =	ssyncadd.s32 @!p0 s1  }
0x6a: {  	[bflag:$0x3] =	sbarrier.arrive $0xFFFF  }
0x6b: {  	_ =	shalt  }

// kernel: kernel.21.cloned.1.call-start
scs
__scs_entry_jumppad:
0x0: {  	(pc) =	sbr.rel $0x88, $3  }
0x1: {  	(tag) =	ssettag $0x0;
	lr =	simm.s32 $0x1  }
0x2: {  	[smem:$0x3F92] =	sst lr;
	_ =	strace $0xD0000000  }
0x3: {  	_ = 	snop  }
0x4: {  	_ = 	snop  }
0x5: {  	_ = 	snop  }
0x6: {  	_ = 	snop  }
0x7: {  	_ = 	snop  }
__scs_overlays_trampoline_lowered:
0x8: {  	[smem:$0x3FA1] =	sst s0  }
0x9: {  	[smem:$0x3FA2] =	sst s1  }
0xa: {  	[smem:$0x3FA3] =	sst s2  }
0xb: {  	[smem:$0x3FA4] =	sst s3  }
0xc: {  	[smem:$0x3FA5] =	sst s4  }
0xd: {  	[smem:$0x3FA6] =	sst s5  }
0xe: {  	[smem:$0x3FA7] =	sst s6  }
0xf: {  	[smem:$0x3FA8] =	sst s7  }
0x10: {  	[smem:$0x3FA9] =	sst s8  }
0x11: {  	[smem:$0x3FAA] =	sst s9;
	s0 =	simm.s32 @!p0 $0x0  }
0x12: {  	s1 =	sld [smem:$0x3F90];
	s0 =	simm.s32 @p0 $0x1  }
0x13: {  	[smem:$0x3FAB] =	sst s0;
	s0 =	simm.s32 @!p1 $0x0  }
0x14: {  	s2 =	sld [smem:$0x3F8F];
	s0 =	simm.s32 @p1 $0x1  }
0x15: {  	[smem:$0x3FAC] =	sst s0;
	s0 =	simm.s32 @!p2 $0x0  }
0x16: {  	s3 =	sld [smem:$0x3FDB];
	s0 =	simm.s32 @p2 $0x1  }
0x17: {  	s4 =	simm.s32 $0x1BF5;
	[smem:$0x3FAE] =	sst s0  }
0x18: {  	s0 =	sld [smem:$0x3F91];
	_ =	swait.ge [sflag:s4], $0x0  }
0x19: {  	s7 =	sld [smem:$0x3F92]  }
0x1a: {  	s8 =	sadd.s32 $0xFFFFE003, lr  }
0x1b: {  	s9 =	sadd.s32 $0xFFFFFEF7, lr;
	s5 =	simm.s32 $0xFFFFFFFF;
	p2 =	slt.u32 s8, $0xFFFFF086  }
0x1c: {  	p1 =	slt.u32 s9, $0xF7A;
	s5 =	simm.s32 @!p2 $0x0  }
0x1d: {  	s5 =	simm.s32 @p1 $0x1;
	p0 =	seq.s32 s7, s2  }
0x1e: {  	s7 =	smul.u32 @!p0 $0xF7A, s2;
	p2 =	seq.s32 @!p0 s5, $0x0  }
0x1f: {  	s9 =	smul.u32 $0xF7A, s1;
	s8 =	simm.s32 @!p0 $0x1BF5;
	p2 =	por !p2, p0  }
0x20: {  	[sflag:s8] =	ssyncset.s32 @!p0 $0xFFFFF086;
	s6 =	sadd.s32 @!p0 s3, s7;
	s7 =	simm.s32 @!p0 $0x108  }
0x21: {  	s3 =	sadd.s32 s3, s9;
	s6 =	sadd.s32 @!p0 $0x88, s6;
	s7 =	simm.s32 @p2 $0x1082  }
0x22: {  	[simem:s7], [sflag:s8] =	dma.local @!p0 [hbm:s6], $0xF7A  }
0x23: {  	s9 =	sor.u32 $0xD0000000, s2;
	s6 =	simm.s32 $0x108;
	_ =	swait.ge @!p0 [sflag:s8], $0x0  }
0x24: {  	s3 =	sadd.s32 $0x88, s3;
	s6 =	simm.s32 @!p1 $0x1082;
	[sflag:s4] =	ssyncset.s32 $0xFFFFF086  }
0x25: {  	[simem:s6], [sflag:s4] =	dma.local [hbm:s3], $0xF7A  }
0x26: {  	[smem:$0x3F92] =	sst s1;
	(tag) =	ssettag s2;
	_ =	strace s9  }
0x27: {  	s1 =	sld [smem:$0x3FA2]  }
0x28: {  	s2 =	sld [smem:$0x3FA3]  }
0x29: {  	s4 =	sld [smem:$0x3FA5]  }
0x2a: {  	p0 =	seq.s32 s5, $0x0;
	s5 =	sld [smem:$0x3FA6]  }
0x2b: {  	s6 =	sld [smem:$0x3FA7]  }
0x2c: {  	s7 =	sld [smem:$0x3FA8]  }
0x2d: {  	s3 =	simm.s32 $0x108;
	s8 =	sld [smem:$0x3FA9]  }
0x2e: {  	s3 =	simm.s32 @!p0 $0x1082;
	s9 =	sld [smem:$0x3FAA]  }
0x2f: {  	lr =	sadd.s32 s0, s3;
	s0 =	sld [smem:$0x3FA1]  }
0x30: {  	s3 =	sld [smem:$0x3FA4]  }
0x31: {  	[smem:$0x3FAD] =	sst s10  }
0x32: {  	s10 =	sld [smem:$0x3FAB];
	_ =	sdelay $0x3  }
0x33: {  	p0 =	seq.s32 s10, $0x1;
	s10 =	sld [smem:$0x3FAD];
	_ =	sdelay $0x3  }
0x34: {  	[smem:$0x3FAD] =	sst s10  }
0x35: {  	s10 =	sld [smem:$0x3FAC];
	_ =	sdelay $0x3  }
0x36: {  	p1 =	seq.s32 s10, $0x1;
	s10 =	sld [smem:$0x3FAD];
	_ =	sdelay $0x3  }
0x37: {  	[smem:$0x3FAD] =	sst s10  }
0x38: {  	s10 =	sld [smem:$0x3FAE]  }
0x39: {  	_ = 	snop;
	(pc) =	sbr.ind lr, $3  }
0x3a: {  	_ = 	snop  }
0x3b: {  	_ = 	snop  }
0x3c: {  	p2 =	seq.s32 s10, $0x1;
	s10 =	sld [smem:$0x3FAD]  }
0x3d: {  	_ =	shalt  }
0x3e: {  	_ =	shalt  }
0x3f: {  	_ =	shalt  }
0x40: {  	_ =	shalt  }
0x41: {  	_ =	shalt  }
0x42: {  	_ =	shalt  }
0x43: {  	_ =	shalt  }
0x44: {  	_ =	shalt  }
0x45: {  	_ =	shalt  }
0x46: {  	_ =	shalt  }
0x47: {  	_ =	shalt  }
0x48: {  	_ =	shalt  }
0x49: {  	_ =	shalt  }
0x4a: {  	_ =	shalt  }
0x4b: {  	_ =	shalt  }
0x4c: {  	_ =	shalt  }
0x4d: {  	_ =	shalt  }
0x4e: {  	_ =	shalt  }
0x4f: {  	_ =	shalt  }
0x50: {  	_ =	shalt  }
0x51: {  	_ =	shalt  }
0x52: {  	_ =	shalt  }
0x53: {  	_ =	shalt  }
0x54: {  	_ =	shalt  }
0x55: {  	_ =	shalt  }
0x56: {  	_ =	shalt  }
0x57: {  	_ =	shalt  }
0x58: {  	_ =	shalt  }
0x59: {  	_ =	shalt  }
0x5a: {  	_ =	shalt  }
0x5b: {  	_ =	shalt  }
0x5c: {  	_ =	shalt  }
0x5d: {  	_ =	shalt  }
0x5e: {  	_ =	shalt  }
0x5f: {  	_ =	shalt  }
0x60: {  	_ =	shalt  }
0x61: {  	_ =	shalt  }
0x62: {  	_ =	shalt  }
0x63: {  	_ =	shalt  }
0x64: {  	_ =	shalt  }
0x65: {  	_ =	shalt  }
0x66: {  	_ =	shalt  }
0x67: {  	_ =	shalt  }
0x68: {  	_ =	shalt  }
0x69: {  	_ =	shalt  }
0x6a: {  	_ =	shalt  }
0x6b: {  	_ =	shalt  }
0x6c: {  	_ =	shalt  }
0x6d: {  	_ =	shalt  }
0x6e: {  	_ =	shalt  }
0x6f: {  	_ =	shalt  }
0x70: {  	_ =	shalt  }
0x71: {  	_ =	shalt  }
0x72: {  	_ =	shalt  }
0x73: {  	_ =	shalt  }
0x74: {  	_ =	shalt  }
0x75: {  	_ =	shalt  }
0x76: {  	_ =	shalt  }
0x77: {  	_ =	shalt  }
0x78: {  	_ =	shalt  }
0x79: {  	_ =	shalt  }
0x7a: {  	_ =	shalt  }
0x7b: {  	_ =	shalt  }
0x7c: {  	_ =	shalt  }
0x7d: {  	_ =	shalt  }
0x7e: {  	_ =	shalt  }
0x7f: {  	_ =	shalt  }
0x80: {  	_ =	shalt  }
0x81: {  	_ =	shalt  }
0x82: {  	_ =	shalt  }
0x83: {  	_ =	shalt  }
0x84: {  	_ =	shalt  }
0x85: {  	_ =	shalt  }
0x86: {  	_ =	shalt  }
0x87: {  	_ =	shalt  }
.Lfunc_end0:
.L_simem_size_0:
called_computation.3_lowered:
.L_overlay_start_0:
0x88: {  	s2 =	sld [smem:$0x3FD9]  }
0x89: {  	s3 =	sld [smem:$0x3FFE];
	_ =	sdelay $0x1  }
0x8a: {  	s1 =	srdreg.scid  }
0x8b: {  	s0 =	sand.u32 $0x1, s1  }
0x8c: {  	s17 =	sshll.u32 s0, $0xA;
	s2 =	sadd.s32 s3, s2  }
0x8d: {  	s2 =	sadd.s32 s2, s17  }
0x8e: {  	[smem:$0x3FB9] =	sst s2  }
0x8f: {  	_ = 	snop  }
0x90: {  	s2 =	sld [smem:$0x3FD0];
	(tm) =	ssettm $0x1  }
0x91: {  	s18 =	sld [smem:$0x3FFB];
	_ =	sdelay $0x3  }
0x92: {  	_ =	strace s18  }
0x93: {  	s3 =	sld [smem:$0x3FFC];
	_ =	sdelay $0x3  }
0x94: {  	_ =	strace s3  }
0x95: {  	s3 =	sld [smem:$0x3FFD];
	_ =	sdelay $0x3  }
0x96: {  	_ =	strace s3  }
0x97: {  	_ =	strace $0x8FFFFFFF  }
0x98: {  	s19 =	sld [smem:$0x3FDB];
	_ =	sdelay $0x1  }
0x99: {  	s4 =	simm.s32 $_scs_section_size  }
0x9a: {  	s5 =	simm.s32 $_size__tile_overlayer_lowered;
	s6 =	simm.s32 $_tile_overlayer_lowered  }
0x9b: {  	s22 =	simm.s32 $0x1BFF;
	s21 =	sshll.u32 s6, $0x1;
	s3 =	sadd.s32 s4, s19  }
0x9c: {  	s7 =	simm.s32 $0x0;
	s20 =	sshll.u32 s5, $0x1;
	s5 =	sadd.s32 s21, s3  }
0x9d: {  	[timem:s7], [sflag:s22] =	dma.local [hbm:s5], s20  }
0x9e: {  	_ =	swait.ge [sflag:s22], s20  }
0x9f: {  	s4 =	ssub.s32 $0x0, s20;
	[sflag:s22] =	ssyncset.done $0x0  }
0xa0: {  	[sflag:s22] =	ssyncadd.s32 s4;
	_ =	sdelay $0x1  }
0xa1: {  	s23 =	simm.s32 $0x1B8B  }
0xa2: {  	_ =	swait.ge [sflag:s23], $0x1  }
0xa3: {  	[sflag:s23] =	ssyncset.done $0x0  }
0xa4: {  	s25 =	simm.s32 $0x1B8E;
	s24 =	sld [smem:$0x3FFE];
	[sflag:s23] =	ssyncadd.s32 $0xFFFFFFFF  }
0xa5: {  	s26 =	simm.s32 $execute0_lowered;
	[smem:$0x3FD2] =	sst s25  }
0xa6: {  	s5 =	sshll.u32 s26, $0x1;
	_ =	strace $0x8000004F;
	[dreg:$0x1] =	wrdreg $0xFFFFFFFF  }
0xa7: {  	s28 =	simm.s32 $_size_execute0_lowered;
	s3 =	sadd.s32 s3, s5;
	[dreg:$0x0] =	wrdreg $0x0  }
0xa8: {  	s5 =	sshll.u32 s28, $0x1;
	[dreg:$0x2] =	wrdreg s3  }
0xa9: {  	[dreg:$0x3] =	wrdreg s5  }
0xaa: {  	[dreg:$0x4] =	wrdreg $0xC0  }
0xab: {  	_ =	task [dreg:s7], $0x5FFFF  }
0xac: {  	[dreg:$0x1] =	wrdreg $0xFFFFFFFF  }
0xad: {  	[dreg:$0x0] =	wrdreg $0x60  }
0xae: {  	[dreg:$0x2] =	wrdreg s24  }
0xaf: {  	[dreg:$0x3] =	wrdreg s2  }
0xb0: {  	[dreg:$0x4] =	wrdreg $0xBE000  }
0xb1: {  	[dreg:$0x5] =	wrdreg $0x15B000  }
0xb2: {  	[dreg:$0x6] =	wrdreg $0x9  }
0xb3: {  	_ =	task.clear_ibuf [dreg:s7], $0x7FFFF;
	_ =	strace $0x9000004F  }
0xb4: {  	s29 =	simm.s32 $0x9;
	_ =	strace $0x80000051  }
0xb5: {  	_ =	swait.ge [sflag:s29], $0x1  }
0xb6: {  	[sflag:s29] =	ssyncadd.s32 $0xFFFFFFFF  }
0xb7: {  	_ =	strace $0x90000051  }
0xb8: {  	_ =	sfence  }
0xb9: {  	s30 =	sld [smem:$0x0];
	_ =	sdelay $0x2  }
0xba: {  	s31 =	sshll.u32 s1, $0xD;
	s1 =	sshrl.u32 s1, $0x2  }
0xbb: {  	s3 =	sand.u32 $0x4000, s31;
	s1 =	sadd.s32 s1, s30  }
0xbc: {  	s0 =	sor.u32 s3, s0;
	s1 =	sshll.u32 s1, $0x11  }
0xbd: {  	s0 =	sor.u32 s1, s0  }
0xbe: {  	s0 =	sadd.s32 $0x8F2B, s0  }
0xbf: {  	[sflag:s0] =	ssyncadd.remote.s32 $0x1  }
0xc0: {  	_ =	sfence.sel $0xFFFF  }
0xc1: {  	[dreg:$0x0] =	wrdreg $0xFFFFFFFF;
	(pc) =	sbr.abs _section_cstart, $3  }
0xc2: {  	[dreg:$0x1] =	wrdreg $0xFFFFFFFF  }
0xc3: {  	_ =	task.clear_ibuf [dreg:s7], $0x2FFFF;
	_ =	strace $0x9FFFFFFF  }
0xc4: {  	(tm) =	ssettm $0x7FFFFFFF  }
0xc5: {  	_ =	shalt  }
tec
execute0_lowered:
.L_overlay_start_1:
0x0: {  	(tag) =	ssettag $0x1  }
0x1: {  	s5 =	rddreg [dreg:$0x0]  }
0x2: {  	s9 =	rddreg [dreg:$0x1]  }
0x3: {  	s1 =	srdreg.scid;
	s2 =	rddreg [dreg:$0x2]  }
0x4: {  	s0 =	stileid.u32;
	s3 =	rddreg [dreg:$0x3]  }
0x5: {  	s4 =	simm.s32 $0x0;
	s17 =	simm.s32 $0x9E00;
	s18 =	simm.s32 $0xAE00  }
0x6: {  	s19 =	simm.s32 $0x1;
	s20 =	simm.s32 $0x2;
	s21 =	simm.s32 $0x9D00  }
0x7: {  	s22 =	simm.s32 $0x9D80;
	s23 =	simm.s32 $0x0;
	s7 =	smul.u32 $0x9D00, s0  }
0x8: {  	s6 =	sand.u32 $0x1, s1;
	s1 =	rddreg [dreg:$0x4];
	s11 =	smul.u32 $0x4F00, s0  }
0x9: {  	[smem:$0x7FF] =	sst s4;
	s12 =	smul.u32 $0x9E0, s0;
	s31 =	sshll.u32 s0, $0x6  }
0xa: {  	s8 =	sshll.u32 s6, $0x4;
	_ =	strace $0x80000050;
	s13 =	ssub.s32 $0x2, s6  }
0xb: {  	s16 =	smul.u32 $0x4F000, s6;
	s8 =	sor.u32 s0, s8;
	s10 =	sshrl.u32 s7, $0x3  }
0xc: {  	s14 =	sshrl.u32 s11, $0x3;
	s15 =	sshrl.u32 s13, $0x1;
	s24 =	sadd.s32 s12, s5  }
0xd: {  	s28 =	sadd.s32 s7, s2;
	s30 =	sadd.s32 s11, s3;
	s12 =	simm.s32 $0x4F00  }
0xe: {  	s8 =	smul.u32 $0x9E0, s8;
	s10 =	sadd.s32 s10, s5;
	s25 =	sadd.s32 s14, s5  }
0xf: {  	s13 =	ssub.s32 s13, s15;
	s6 =	sadd.s32 $0x3A00, s24;
	s26 =	sadd.s32 s11, s16  }
0x10: {  	s11 =	simm.s32 $0x3;
	s14 =	sshrl.u32 s28, $0x3;
	s15 =	sshrl.u32 s30, $0x3  }
0x11: {  	s16 =	simm.s32 $0x80;
	s7 =	sadd.s32 $0x35000, s10;
	s29 =	sshrl.u32 s26, $0x3  }
0x12: {  	s10 =	smax.u32 s13, $0x1;
	s13 =	sor.u32 $0x1C03, s31;
	s8 =	sadd.s32 s8, s5  }
0x13: {  	s9 =	sadd.s32 s9, s29;
	s5 =	sadd.s32 $0xD800, s8;
	s8 =	sadd.s32 $0x48A00, s25  }
.LBB2_1:
0x14: {  	[tilespmem:s4], [sflag:$0x3] =	stream.linear.gather [hbm4b:s5+s4], $0x4F00, $0x38;
	[tilespmem:$0x1AA00] =	vst v63  }
0x15: {  	_ =	swait.ge [sflag:s11], $0x4F00  }
0x16: {  	[sflag:s11] =	ssyncset.done $0x0  }
0x17: {  	[sflag:s11] =	ssyncadd.s32 $0xFFFFB100  }
0x18: {  	[tilespmem:s12], [sflag:$0x3] =	stream.linear.gather [hbm4b:s6+s4], $0x4F00, $0x38;
	[tilespmem:$0x1AA00] =	vst v63  }
0x19: {  	_ =	swait.ge [sflag:s11], $0x4F00  }
0x1a: {  	[sflag:s11] =	ssyncset.done $0x0  }
0x1b: {  	[sflag:s11] =	ssyncadd.s32 $0xFFFFB100  }
0x1c: {  	[spmem:s14], [sflag:s13] =	dma.local [hbm:s7], $0x13A0  }
0x1d: {  	_ =	swait.ge [sflag:s11], $0x13A0  }
0x1e: {  	[sflag:s11] =	ssyncset.done $0x0  }
0x1f: {  	[sflag:s11] =	ssyncadd.s32 $0xFFFFEC60  }
0x20: {  	[spmem:s15], [sflag:s13] =	dma.local [hbm:s8], $0x9E0  }
0x21: {  	_ =	swait.ge [sflag:s11], $0x9E0  }
0x22: {  	[sflag:s11] =	ssyncset.done $0x0  }
0x23: {  	[sflag:s11] =	ssyncadd.s32 $0xFFFFF620  }
0x24: {  	[bflag:$0x0] =	sbarrier.arrive $0xFFFF  }
0x25: {  	[tilespmem:s17], [sflag:$0x1] =	stream.indirect.gather [spmem:s2], $0x20, s4, s16, $0xb8;
	[tilespmem:$0x1AA00] =	vst v63  }
0x26: {  	_ = 	snop  }
0x27: {  	[tilespmem:s18], [sflag:$0x2] =	stream.indirect.gather [spmem:s2], $0x20, s16, s16, $0xb8;
	[tilespmem:$0x1AA00] =	vst v63  }
0x28: {  	_ =	swait.ge [sflag:s19], $0x1000  }
0x29: {  	[sflag:s19] =	ssyncset.done $0x0  }
0x2a: {  	s24 =	simm.s32 $0x4F00;
	[sflag:s19] =	ssyncadd.s32 $0xFFFFF000  }
0x2b: {  	[spmem:s3] =	stream.indirect.scatter.add.f32 [tilespmem:s17], [sflag:$0x3], $0x20, s24, s16, $0xb8;
	[tilespmem:$0x1AA00] =	vst v63  }
0x2c: {  	_ =	swait.ge [sflag:s11], $0x1000  }
0x2d: {  	[sflag:s11] =	ssyncset.done $0x0  }
0x2e: {  	s30 =	simm.s32 $0x100;
	[sflag:s11] =	ssyncadd.s32 $0xFFFFF000  }
0x2f: {  	[tilespmem:s17], [sflag:$0x1] =	stream.indirect.gather [spmem:s2], $0x20, s30, s16, $0xb8;
	[tilespmem:$0x1AA00] =	vst v63  }
0x30: {  	_ =	swait.ge [sflag:s20], $0x1000  }
0x31: {  	[sflag:s20] =	ssyncset.done $0x0  }
0x32: {  	s31 =	simm.s32 $0x4F80;
	[sflag:s20] =	ssyncadd.s32 $0xFFFFF000  }
0x33: {  	[spmem:s3] =	stream.indirect.scatter.add.f32 [tilespmem:s18], [sflag:$0x3], $0x20, s31, s16, $0xb8;
	[tilespmem:$0x1AA00] =	vst v63  }
0x34: {  	_ =	swait.ge [sflag:s11], $0x1000  }
0x35: {  	[sflag:s11] =	ssyncset.done $0x0  }
0x36: {  	s25 =	simm.s32 $0x180;
	s24 =	simm.s32 $0x400;
	[sflag:s11] =	ssyncadd.s32 $0xFFFFF000  }
.LBB2_2:
0x37: {  	[tilespmem:s18], [sflag:$0x2] =	stream.indirect.gather [spmem:s2], $0x20, s25, s16, $0xb8;
	[tilespmem:$0x1AA00] =	vst v63  }
0x38: {  	s25 =	smov.u32 s24  }
0x39: {  	p0 =	sne.s32 s24, $0x13400;
	s24 =	sadd.s32 $0x400, s24;
	_ =	swait.ge [sflag:s19], $0x1000  }
0x3a: {  	s25 =	sshra.s32 s25, $0x2;
	[sflag:s19] =	ssyncset.done $0x0  }
0x3b: {  	s26 =	sadd.s32 $0x4F00, s25;
	[sflag:s19] =	ssyncadd.s32 $0xFFFFF000  }
0x3c: {  	[spmem:s3] =	stream.indirect.scatter.add.f32 [tilespmem:s17], [sflag:$0x3], $0x20, s26, s16, $0xb8;
	[tilespmem:$0x1AA00] =	vst v63  }
0x3d: {  	_ =	swait.ge [sflag:s11], $0x1000  }
0x3e: {  	[sflag:s11] =	ssyncset.done $0x0  }
0x3f: {  	s26 =	sadd.s32 $0x100, s25;
	[sflag:s11] =	ssyncadd.s32 $0xFFFFF000  }
0x40: {  	[tilespmem:s17], [sflag:$0x1] =	stream.indirect.gather [spmem:s2], $0x20, s26, s16, $0xb8;
	[tilespmem:$0x1AA00] =	vst v63  }
0x41: {  	_ =	swait.ge [sflag:s20], $0x1000  }
0x42: {  	[sflag:s20] =	ssyncset.done $0x0  }
.Ltmp0:
0x43: {  	s26 =	sadd.s32 $0x4F80, s25;
	[sflag:s20] =	ssyncadd.s32 $0xFFFFF000;
	(pc) =	sbr.rel @p0 .LBB2_2-.Ltmp0, $4  }
0x44: {  	[spmem:s3] =	stream.indirect.scatter.add.f32 [tilespmem:s18], [sflag:$0x3], $0x20, s26, s16, $0xb8;
	[tilespmem:$0x1AA00] =	vst v63  }
0x45: {  	_ =	swait.ge [sflag:s11], $0x1000  }
0x46: {  	[sflag:s11] =	ssyncset.done $0x0  }
0x47: {  	s25 =	sadd.s32 $0x180, s25;
	[sflag:s11] =	ssyncadd.s32 $0xFFFFF000  }
0x48: {  	[tilespmem:s18], [sflag:$0x2] =	stream.indirect.gather [spmem:s2], $0x20, s25, s16, $0xb8;
	[tilespmem:$0x1AA00] =	vst v63  }
0x49: {  	_ =	swait.ge [sflag:s19], $0x1000  }
0x4a: {  	[sflag:s19] =	ssyncset.done $0x0  }
0x4b: {  	[sflag:s19] =	ssyncadd.s32 $0xFFFFF000  }
0x4c: {  	[spmem:s3] =	stream.indirect.scatter.add.f32 [tilespmem:s17], [sflag:$0x3], $0x20, s21, s16, $0xb8;
	[tilespmem:$0x1AA00] =	vst v63  }
0x4d: {  	_ =	swait.ge [sflag:s11], $0x1000  }
0x4e: {  	[sflag:s11] =	ssyncset.done $0x0  }
0x4f: {  	[sflag:s11] =	ssyncadd.s32 $0xFFFFF000  }
0x50: {  	_ =	swait.ge [sflag:s20], $0x1000  }
0x51: {  	[sflag:s20] =	ssyncset.done $0x0  }
0x52: {  	[sflag:s20] =	ssyncadd.s32 $0xFFFFF000  }
0x53: {  	[spmem:s3] =	stream.indirect.scatter.add.f32 [tilespmem:s18], [sflag:$0x3], $0x20, s22, s16, $0xb8;
	[tilespmem:$0x1AA00] =	vst v63  }
0x54: {  	_ =	swait.ge [sflag:s11], $0x1000  }
0x55: {  	s23 =	sadd.s32 $0x1, s23;
	[sflag:s11] =	ssyncset.done $0x0  }
0x56: {  	p0 =	sne.s32 s23, s10;
	[sflag:s11] =	ssyncadd.s32 $0xFFFFF000  }
.Ltmp1:
0x57: {  	[bflag:$0x0] =	sbarrier.arrive $0xFFFF;
	(pc) =	sbr.rel @p0 .LBB2_1-.Ltmp1, $4  }
0x58: {  	[hbm:s9], [sflag:s13] =	dma.local [spmem:s15], $0x9E0  }
0x59: {  	_ =	swait.ge [sflag:s11], $0x9E0  }
0x5a: {  	[sflag:s11] =	ssyncset.done $0x0  }
0x5b: {  	[sflag:s11] =	ssyncadd.s32 $0xFFFFF620  }
0x5c: {  	_ =	sfence.sel $0x180000  }
0x5d: {  	[bflag:$0x0] =	sbarrier.arrive $0xFFFF  }
0x5e: {  	p0 =	sne.s32 s0, $0x0;
	_ =	strace $0x90000050  }
0x5f: {  	s0 =	sadd.s32 @!p0 $0x100000, s1;
	[bflag:$0x2] =	sbarrier.arrive $0xFFFF  }
0x60: {  	[sflag:s0] =	ssyncadd.tile.s32 @!p0 $0x1;
	_ =	shalt  }
.Lfunc_end2:
_tile_overlayer_lowered:
.L_overlay_start_2:
0x61: {  	(tag) =	ssettag $0x2  }
0x62: {  	s0 =	rddreg [dreg:$0x0];
	s2 =	stileid.u32  }
0x63: {  	s1 =	rddreg [dreg:$0x1];
	p0 =	sne.s32 s2, $0x0  }
0x64: {  	s3 =	rddreg [dreg:$0x2];
	[bflag:$0x3] =	sbarrier.arrive $0xFFFF;
	s2 =	simm.s32 @!p0 $0x1C03  }
0x65: {  	[timem:s3], [sflag:s2] =	dma.local @!p0 [hbm:s0], s1  }
0x66: {  	s0 =	simm.s32 @!p0 $0x3  }
0x67: {  	_ =	swait.ge @!p0 [sflag:s0], s1  }
0x68: {  	s1 =	ssub.s32 @!p0 $0x0, s1;
	[sflag:s0] =	ssyncset.done @!p0 $0x0  }
0x69: {  	[sflag:s0] =	ssyncadd.s32 @!p0 s1  }
0x6a: {  	[bflag:$0x3] =	sbarrier.arrive $0xFFFF  }
0x6b: {  	_ =	shalt  }

// kernel: kernel.24.cloned.1.call-start
scs
__scs_entry_jumppad:
0x0: {  	(pc) =	sbr.rel $0x88, $3  }
0x1: {  	(tag) =	ssettag $0x0;
	lr =	simm.s32 $0x1  }
0x2: {  	[smem:$0x3F92] =	sst lr;
	_ =	strace $0xD0000000  }
0x3: {  	_ = 	snop  }
0x4: {  	_ = 	snop  }
0x5: {  	_ = 	snop  }
0x6: {  	_ = 	snop  }
0x7: {  	_ = 	snop  }
__scs_overlays_trampoline_lowered:
0x8: {  	[smem:$0x3FA1] =	sst s0  }
0x9: {  	[smem:$0x3FA2] =	sst s1  }
0xa: {  	[smem:$0x3FA3] =	sst s2  }
0xb: {  	[smem:$0x3FA4] =	sst s3  }
0xc: {  	[smem:$0x3FA5] =	sst s4  }
0xd: {  	[smem:$0x3FA6] =	sst s5  }
0xe: {  	[smem:$0x3FA7] =	sst s6  }
0xf: {  	[smem:$0x3FA8] =	sst s7  }
0x10: {  	[smem:$0x3FA9] =	sst s8  }
0x11: {  	[smem:$0x3FAA] =	sst s9;
	s0 =	simm.s32 @!p0 $0x0  }
0x12: {  	s1 =	sld [smem:$0x3F90];
	s0 =	simm.s32 @p0 $0x1  }
0x13: {  	[smem:$0x3FAB] =	sst s0;
	s0 =	simm.s32 @!p1 $0x0  }
0x14: {  	s2 =	sld [smem:$0x3F8F];
	s0 =	simm.s32 @p1 $0x1  }
0x15: {  	[smem:$0x3FAC] =	sst s0;
	s0 =	simm.s32 @!p2 $0x0  }
0x16: {  	s3 =	sld [smem:$0x3FDB];
	s0 =	simm.s32 @p2 $0x1  }
0x17: {  	s4 =	simm.s32 $0x1BF5;
	[smem:$0x3FAE] =	sst s0  }
0x18: {  	s0 =	sld [smem:$0x3F91];
	_ =	swait.ge [sflag:s4], $0x0  }
0x19: {  	s7 =	sld [smem:$0x3F92]  }
0x1a: {  	s8 =	sadd.s32 $0xFFFFE003, lr  }
0x1b: {  	s9 =	sadd.s32 $0xFFFFFEF7, lr;
	s5 =	simm.s32 $0xFFFFFFFF;
	p2 =	slt.u32 s8, $0xFFFFF086  }
0x1c: {  	p1 =	slt.u32 s9, $0xF7A;
	s5 =	simm.s32 @!p2 $0x0  }
0x1d: {  	s5 =	simm.s32 @p1 $0x1;
	p0 =	seq.s32 s7, s2  }
0x1e: {  	s7 =	smul.u32 @!p0 $0xF7A, s2;
	p2 =	seq.s32 @!p0 s5, $0x0  }
0x1f: {  	s9 =	smul.u32 $0xF7A, s1;
	s8 =	simm.s32 @!p0 $0x1BF5;
	p2 =	por !p2, p0  }
0x20: {  	[sflag:s8] =	ssyncset.s32 @!p0 $0xFFFFF086;
	s6 =	sadd.s32 @!p0 s3, s7;
	s7 =	simm.s32 @!p0 $0x108  }
0x21: {  	s3 =	sadd.s32 s3, s9;
	s6 =	sadd.s32 @!p0 $0x88, s6;
	s7 =	simm.s32 @p2 $0x1082  }
0x22: {  	[simem:s7], [sflag:s8] =	dma.local @!p0 [hbm:s6], $0xF7A  }
0x23: {  	s9 =	sor.u32 $0xD0000000, s2;
	s6 =	simm.s32 $0x108;
	_ =	swait.ge @!p0 [sflag:s8], $0x0  }
0x24: {  	s3 =	sadd.s32 $0x88, s3;
	s6 =	simm.s32 @!p1 $0x1082;
	[sflag:s4] =	ssyncset.s32 $0xFFFFF086  }
0x25: {  	[simem:s6], [sflag:s4] =	dma.local [hbm:s3], $0xF7A  }
0x26: {  	[smem:$0x3F92] =	sst s1;
	(tag) =	ssettag s2;
	_ =	strace s9  }
0x27: {  	s1 =	sld [smem:$0x3FA2]  }
0x28: {  	s2 =	sld [smem:$0x3FA3]  }
0x29: {  	s4 =	sld [smem:$0x3FA5]  }
0x2a: {  	p0 =	seq.s32 s5, $0x0;
	s5 =	sld [smem:$0x3FA6]  }
0x2b: {  	s6 =	sld [smem:$0x3FA7]  }
0x2c: {  	s7 =	sld [smem:$0x3FA8]  }
0x2d: {  	s3 =	simm.s32 $0x108;
	s8 =	sld [smem:$0x3FA9]  }
0x2e: {  	s3 =	simm.s32 @!p0 $0x1082;
	s9 =	sld [smem:$0x3FAA]  }
0x2f: {  	lr =	sadd.s32 s0, s3;
	s0 =	sld [smem:$0x3FA1]  }
0x30: {  	s3 =	sld [smem:$0x3FA4]  }
0x31: {  	[smem:$0x3FAD] =	sst s10  }
0x32: {  	s10 =	sld [smem:$0x3FAB];
	_ =	sdelay $0x3  }
0x33: {  	p0 =	seq.s32 s10, $0x1;
	s10 =	sld [smem:$0x3FAD];
	_ =	sdelay $0x3  }
0x34: {  	[smem:$0x3FAD] =	sst s10  }
0x35: {  	s10 =	sld [smem:$0x3FAC];
	_ =	sdelay $0x3  }
0x36: {  	p1 =	seq.s32 s10, $0x1;
	s10 =	sld [smem:$0x3FAD];
	_ =	sdelay $0x3  }
0x37: {  	[smem:$0x3FAD] =	sst s10  }
0x38: {  	s10 =	sld [smem:$0x3FAE]  }
0x39: {  	_ = 	snop;
	(pc) =	sbr.ind lr, $3  }
0x3a: {  	_ = 	snop  }
0x3b: {  	_ = 	snop  }
0x3c: {  	p2 =	seq.s32 s10, $0x1;
	s10 =	sld [smem:$0x3FAD]  }
0x3d: {  	_ =	shalt  }
0x3e: {  	_ =	shalt  }
0x3f: {  	_ =	shalt  }
0x40: {  	_ =	shalt  }
0x41: {  	_ =	shalt  }
0x42: {  	_ =	shalt  }
0x43: {  	_ =	shalt  }
0x44: {  	_ =	shalt  }
0x45: {  	_ =	shalt  }
0x46: {  	_ =	shalt  }
0x47: {  	_ =	shalt  }
0x48: {  	_ =	shalt  }
0x49: {  	_ =	shalt  }
0x4a: {  	_ =	shalt  }
0x4b: {  	_ =	shalt  }
0x4c: {  	_ =	shalt  }
0x4d: {  	_ =	shalt  }
0x4e: {  	_ =	shalt  }
0x4f: {  	_ =	shalt  }
0x50: {  	_ =	shalt  }
0x51: {  	_ =	shalt  }
0x52: {  	_ =	shalt  }
0x53: {  	_ =	shalt  }
0x54: {  	_ =	shalt  }
0x55: {  	_ =	shalt  }
0x56: {  	_ =	shalt  }
0x57: {  	_ =	shalt  }
0x58: {  	_ =	shalt  }
0x59: {  	_ =	shalt  }
0x5a: {  	_ =	shalt  }
0x5b: {  	_ =	shalt  }
0x5c: {  	_ =	shalt  }
0x5d: {  	_ =	shalt  }
0x5e: {  	_ =	shalt  }
0x5f: {  	_ =	shalt  }
0x60: {  	_ =	shalt  }
0x61: {  	_ =	shalt  }
0x62: {  	_ =	shalt  }
0x63: {  	_ =	shalt  }
0x64: {  	_ =	shalt  }
0x65: {  	_ =	shalt  }
0x66: {  	_ =	shalt  }
0x67: {  	_ =	shalt  }
0x68: {  	_ =	shalt  }
0x69: {  	_ =	shalt  }
0x6a: {  	_ =	shalt  }
0x6b: {  	_ =	shalt  }
0x6c: {  	_ =	shalt  }
0x6d: {  	_ =	shalt  }
0x6e: {  	_ =	shalt  }
0x6f: {  	_ =	shalt  }
0x70: {  	_ =	shalt  }
0x71: {  	_ =	shalt  }
0x72: {  	_ =	shalt  }
0x73: {  	_ =	shalt  }
0x74: {  	_ =	shalt  }
0x75: {  	_ =	shalt  }
0x76: {  	_ =	shalt  }
0x77: {  	_ =	shalt  }
0x78: {  	_ =	shalt  }
0x79: {  	_ =	shalt  }
0x7a: {  	_ =	shalt  }
0x7b: {  	_ =	shalt  }
0x7c: {  	_ =	shalt  }
0x7d: {  	_ =	shalt  }
0x7e: {  	_ =	shalt  }
0x7f: {  	_ =	shalt  }
0x80: {  	_ =	shalt  }
0x81: {  	_ =	shalt  }
0x82: {  	_ =	shalt  }
0x83: {  	_ =	shalt  }
0x84: {  	_ =	shalt  }
0x85: {  	_ =	shalt  }
0x86: {  	_ =	shalt  }
0x87: {  	_ =	shalt  }
.Lfunc_end0:
.L_simem_size_0:
called_computation.4_lowered:
.L_overlay_start_0:
0x88: {  	s2 =	sld [smem:$0x3FD9]  }
0x89: {  	s3 =	sld [smem:$0x3FFE];
	_ =	sdelay $0x1  }
0x8a: {  	s1 =	srdreg.scid  }
0x8b: {  	s0 =	sand.u32 $0x1, s1  }
0x8c: {  	s17 =	sshll.u32 s0, $0xA;
	s2 =	sadd.s32 s3, s2  }
0x8d: {  	s2 =	sadd.s32 s2, s17  }
0x8e: {  	[smem:$0x3FB9] =	sst s2  }
0x8f: {  	_ = 	snop  }
0x90: {  	s2 =	sld [smem:$0x3FD0];
	(tm) =	ssettm $0x1  }
0x91: {  	s18 =	sld [smem:$0x3FFB];
	_ =	sdelay $0x3  }
0x92: {  	_ =	strace s18  }
0x93: {  	s3 =	sld [smem:$0x3FFC];
	_ =	sdelay $0x3  }
0x94: {  	_ =	strace s3  }
0x95: {  	s3 =	sld [smem:$0x3FFD];
	_ =	sdelay $0x3  }
0x96: {  	_ =	strace s3  }
0x97: {  	_ =	strace $0x8FFFFFFF  }
0x98: {  	s19 =	sld [smem:$0x3FDB];
	_ =	sdelay $0x1  }
0x99: {  	s4 =	simm.s32 $_scs_section_size  }
0x9a: {  	s5 =	simm.s32 $_size__tile_overlayer_lowered;
	s6 =	simm.s32 $_tile_overlayer_lowered  }
0x9b: {  	s22 =	simm.s32 $0x1BFF;
	s21 =	sshll.u32 s6, $0x1;
	s3 =	sadd.s32 s4, s19  }
0x9c: {  	s7 =	simm.s32 $0x0;
	s20 =	sshll.u32 s5, $0x1;
	s5 =	sadd.s32 s21, s3  }
0x9d: {  	[timem:s7], [sflag:s22] =	dma.local [hbm:s5], s20  }
0x9e: {  	_ =	swait.ge [sflag:s22], s20  }
0x9f: {  	s4 =	ssub.s32 $0x0, s20;
	[sflag:s22] =	ssyncset.done $0x0  }
0xa0: {  	[sflag:s22] =	ssyncadd.s32 s4;
	_ =	sdelay $0x1  }
0xa1: {  	s23 =	simm.s32 $0x1B8B  }
0xa2: {  	_ =	swait.ge [sflag:s23], $0x1  }
0xa3: {  	[sflag:s23] =	ssyncset.done $0x0  }
0xa4: {  	s25 =	simm.s32 $0x1B8E;
	s24 =	sld [smem:$0x3FFE];
	[sflag:s23] =	ssyncadd.s32 $0xFFFFFFFF  }
0xa5: {  	s26 =	simm.s32 $execute0_lowered;
	[smem:$0x3FD2] =	sst s25  }
0xa6: {  	s5 =	sshll.u32 s26, $0x1;
	_ =	strace $0x80000052;
	[dreg:$0x1] =	wrdreg $0xFFFFFFFF  }
0xa7: {  	s28 =	simm.s32 $_size_execute0_lowered;
	s3 =	sadd.s32 s3, s5;
	[dreg:$0x0] =	wrdreg $0x0  }
0xa8: {  	s5 =	sshll.u32 s28, $0x1;
	[dreg:$0x2] =	wrdreg s3  }
0xa9: {  	[dreg:$0x3] =	wrdreg s5  }
0xaa: {  	[dreg:$0x4] =	wrdreg $0xC0  }
0xab: {  	_ =	task [dreg:s7], $0x5FFFF  }
0xac: {  	[dreg:$0x1] =	wrdreg $0xFFFFFFFF  }
0xad: {  	[dreg:$0x0] =	wrdreg $0x60  }
0xae: {  	[dreg:$0x2] =	wrdreg s2  }
0xaf: {  	[dreg:$0x3] =	wrdreg s24  }
0xb0: {  	[dreg:$0x4] =	wrdreg $0xDE000  }
0xb1: {  	[dreg:$0x5] =	wrdreg $0x9  }
0xb2: {  	_ =	task.clear_ibuf [dreg:s7], $0x6FFFF;
	_ =	strace $0x90000052  }
0xb3: {  	s29 =	simm.s32 $0x9;
	_ =	strace $0x80000054  }
0xb4: {  	_ =	swait.ge [sflag:s29], $0x1  }
0xb5: {  	[sflag:s29] =	ssyncadd.s32 $0xFFFFFFFF  }
0xb6: {  	_ =	strace $0x90000054  }
0xb7: {  	_ =	sfence  }
0xb8: {  	s30 =	sld [smem:$0x0];
	_ =	sdelay $0x2  }
0xb9: {  	s31 =	sshll.u32 s1, $0xD;
	s1 =	sshrl.u32 s1, $0x2  }
0xba: {  	s3 =	sand.u32 $0x4000, s31;
	s1 =	sadd.s32 s1, s30  }
0xbb: {  	s0 =	sor.u32 s3, s0;
	s1 =	sshll.u32 s1, $0x11  }
0xbc: {  	s0 =	sor.u32 s1, s0  }
0xbd: {  	s0 =	sadd.s32 $0x8F2B, s0  }
0xbe: {  	[sflag:s0] =	ssyncadd.remote.s32 $0x1  }
0xbf: {  	_ =	sfence.sel $0xFFFF  }
0xc0: {  	[dreg:$0x0] =	wrdreg $0xFFFFFFFF;
	(pc) =	sbr.abs _section_cstart, $3  }
0xc1: {  	[dreg:$0x1] =	wrdreg $0xFFFFFFFF  }
0xc2: {  	_ =	task.clear_ibuf [dreg:s7], $0x2FFFF;
	_ =	strace $0x9FFFFFFF  }
0xc3: {  	(tm) =	ssettm $0x7FFFFFFF  }
tec
execute0_lowered:
.L_overlay_start_1:
0x0: {  	(tag) =	ssettag $0x1  }
0x1: {  	s2 =	rddreg [dreg:$0x0]  }
0x2: {  	s0 =	srdreg.scid;
	s6 =	rddreg [dreg:$0x1]  }
0x3: {  	s3 =	rddreg [dreg:$0x2];
	s4 =	simm.s32 $0x0;
	s13 =	simm.s32 $0x9E00  }
0x4: {  	s14 =	simm.s32 $0xBE00;
	s17 =	simm.s32 $0x1;
	s18 =	simm.s32 $0x2  }
0x5: {  	s19 =	simm.s32 $0x9D00;
	s5 =	sand.u32 $0x1, s0;
	s0 =	stileid.u32  }
0x6: {  	s20 =	simm.s32 $0x9D80;
	s21 =	simm.s32 $0x0;
	s8 =	smul.u32 $0x9E0, s0  }
0x7: {  	[smem:$0x7FF] =	sst s4;
	s1 =	sshll.u32 s5, $0x4;
	s9 =	smul.u32 $0x9E00, s0  }
0x8: {  	s10 =	smul.u32 $0x9E000, s5;
	s5 =	ssub.s32 $0x2, s5;
	s15 =	sshll.u32 s0, $0x6  }
0x9: {  	s1 =	sor.u32 s0, s1;
	s12 =	sshrl.u32 s5, $0x1;
	s15 =	sor.u32 $0x1C03, s15  }
0xa: {  	s7 =	smul.u32 $0x9E0, s1;
	s1 =	rddreg [dreg:$0x3];
	_ =	strace $0x80000053  }
0xb: {  	s8 =	sadd.s32 s8, s6;
	s11 =	sshrl.u32 s9, $0x3;
	s10 =	sadd.s32 s9, s10  }
0xc: {  	s12 =	ssub.s32 s5, s12;
	s16 =	sadd.s32 s9, s3;
	s11 =	sadd.s32 s11, s6  }
0xd: {  	s10 =	sshrl.u32 s10, $0x3;
	s9 =	smax.u32 s12, $0x1;
	s12 =	simm.s32 $0x80  }
0xe: {  	s16 =	sshrl.u32 s16, $0x3;
	s7 =	sadd.s32 s7, s6;
	s10 =	sadd.s32 s10, s6  }
0xf: {  	s6 =	sadd.s32 $0x3A00, s8;
	s5 =	sadd.s32 $0xD800, s7;
	s7 =	sadd.s32 $0x21400, s11  }
0x10: {  	s8 =	sadd.s32 $0x35000, s10;
	s10 =	simm.s32 $0x3;
	s11 =	simm.s32 $0x4F00  }
.LBB2_1:
0x11: {  	[tilespmem:s4], [sflag:$0x3] =	stream.linear.gather [hbm4b:s5+s4], $0x4F00, $0x38;
	[tilespmem:$0x17C00] =	vst v63  }
0x12: {  	_ =	swait.ge [sflag:s10], $0x4F00  }
0x13: {  	[sflag:s10] =	ssyncset.done $0x0  }
0x14: {  	[sflag:s10] =	ssyncadd.s32 $0xFFFFB100  }
0x15: {  	[tilespmem:s11], [sflag:$0x3] =	stream.linear.gather [hbm4b:s6+s4], $0x4F00, $0x38;
	[tilespmem:$0x17C00] =	vst v63  }
0x16: {  	_ =	swait.ge [sflag:s10], $0x4F00  }
0x17: {  	[sflag:s10] =	ssyncset.done $0x0  }
0x18: {  	[sflag:s10] =	ssyncadd.s32 $0xFFFFB100  }
0x19: {  	[tilespmem:s13], [sflag:$0x1] =	stream.indirect.gather [hbm4b:s2+s12], $0x40, s4, s12, $0xb8;
	[tilespmem:$0x17C00] =	vst v63  }
0x1a: {  	_ = 	snop  }
0x1b: {  	[tilespmem:s14], [sflag:$0x2] =	stream.indirect.gather [hbm4b:s2+s12], $0x40, s12, s12, $0xb8;
	[tilespmem:$0x17C00] =	vst v63  }
0x1c: {  	[spmem:s16], [sflag:s15] =	dma.local [hbm:s7], $0x13C0  }
0x1d: {  	_ =	swait.ge [sflag:s10], $0x13C0  }
0x1e: {  	[sflag:s10] =	ssyncset.done $0x0  }
0x1f: {  	[sflag:s10] =	ssyncadd.s32 $0xFFFFEC40  }
0x20: {  	[bflag:$0x0] =	sbarrier.arrive $0xFFFF  }
0x21: {  	_ =	swait.ge [sflag:s17], $0x2000  }
0x22: {  	[sflag:s17] =	ssyncset.done $0x0  }
0x23: {  	s22 =	simm.s32 $0x4F00;
	[sflag:s17] =	ssyncadd.s32 $0xFFFFE000  }
0x24: {  	[spmem:s3] =	stream.indirect.scatter.add.f32 [tilespmem:s13], [sflag:$0x3], $0x40, s22, s12, $0xb8;
	[tilespmem:$0x17C00] =	vst v63  }
0x25: {  	_ =	swait.ge [sflag:s10], $0x2000  }
0x26: {  	[sflag:s10] =	ssyncset.done $0x0  }
0x27: {  	s30 =	simm.s32 $0x100;
	[sflag:s10] =	ssyncadd.s32 $0xFFFFE000  }
0x28: {  	[tilespmem:s13], [sflag:$0x1] =	stream.indirect.gather [hbm4b:s2+s12], $0x40, s30, s12, $0xb8;
	[tilespmem:$0x17C00] =	vst v63  }
0x29: {  	_ =	swait.ge [sflag:s18], $0x2000  }
0x2a: {  	[sflag:s18] =	ssyncset.done $0x0  }
0x2b: {  	s31 =	simm.s32 $0x4F80;
	[sflag:s18] =	ssyncadd.s32 $0xFFFFE000  }
0x2c: {  	[spmem:s3] =	stream.indirect.scatter.add.f32 [tilespmem:s14], [sflag:$0x3], $0x40, s31, s12, $0xb8;
	[tilespmem:$0x17C00] =	vst v63  }
0x2d: {  	_ =	swait.ge [sflag:s10], $0x2000  }
0x2e: {  	[sflag:s10] =	ssyncset.done $0x0  }
0x2f: {  	s23 =	simm.s32 $0x180;
	s22 =	simm.s32 $0x400;
	[sflag:s10] =	ssyncadd.s32 $0xFFFFE000  }
.LBB2_2:
0x30: {  	[tilespmem:s14], [sflag:$0x2] =	stream.indirect.gather [hbm4b:s2+s12], $0x40, s23, s12, $0xb8;
	[tilespmem:$0x17C00] =	vst v63  }
0x31: {  	s23 =	smov.u32 s22  }
0x32: {  	p0 =	sne.s32 s22, $0x13400;
	s22 =	sadd.s32 $0x400, s22;
	_ =	swait.ge [sflag:s17], $0x2000  }
0x33: {  	s23 =	sshra.s32 s23, $0x2;
	[sflag:s17] =	ssyncset.done $0x0  }
0x34: {  	s24 =	sadd.s32 $0x4F00, s23;
	[sflag:s17] =	ssyncadd.s32 $0xFFFFE000  }
0x35: {  	[spmem:s3] =	stream.indirect.scatter.add.f32 [tilespmem:s13], [sflag:$0x3], $0x40, s24, s12, $0xb8;
	[tilespmem:$0x17C00] =	vst v63  }
0x36: {  	_ =	swait.ge [sflag:s10], $0x2000  }
0x37: {  	[sflag:s10] =	ssyncset.done $0x0  }
0x38: {  	s24 =	sadd.s32 $0x100, s23;
	[sflag:s10] =	ssyncadd.s32 $0xFFFFE000  }
0x39: {  	[tilespmem:s13], [sflag:$0x1] =	stream.indirect.gather [hbm4b:s2+s12], $0x40, s24, s12, $0xb8;
	[tilespmem:$0x17C00] =	vst v63  }
0x3a: {  	_ =	swait.ge [sflag:s18], $0x2000  }
0x3b: {  	[sflag:s18] =	ssyncset.done $0x0  }
.Ltmp0:
0x3c: {  	s24 =	sadd.s32 $0x4F80, s23;
	[sflag:s18] =	ssyncadd.s32 $0xFFFFE000;
	(pc) =	sbr.rel @p0 .LBB2_2-.Ltmp0, $4  }
0x3d: {  	[spmem:s3] =	stream.indirect.scatter.add.f32 [tilespmem:s14], [sflag:$0x3], $0x40, s24, s12, $0xb8;
	[tilespmem:$0x17C00] =	vst v63  }
0x3e: {  	_ =	swait.ge [sflag:s10], $0x2000  }
0x3f: {  	[sflag:s10] =	ssyncset.done $0x0  }
0x40: {  	s23 =	sadd.s32 $0x180, s23;
	[sflag:s10] =	ssyncadd.s32 $0xFFFFE000  }
0x41: {  	[tilespmem:s14], [sflag:$0x2] =	stream.indirect.gather [hbm4b:s2+s12], $0x40, s23, s12, $0xb8;
	[tilespmem:$0x17C00] =	vst v63  }
0x42: {  	_ =	swait.ge [sflag:s17], $0x2000  }
0x43: {  	[sflag:s17] =	ssyncset.done $0x0  }
0x44: {  	[sflag:s17] =	ssyncadd.s32 $0xFFFFE000  }
0x45: {  	[spmem:s3] =	stream.indirect.scatter.add.f32 [tilespmem:s13], [sflag:$0x3], $0x40, s19, s12, $0xb8;
	[tilespmem:$0x17C00] =	vst v63  }
0x46: {  	_ =	swait.ge [sflag:s10], $0x2000  }
0x47: {  	[sflag:s10] =	ssyncset.done $0x0  }
0x48: {  	[sflag:s10] =	ssyncadd.s32 $0xFFFFE000  }
0x49: {  	_ =	swait.ge [sflag:s18], $0x2000  }
0x4a: {  	[sflag:s18] =	ssyncset.done $0x0  }
0x4b: {  	[sflag:s18] =	ssyncadd.s32 $0xFFFFE000  }
0x4c: {  	[spmem:s3] =	stream.indirect.scatter.add.f32 [tilespmem:s14], [sflag:$0x3], $0x40, s20, s12, $0xb8;
	[tilespmem:$0x17C00] =	vst v63  }
0x4d: {  	_ =	swait.ge [sflag:s10], $0x2000  }
0x4e: {  	s21 =	sadd.s32 $0x1, s21;
	[sflag:s10] =	ssyncset.done $0x0  }
0x4f: {  	p0 =	sne.s32 s21, s9;
	[sflag:s10] =	ssyncadd.s32 $0xFFFFE000  }
.Ltmp1:
0x50: {  	[bflag:$0x0] =	sbarrier.arrive $0xFFFF;
	(pc) =	sbr.rel @p0 .LBB2_1-.Ltmp1, $4  }
0x51: {  	[hbm:s8], [sflag:s15] =	dma.local [spmem:s16], $0x13C0  }
0x52: {  	_ =	swait.ge [sflag:s10], $0x13C0  }
0x53: {  	[sflag:s10] =	ssyncset.done $0x0  }
0x54: {  	[sflag:s10] =	ssyncadd.s32 $0xFFFFEC40  }
0x55: {  	_ =	sfence.sel $0x180000  }
0x56: {  	[bflag:$0x0] =	sbarrier.arrive $0xFFFF  }
0x57: {  	p0 =	sne.s32 s0, $0x0;
	_ =	strace $0x90000053  }
0x58: {  	s0 =	sadd.s32 @!p0 $0x100000, s1;
	[bflag:$0x2] =	sbarrier.arrive $0xFFFF  }
0x59: {  	[sflag:s0] =	ssyncadd.tile.s32 @!p0 $0x1;
	_ =	shalt  }
.Lfunc_end2:
_tile_overlayer_lowered:
.L_overlay_start_2:
0x5a: {  	(tag) =	ssettag $0x2  }
0x5b: {  	s0 =	rddreg [dreg:$0x0];
	s2 =	stileid.u32  }
0x5c: {  	s1 =	rddreg [dreg:$0x1];
	p0 =	sne.s32 s2, $0x0  }
0x5d: {  	s3 =	rddreg [dreg:$0x2];
	[bflag:$0x3] =	sbarrier.arrive $0xFFFF;
	s2 =	simm.s32 @!p0 $0x1C03  }
0x5e: {  	[timem:s3], [sflag:s2] =	dma.local @!p0 [hbm:s0], s1  }
0x5f: {  	s0 =	simm.s32 @!p0 $0x3  }
0x60: {  	_ =	swait.ge @!p0 [sflag:s0], s1  }
0x61: {  	s1 =	ssub.s32 @!p0 $0x0, s1;
	[sflag:s0] =	ssyncset.done @!p0 $0x0  }
0x62: {  	[sflag:s0] =	ssyncadd.s32 @!p0 s1  }
0x63: {  	[bflag:$0x3] =	sbarrier.arrive $0xFFFF  }
0x64: {  	_ =	shalt  }

</sc_bundles>
